<compile_context>
chip_gen: v7x
topology: tpu7x:2x2x1
jax: 0.10.2.dev20260603
libtpu: 0.0.44.dev20260713+nightly
codegen_flags: <defaults>
</compile_context>

<pallas_src>
import functools
import jax
import jax.numpy as jnp
from jax import lax
from jax.experimental import pallas as pl
from jax.experimental.pallas import tpu as pltpu
from jax.experimental.pallas import tpu_sc as plsc

_N = 50000
_E = 800000
_EB = 128
_NSUB = 16
_NCORE = 2
_EPAD = 802816
_EC = _EPAD // _NCORE
_TB_SPLIT = _EC // (_NSUB * _EB)
_TB_ALL = _EPAD // (_NSUB * _EB)
_NP = 50176
_RPT = _NP // _NSUB
_RB = 1000
_G = _N // _RB

_mesh = plsc.VectorSubcoreMesh(core_axis_name="c", subcore_axis_name="s")
_sc_params = pltpu.CompilerParams(use_tc_tiling_on_sc=False)


def _wid(): return lax.axis_index("s")


def _cid(): return lax.axis_index("c")


@functools.partial(
    pl.kernel, mesh=_mesh, compiler_params=_sc_params,
    out_type=jax.ShapeDtypeStruct((_NCORE, _NP, 16), jnp.float32),
    scratch_types=[
        pltpu.VMEM((_EB,), jnp.int32),
        pltpu.VMEM((_EB, 16), jnp.float32),
        pltpu.VMEM_SHARED((_NP, 16), jnp.float32),
    ],
)
def _sc_deg(dst_hbm, ones_hbm, z_hbm, out_hbm, idxd, ones_v, acc):
    sid, cid = _wid(), _cid()
    r0 = sid * _RPT
    pltpu.sync_copy(ones_hbm, ones_v)
    pltpu.sync_copy(z_hbm.at[pl.ds(r0, _RPT)], acc.at[pl.ds(r0, _RPT)])
    plsc.subcore_barrier()
    e0 = cid * _EC + sid * (_TB_SPLIT * _EB)

    def body(b, carry):
        base = e0 + b * _EB
        pltpu.sync_copy(dst_hbm.at[pl.ds(base, _EB)], idxd)
        pltpu.sync_copy(ones_v, acc.at[idxd], add=True)
        return carry

    lax.fori_loop(0, _TB_SPLIT, body, 0)
    plsc.subcore_barrier()
    pltpu.sync_copy(acc.at[pl.ds(r0, _RPT)], out_hbm.at[cid, pl.ds(r0, _RPT)])


@functools.partial(
    pl.kernel, mesh=_mesh, compiler_params=_sc_params,
    out_type=jax.ShapeDtypeStruct((_NCORE, _NP, 16), jnp.float32),
    scratch_types=[
        pltpu.VMEM((_EB,), jnp.int32),
        pltpu.VMEM((_EB,), jnp.int32),
        pltpu.VMEM((_EB,), jnp.int32),
        pltpu.VMEM((_EB,), jnp.int32),
        pltpu.VMEM((_EB, 16), jnp.float32),
        pltpu.VMEM((_EB, 16), jnp.float32),
        pltpu.VMEM_SHARED((_NP, 16), jnp.float32),
        pltpu.SemaphoreType.DMA,
        pltpu.SemaphoreType.DMA,
    ],
)
def _sc_agg16(src_hbm, dst_hbm, tab_hbm, z_hbm, out_hbm,
              idxs_a, idxd_a, idxs_b, idxd_b, rows_a, rows_b, acc,
              sem_a, sem_b):
    sid, cid = _wid(), _cid()
    r0 = sid * _RPT
    pltpu.sync_copy(z_hbm.at[pl.ds(r0, _RPT)], acc.at[pl.ds(r0, _RPT)])
    plsc.subcore_barrier()
    e0 = cid * _EC + sid * (_TB_SPLIT * _EB)
    np2 = _TB_SPLIT // 2

    pltpu.sync_copy(src_hbm.at[pl.ds(e0, _EB)], idxs_a)
    pltpu.sync_copy(dst_hbm.at[pl.ds(e0, _EB)], idxd_a)
    pltpu.async_copy(tab_hbm.at[idxs_a], rows_a, sem_a)

    def body(p, carry):
        b1 = e0 + (2 * p + 1) * _EB
        pltpu.sync_copy(src_hbm.at[pl.ds(b1, _EB)], idxs_b)
        pltpu.sync_copy(dst_hbm.at[pl.ds(b1, _EB)], idxd_b)
        pltpu.async_copy(tab_hbm.at[idxs_b], rows_b, sem_b)
        pltpu.make_async_copy(tab_hbm.at[idxs_a], rows_a, sem_a).wait()
        pltpu.sync_copy(rows_a, acc.at[idxd_a], add=True)

        @pl.when(p < np2 - 1)
        def _():
            b2 = e0 + (2 * p + 2) * _EB
            pltpu.sync_copy(src_hbm.at[pl.ds(b2, _EB)], idxs_a)
            pltpu.sync_copy(dst_hbm.at[pl.ds(b2, _EB)], idxd_a)
            pltpu.async_copy(tab_hbm.at[idxs_a], rows_a, sem_a)

        pltpu.make_async_copy(tab_hbm.at[idxs_b], rows_b, sem_b).wait()
        pltpu.sync_copy(rows_b, acc.at[idxd_b], add=True)
        return carry

    lax.fori_loop(0, np2, body, 0)
    plsc.subcore_barrier()
    pltpu.sync_copy(acc.at[pl.ds(r0, _RPT)], out_hbm.at[cid, pl.ds(r0, _RPT)])


@functools.partial(
    pl.kernel, mesh=_mesh, compiler_params=_sc_params,
    out_type=jax.ShapeDtypeStruct((_NCORE, _NP, 32), jnp.float32),
    scratch_types=[
        pltpu.VMEM((_EB,), jnp.int32),
        pltpu.VMEM((_EB,), jnp.int32),
        pltpu.VMEM((_EB,), jnp.int32),
        pltpu.VMEM((_EB,), jnp.int32),
        pltpu.VMEM((_EB, 32), jnp.float32),
        pltpu.VMEM((_EB, 32), jnp.float32),
        pltpu.VMEM_SHARED((_NP, 32), jnp.float32),
        pltpu.SemaphoreType.DMA,
        pltpu.SemaphoreType.DMA,
    ],
)
def _sc_agg64(src_hbm, dst_hbm, tlo_hbm, thi_hbm, z_hbm, out_hbm,
              idxs_a, idxd_a, idxs_b, idxd_b, rows_a, rows_b, acc,
              sem_a, sem_b):
    sid, cid = _wid(), _cid()
    r0 = sid * _RPT
    pltpu.sync_copy(z_hbm.at[pl.ds(r0, _RPT)], acc.at[pl.ds(r0, _RPT)])
    plsc.subcore_barrier()
    e0 = sid * (_TB_ALL * _EB)
    np2 = _TB_ALL // 2

    def fire(idxs, rows, sem):
        @pl.when(cid == 0)
        def _():
            pltpu.async_copy(tlo_hbm.at[idxs], rows, sem)

        @pl.when(cid == 1)
        def _():
            pltpu.async_copy(thi_hbm.at[idxs], rows, sem)

    pltpu.sync_copy(src_hbm.at[pl.ds(e0, _EB)], idxs_a)
    pltpu.sync_copy(dst_hbm.at[pl.ds(e0, _EB)], idxd_a)
    fire(idxs_a, rows_a, sem_a)

    def body(p, carry):
        b1 = e0 + (2 * p + 1) * _EB
        pltpu.sync_copy(src_hbm.at[pl.ds(b1, _EB)], idxs_b)
        pltpu.sync_copy(dst_hbm.at[pl.ds(b1, _EB)], idxd_b)
        fire(idxs_b, rows_b, sem_b)
        pltpu.make_async_copy(tlo_hbm.at[idxs_a], rows_a, sem_a).wait()
        pltpu.sync_copy(rows_a, acc.at[idxd_a], add=True)

        @pl.when(p < np2 - 1)
        def _():
            b2 = e0 + (2 * p + 2) * _EB
            pltpu.sync_copy(src_hbm.at[pl.ds(b2, _EB)], idxs_a)
            pltpu.sync_copy(dst_hbm.at[pl.ds(b2, _EB)], idxd_a)
            fire(idxs_a, rows_a, sem_a)

        pltpu.make_async_copy(tlo_hbm.at[idxs_b], rows_b, sem_b).wait()
        pltpu.sync_copy(rows_b, acc.at[idxd_b], add=True)
        return carry

    lax.fori_loop(0, np2, body, 0)
    plsc.subcore_barrier()
    pltpu.sync_copy(acc.at[pl.ds(r0, _RPT)], out_hbm.at[cid, pl.ds(r0, _RPT)])


@functools.partial(
    pl.kernel, mesh=_mesh, compiler_params=_sc_params,
    out_type=[jax.ShapeDtypeStruct((_NCORE, _NP, 16), jnp.float32),
              jax.ShapeDtypeStruct((_NCORE, _NP, 16), jnp.float32)],
    scratch_types=[
        pltpu.VMEM((_EB,), jnp.int32),
        pltpu.VMEM((_EB,), jnp.int32),
        pltpu.VMEM((_EB,), jnp.int32),
        pltpu.VMEM((_EB,), jnp.int32),
        pltpu.VMEM((_EB, 16), jnp.float32),
        pltpu.VMEM((_EB, 16), jnp.float32),
        pltpu.VMEM((_EB, 16), jnp.float32),
        pltpu.VMEM((_EB, 16), jnp.float32),
        pltpu.VMEM((_EB, 16), jnp.float32),
        pltpu.VMEM((_EB, 16), jnp.float32),
        pltpu.VMEM((_EB, 16), jnp.float32),
        pltpu.VMEM((_EB, 16), jnp.float32),
        pltpu.VMEM((16,), jnp.float32),
        pltpu.VMEM((16,), jnp.float32),
        pltpu.VMEM_SHARED((_NP, 16), jnp.float32),
        pltpu.VMEM_SHARED((_NP, 16), jnp.float32),
        pltpu.SemaphoreType.DMA,
        pltpu.SemaphoreType.DMA,
    ],
)
def _sc_attn(src_hbm, dst_hbm, q_hbm, k_hbm, v_hbm, mq_hbm, mk_hbm, z_hbm,
             oe_hbm, oev_hbm,
             idxs_a, idxd_a, idxs_b, idxd_b, qr_a, kr_a, vr_a,
             qr_b, kr_b, vr_b, eb, evb, mq, mk, acc_e, acc_ev,
             sem_a, sem_b):
    sid, cid = _wid(), _cid()
    r0 = sid * _RPT
    pltpu.sync_copy(mq_hbm, mq)
    pltpu.sync_copy(mk_hbm, mk)
    pltpu.sync_copy(z_hbm.at[pl.ds(r0, _RPT)], acc_e.at[pl.ds(r0, _RPT)])
    pltpu.sync_copy(z_hbm.at[pl.ds(r0, _RPT)], acc_ev.at[pl.ds(r0, _RPT)])
    plsc.subcore_barrier()
    bvec = mq[...] * mk[...]
    e0 = cid * _EC + sid * (_TB_SPLIT * _EB)
    np2 = _TB_SPLIT // 2

    def fire(idxs, idxd, qr, kr, vr, sem):
        pltpu.async_copy(q_hbm.at[idxd], qr, sem)
        pltpu.async_copy(k_hbm.at[idxs], kr, sem)
        pltpu.async_copy(v_hbm.at[idxs], vr, sem)

    def drain(qr, kr, vr, sem):
        pltpu.make_async_copy(q_hbm.at[idxs_a], qr, sem).wait()
        pltpu.make_async_copy(q_hbm.at[idxs_a], kr, sem).wait()
        pltpu.make_async_copy(q_hbm.at[idxs_a], vr, sem).wait()

    def load_idx(base, idxs, idxd):
        pltpu.sync_copy(src_hbm.at[pl.ds(base, _EB)], idxs)
        pltpu.sync_copy(dst_hbm.at[pl.ds(base, _EB)], idxd)

    def compute_scatter(qr, kr, vr, idxd):
        def inner(jj, c):
            for u in range(4):
                j = 4 * jj + u
                e = jnp.exp(qr[j] * kr[j] - bvec)
                eb[j] = e
                evb[j] = e * vr[j]
            return c

        lax.fori_loop(0, _EB // 4, inner, 0)
        pltpu.sync_copy(eb, acc_e.at[idxd], add=True)
        pltpu.sync_copy(evb, acc_ev.at[idxd], add=True)

    load_idx(e0, idxs_a, idxd_a)
    fire(idxs_a, idxd_a, qr_a, kr_a, vr_a, sem_a)

    def body(p, carry):
        load_idx(e0 + (2 * p + 1) * _EB, idxs_b, idxd_b)
        fire(idxs_b, idxd_b, qr_b, kr_b, vr_b, sem_b)
        drain(qr_a, kr_a, vr_a, sem_a)
        compute_scatter(qr_a, kr_a, vr_a, idxd_a)

        @pl.when(p < np2 - 1)
        def _():
            load_idx(e0 + (2 * p + 2) * _EB, idxs_a, idxd_a)
            fire(idxs_a, idxd_a, qr_a, kr_a, vr_a, sem_a)

        drain(qr_b, kr_b, vr_b, sem_b)
        compute_scatter(qr_b, kr_b, vr_b, idxd_b)
        return carry

    lax.fori_loop(0, np2, body, 0)
    plsc.subcore_barrier()
    pltpu.sync_copy(acc_e.at[pl.ds(r0, _RPT)], oe_hbm.at[cid, pl.ds(r0, _RPT)])
    pltpu.sync_copy(acc_ev.at[pl.ds(r0, _RPT)],
                    oev_hbm.at[cid, pl.ds(r0, _RPT)])


def _ln(x, g, b):
    m = jnp.mean(x, axis=-1, keepdims=True)
    v = jnp.mean((x - m) * (x - m), axis=-1, keepdims=True)
    return (x - m) * lax.rsqrt(v + 1e-5) * g + b


def _t0_body(deg_ref, x_ref, dinv_ref, xs_ref):
    d = deg_ref[0, :, :1] + deg_ref[1, :, :1] + 1.0
    di = lax.rsqrt(d)
    dinv_ref[...] = di
    xs_ref[...] = jnp.concatenate(
        [di * x_ref[...], jnp.zeros((_RB, 8), jnp.float32)], axis=1)


def _t1_body(p1_ref, xs_ref, dinv_ref, w1_ref, b1_ref, lo_ref, hi_ref):
    di = dinv_ref[...]
    agg16 = di * (p1_ref[0] + p1_ref[1] + xs_ref[...])
    h1 = jax.nn.relu(agg16[:, :8] @ w1_ref[...] + b1_ref[...])
    h1s = di * h1
    lo_ref[...] = h1s[:, :32]
    hi_ref[...] = h1s[:, 32:]


def _t2_body(p2_ref, lo_ref, hi_ref, dinv_ref, w2_ref, b2_ref, w3_ref,
             b3_ref, wq_ref, bq_ref, wk_ref, bk_ref, wv_ref, bv_ref,
             h_ref, q_ref, k_ref, v_ref, mq_ref, mk_ref):
    di = dinv_ref[...]
    agg64 = di * (jnp.concatenate([p2_ref[0], p2_ref[1]], axis=1)
                  + jnp.concatenate([lo_ref[...], hi_ref[...]], axis=1))
    h2 = jax.nn.relu(agg64 @ w2_ref[...] + b2_ref[...])
    h = h2 @ w3_ref[...] + b3_ref[...]
    q = h @ wq_ref[...] + bq_ref[...]
    k = h @ wk_ref[...] + bk_ref[...]
    v = h @ wv_ref[...] + bv_ref[...]
    z = jnp.zeros((_RB, 11), jnp.float32)
    h_ref[...] = h
    q_ref[...] = jnp.concatenate([q, z], axis=1)
    k_ref[...] = jnp.concatenate([k, z], axis=1)
    v_ref[...] = jnp.concatenate([v, z], axis=1)
    z1 = jnp.zeros((1, 11), jnp.float32)
    qm = jnp.concatenate([jnp.max(jnp.abs(q), axis=0, keepdims=True), z1], 1)
    km = jnp.concatenate([jnp.max(jnp.abs(k), axis=0, keepdims=True), z1], 1)
    i = pl.program_id(0)

    @pl.when(i == 0)
    def _():
        mq_ref[...] = qm
        mk_ref[...] = km

    @pl.when(i > 0)
    def _():
        mq_ref[...] = jnp.maximum(mq_ref[...], qm)
        mk_ref[...] = jnp.maximum(mk_ref[...], km)


def _t3_body(oe_ref, oev_ref, h_ref, q_ref, k_ref, v_ref, mq_ref, mk_ref,
             wo_ref, bo_ref, g1_ref, be1_ref, wf1_ref, bf1_ref, wf2_ref,
             bf2_ref, g2_ref, be2_ref, out_ref):
    bvec = mq_ref[...] * mk_ref[...]
    es = jnp.exp(q_ref[...] * k_ref[...] - bvec)
    s5 = oe_ref[0, :, :5] + oe_ref[1, :, :5] + es[:, :5]
    ev5 = (oev_ref[0, :, :5] + oev_ref[1, :, :5]
           + es[:, :5] * v_ref[...][:, :5])
    ctx = ev5 / s5
    o = ctx @ wo_ref[...] + bo_ref[...]
    h1n = _ln(h_ref[...] + o, g1_ref[...], be1_ref[...])
    ff = jax.nn.relu(h1n @ wf1_ref[...] + bf1_ref[...]) @ wf2_ref[...] \
        + bf2_ref[...]
    out_ref[...] = _ln(h1n + ff, g2_ref[...], be2_ref[...])


def _row_bs(width):
    return pl.BlockSpec((_RB, width), lambda i: (i, 0))


def _pair_bs(width):
    return pl.BlockSpec((2, _RB, width), lambda i: (0, i, 0))


def _full_bs(shape):
    nd = len(shape)
    return pl.BlockSpec(shape, lambda i: (0,) * nd)


def _tc_call(body, in_specs, out_specs, out_shapes):
    return pl.pallas_call(
        body, grid=(_G,), in_specs=in_specs, out_specs=out_specs,
        out_shape=out_shapes)


def kernel(x, edge_index, batch, W1, b1, W2, b2, W3, b3, Wq, bq, Wk, bk,
           Wv, bv, Wo, bo, ln1_g, ln1_b, Wf1, bf1, Wf2, bf2, ln2_g, ln2_b):
    f32 = jnp.float32
    src = jnp.concatenate(
        [edge_index[0], jnp.zeros((_EPAD - _E,), jnp.int32)])
    dst = jnp.concatenate(
        [edge_index[1], jnp.full((_EPAD - _E,), _N, jnp.int32)])
    ones128 = jnp.ones((_EB, 16), f32)
    z16 = jnp.zeros((_NP, 16), f32)
    z32 = jnp.zeros((_NP, 32), f32)
    b1r = b1.reshape(1, -1)
    b2r = b2.reshape(1, -1)
    b3r = b3.reshape(1, -1)
    bqr, bkr, bvr, bor = (t.reshape(1, -1) for t in (bq, bk, bv, bo))
    bf1r, bf2r = bf1.reshape(1, -1), bf2.reshape(1, -1)
    g1r, be1r = ln1_g.reshape(1, -1), ln1_b.reshape(1, -1)
    g2r, be2r = ln2_g.reshape(1, -1), ln2_b.reshape(1, -1)

    deg2 = _sc_deg(dst, ones128, z16)

    dinv, xs16 = _tc_call(
        _t0_body,
        [_pair_bs(16), _row_bs(8)],
        [_row_bs(1), _row_bs(16)],
        [jax.ShapeDtypeStruct((_N, 1), f32),
         jax.ShapeDtypeStruct((_N, 16), f32)],
    )(deg2[:, :_N], x)

    p1 = _sc_agg16(src, dst, xs16, z16)

    h1lo, h1hi = _tc_call(
        _t1_body,
        [_pair_bs(16), _row_bs(16), _row_bs(1), _full_bs((8, 64)),
         _full_bs((1, 64))],
        [_row_bs(32), _row_bs(32)],
        [jax.ShapeDtypeStruct((_N, 32), f32),
         jax.ShapeDtypeStruct((_N, 32), f32)],
    )(p1[:, :_N], xs16, dinv, W1, b1r)

    p2 = _sc_agg64(src, dst, h1lo, h1hi, z32)

    h5, q16, k16, v16, mq, mk = _tc_call(
        _t2_body,
        [_pair_bs(32), _row_bs(32), _row_bs(32), _row_bs(1),
         _full_bs((64, 150)), _full_bs((1, 150)), _full_bs((150, 5)),
         _full_bs((1, 5)), _full_bs((5, 5)), _full_bs((1, 5)),
         _full_bs((5, 5)), _full_bs((1, 5)), _full_bs((5, 5)),
         _full_bs((1, 5))],
        [_row_bs(5), _row_bs(16), _row_bs(16), _row_bs(16),
         _full_bs((1, 16)), _full_bs((1, 16))],
        [jax.ShapeDtypeStruct((_N, 5), f32),
         jax.ShapeDtypeStruct((_N, 16), f32),
         jax.ShapeDtypeStruct((_N, 16), f32),
         jax.ShapeDtypeStruct((_N, 16), f32),
         jax.ShapeDtypeStruct((1, 16), f32),
         jax.ShapeDtypeStruct((1, 16), f32)],
    )(p2[:, :_N], h1lo, h1hi, dinv, W2, b2r, W3, b3r, Wq, bqr, Wk, bkr,
      Wv, bvr)

    oe, oev = _sc_attn(src, dst, q16, k16, v16, mq.reshape(16),
                       mk.reshape(16), z16)

    out = _tc_call(
        _t3_body,
        [_pair_bs(16), _pair_bs(16), _row_bs(5), _row_bs(16), _row_bs(16),
         _row_bs(16), _full_bs((1, 16)), _full_bs((1, 16)),
         _full_bs((5, 5)), _full_bs((1, 5)), _full_bs((1, 5)),
         _full_bs((1, 5)), _full_bs((5, 64)), _full_bs((1, 64)),
         _full_bs((64, 5)), _full_bs((1, 5)), _full_bs((1, 5)),
         _full_bs((1, 5))],
        [_row_bs(5)],
        [jax.ShapeDtypeStruct((_N, 5), f32)],
    )(oe[:, :_N], oev[:, :_N], h5, q16, k16, v16, mq, mk, Wo, bor, g1r,
      be1r, Wf1, bf1r, Wf2, bf2r, g2r, be2r)
    return out[0]

# --- scband reference (transcript-rebuilt; emitter-appended) ---
"""Pipeline reference for scband-model-4423816314916 (READ-ONLY COPY).

The authoritative reference and input builder live on the scoring server;
editing this copy changes nothing except your own understanding.
"""

import jax, jax.numpy as jnp
import numpy as np

N = 50000
E = 800000

def _glorot(k, shape):
    lim = float(np.sqrt(6.0 / (shape[0] + shape[1])))
    return jax.random.uniform(k, shape, jnp.float32, -lim, lim)

def setup_inputs(seed: int = 0):
    key = jax.random.key(seed)
    ks = jax.random.split(key, 16)
    inp = {}
    inp['x'] = jax.random.normal(ks[0], (N, 8), dtype=jnp.float32)
    inp['edge_index'] = jax.random.randint(ks[1], (2, E), 0, N, dtype=jnp.int32)
    inp['batch'] = jnp.zeros((N,), dtype=jnp.int32)
    inp['W1'] = _glorot(ks[2], (8, 64)); inp['b1'] = jnp.zeros((64,), jnp.float32)
    inp['W2'] = _glorot(ks[3], (64, 150)); inp['b2'] = jnp.zeros((150,), jnp.float32)
    inp['W3'] = _glorot(ks[4], (150, 5)); inp['b3'] = jnp.zeros((5,), jnp.float32)
    inp['Wq'] = _glorot(ks[5], (5, 5)); inp['bq'] = jnp.zeros((5,), jnp.float32)
    inp['Wk'] = _glorot(ks[6], (5, 5)); inp['bk'] = jnp.zeros((5,), jnp.float32)
    inp['Wv'] = _glorot(ks[7], (5, 5)); inp['bv'] = jnp.zeros((5,), jnp.float32)
    inp['Wo'] = _glorot(ks[8], (5, 5)); inp['bo'] = jnp.zeros((5,), jnp.float32)
    inp['ln1_g'] = jnp.ones((5,), jnp.float32); inp['ln1_b'] = jnp.zeros((5,), jnp.float32)
    inp['Wf1'] = _glorot(ks[9], (5, 64)); inp['bf1'] = jnp.zeros((64,), jnp.float32)
    inp['Wf2'] = _glorot(ks[10], (64, 5)); inp['bf2'] = jnp.zeros((5,), jnp.float32)
    inp['ln2_g'] = jnp.ones((5,), jnp.float32); inp['ln2_b'] = jnp.zeros((5,), jnp.float32)
    return inp

def _layernorm(x, g, b):
    m = jnp.mean(x, axis=-1, keepdims=True)
    v = jnp.var(x, axis=-1, keepdims=True)
    return (x - m) * jax.lax.rsqrt(v + 1e-5) * g + b

def _gcn(x, w, b, src, dst, n):
    h = x @ w
    deg = jnp.zeros((n,), h.dtype).at[dst].add(1.0)
    dinv = jnp.where(deg > 0, jax.lax.rsqrt(jnp.maximum(deg, 1e-12)), 0.0)
    norm = dinv[src] * dinv[dst]
    agg = jnp.zeros((n, h.shape[1]), h.dtype).at[dst].add(norm[:, None] * h[src])
    return agg + b

def _forward(x, edge_index, W1, b1, W2, b2, W3, b3, Wq, bq, Wk, bk, Wv, bv, Wo, bo, ln1_g, ln1_b, Wf1, bf1, Wf2, bf2, ln2_g, ln2_b):
    n = x.shape[0]
    loop = jnp.arange(n, dtype=edge_index.dtype)
    src = jnp.concatenate([edge_index[0], loop])
    dst = jnp.concatenate([edge_index[1], loop])
    h = jax.nn.relu(_gcn(x, W1, b1, src, dst, n))
    h = jax.nn.relu(_gcn(h, W2, b2, src, dst, n))
    h = h @ W3 + b3
    H, dh = 5, 1
    q = (h @ Wq + bq).reshape(n, H, dh)
    k = (h @ Wk + bk).reshape(n, H, dh)
    v = (h @ Wv + bv).reshape(n, H, dh)
    scores = jnp.sum(q[dst] * k[src], axis=-1) / jnp.sqrt(float(dh))
    mx = jax.ops.segment_max(scores, dst, num_segments=n)
    e = jnp.exp(scores - mx[dst])
    s = jax.ops.segment_sum(e, dst, num_segments=n)
    attn = e / s[dst]
    ctx = jax.ops.segment_sum(attn[:, :, None] * v[src], dst, num_segments=n).reshape(n, H * dh)
    o = ctx @ Wo + bo
    h1 = _layernorm(h + o, ln1_g, ln1_b)
    ff = jax.nn.relu(h1 @ Wf1 + bf1) @ Wf2 + bf2
    return _layernorm(h1 + ff, ln2_g, ln2_b)

def reference(x, edge_index, batch, W1, b1, W2, b2, W3, b3, Wq, bq, Wk, bk, Wv, bv, Wo, bo, ln1_g, ln1_b, Wf1, bf1, Wf2, bf2, ln2_g, ln2_b):
    return _forward(x, edge_index, W1, b1, W2, b2, W3, b3, Wq, bq, Wk, bk, Wv, bv, Wo, bo, ln1_g, ln1_b, Wf1, bf1, Wf2, bf2, ln2_g, ln2_b)

if __name__ == "__main__":
    import jax
    _d = setup_inputs()
    print(jax.jit(kernel)(*tuple(_d.values())))

</pallas_src>

<mosaic_0001>
#map = affine_map<(d0, d1) -> (0)>
#map1 = affine_map<(d0, d1) -> (0, 0)>
#map2 = affine_map<(d0, d1) -> (0, 0, 0)>
module attributes {stable_mosaic.version = 14 : i64} {
  func.func @_sc_agg64(%arg0: i32, %arg1: i32, %arg2: memref<802816xi32, #tpu.memory_space<hbm>>, %arg3: memref<802816xi32, #tpu.memory_space<hbm>>, %arg4: memref<50000x32xf32, #tpu.memory_space<hbm>>, %arg5: memref<50000x32xf32, #tpu.memory_space<hbm>>, %arg6: memref<50176x32xf32, #tpu.memory_space<hbm>>, %arg7: memref<2x50176x32xf32, #tpu.memory_space<hbm>>, %arg8: memref<128xi32, #tpu.memory_space<vmem>>, %arg9: memref<128xi32, #tpu.memory_space<vmem>>, %arg10: memref<128xi32, #tpu.memory_space<vmem>>, %arg11: memref<128xi32, #tpu.memory_space<vmem>>, %arg12: memref<128x32xf32, #tpu.memory_space<vmem>>, %arg13: memref<128x32xf32, #tpu.memory_space<vmem>>, %arg14: memref<50176x32xf32, #tpu.memory_space<vmem_shared>>, %arg15: memref<!tpu.dma_semaphore, #tpu.memory_space<semaphore_mem>>, %arg16: memref<!tpu.dma_semaphore, #tpu.memory_space<semaphore_mem>>) attributes {dimension_semantics = [#tpu.dimension_semantics<core_parallel>, #tpu.dimension_semantics<subcore_parallel>], iteration_bounds = array<i64: 2, 16>, scalar_prefetch = 0 : i64, scratch_operands = 9 : i64, tpu.core_type = #tpu.core_type<sc_vector_subcore>, window_params = [{transform_indices = #map}, {transform_indices = #map}, {transform_indices = #map1}, {transform_indices = #map1}, {transform_indices = #map1}, {transform_indices = #map2}]} {
    %mul3A = arith.constant 3136 : i32
    %mul3A_0 = arith.muli %arg1, %mul3A : i32
    "tpu.region"() ({
      %run_scoped3A = tpu.sem_alloc : memref<!tpu.dma_semaphore, #tpu.memory_space<semaphore_mem>>
      %dma_start3A = arith.constant 0 : i32
      %dma_start3A_16 = tpu.memref_slice %arg14[%mul3A_0, %dma_start3A] : memref<50176x32xf32, #tpu.memory_space<vmem_shared>> -> memref<3136x32xf32, #tpu.memory_space<vmem_shared>>
      %dma_start3A_17 = arith.constant 0 : i32
      %dma_start3A_18 = tpu.memref_slice %arg6[%mul3A_0, %dma_start3A_17] : memref<50176x32xf32, #tpu.memory_space<hbm>> -> memref<3136x32xf32, #tpu.memory_space<hbm>>
      tpu.enqueue_dma source(%dma_start3A_18 : memref<3136x32xf32, #tpu.memory_space<hbm>>) target(%dma_start3A_16 : memref<3136x32xf32, #tpu.memory_space<vmem_shared>>) target_semaphore(%run_scoped3A : memref<!tpu.dma_semaphore, #tpu.memory_space<semaphore_mem>>)
      %dma_wait3A = arith.constant 0 : i32
      %dma_wait3A_19 = tpu.memref_slice %arg14[%mul3A_0, %dma_wait3A] : memref<50176x32xf32, #tpu.memory_space<vmem_shared>> -> memref<3136x32xf32, #tpu.memory_space<vmem_shared>>
      %dma_wait3A_20 = arith.constant 0 : i32
      %dma_wait3A_21 = tpu.memref_slice %arg6[%mul3A_0, %dma_wait3A_20] : memref<50176x32xf32, #tpu.memory_space<hbm>> -> memref<3136x32xf32, #tpu.memory_space<hbm>>
      tpu.wait_dma2 semaphore(%run_scoped3A : memref<!tpu.dma_semaphore, #tpu.memory_space<semaphore_mem>>) src(%dma_wait3A_21 : memref<3136x32xf32, #tpu.memory_space<hbm>>) dst(%dma_wait3A_19 : memref<3136x32xf32, #tpu.memory_space<vmem_shared>>)
      tpu.yield
    }) : () -> ()
    %barrier3A = arith.constant 0 : index
    tpu.barrier barrier_id(%barrier3A)
    %mul3A_1 = arith.constant 50176 : i32
    %mul3A_2 = arith.muli %arg1, %mul3A_1 : i32
    "tpu.region"() ({
      %run_scoped3A = tpu.sem_alloc : memref<!tpu.dma_semaphore, #tpu.memory_space<semaphore_mem>>
      %dma_start3A = tpu.memref_slice %arg2[%mul3A_2] : memref<802816xi32, #tpu.memory_space<hbm>> -> memref<128xi32, #tpu.memory_space<hbm>>
      %dma_start3A_16 = tpu.memref_slice %arg2[%mul3A_2] : memref<802816xi32, #tpu.memory_space<hbm>> -> memref<128xi32, #tpu.memory_space<hbm>>
      tpu.enqueue_dma source(%dma_start3A_16 : memref<128xi32, #tpu.memory_space<hbm>>) target(%arg8 : memref<128xi32, #tpu.memory_space<vmem>>) target_semaphore(%run_scoped3A : memref<!tpu.dma_semaphore, #tpu.memory_space<semaphore_mem>>)
      %dma_wait3A = tpu.memref_slice %arg2[%mul3A_2] : memref<802816xi32, #tpu.memory_space<hbm>> -> memref<128xi32, #tpu.memory_space<hbm>>
      %dma_wait3A_17 = tpu.memref_slice %arg2[%mul3A_2] : memref<802816xi32, #tpu.memory_space<hbm>> -> memref<128xi32, #tpu.memory_space<hbm>>
      tpu.wait_dma2 semaphore(%run_scoped3A : memref<!tpu.dma_semaphore, #tpu.memory_space<semaphore_mem>>) src(%dma_wait3A_17 : memref<128xi32, #tpu.memory_space<hbm>>) dst(%arg8 : memref<128xi32, #tpu.memory_space<vmem>>)
      tpu.yield
    }) : () -> ()
    "tpu.region"() ({
      %run_scoped3A = tpu.sem_alloc : memref<!tpu.dma_semaphore, #tpu.memory_space<semaphore_mem>>
      %dma_start3A = tpu.memref_slice %arg3[%mul3A_2] : memref<802816xi32, #tpu.memory_space<hbm>> -> memref<128xi32, #tpu.memory_space<hbm>>
      %dma_start3A_16 = tpu.memref_slice %arg3[%mul3A_2] : memref<802816xi32, #tpu.memory_space<hbm>> -> memref<128xi32, #tpu.memory_space<hbm>>
      tpu.enqueue_dma source(%dma_start3A_16 : memref<128xi32, #tpu.memory_space<hbm>>) target(%arg9 : memref<128xi32, #tpu.memory_space<vmem>>) target_semaphore(%run_scoped3A : memref<!tpu.dma_semaphore, #tpu.memory_space<semaphore_mem>>)
      %dma_wait3A = tpu.memref_slice %arg3[%mul3A_2] : memref<802816xi32, #tpu.memory_space<hbm>> -> memref<128xi32, #tpu.memory_space<hbm>>
      %dma_wait3A_17 = tpu.memref_slice %arg3[%mul3A_2] : memref<802816xi32, #tpu.memory_space<hbm>> -> memref<128xi32, #tpu.memory_space<hbm>>
      tpu.wait_dma2 semaphore(%run_scoped3A : memref<!tpu.dma_semaphore, #tpu.memory_space<semaphore_mem>>) src(%dma_wait3A_17 : memref<128xi32, #tpu.memory_space<hbm>>) dst(%arg9 : memref<128xi32, #tpu.memory_space<vmem>>)
      tpu.yield
    }) : () -> ()
    %eq3A = arith.constant 0 : i32
    %eq3A_3 = arith.cmpi eq, %arg0, %eq3A : i32
    %convert_element_type3A = arith.extui %eq3A_3 : i1 to i32
    %cond3A = arith.constant 0 : i32
    %cond3A_4 = arith.cmpi ne, %convert_element_type3A, %cond3A : i32
    scf.if %cond3A_4 {
      %dma_start3A = arith.constant 0 : i32
      %dma_start3A_16 = arith.constant 0 : i32
      %dma_start3A_17 = tpu.memref_slice %arg4[%dma_start3A, %dma_start3A_16] : memref<50000x32xf32, #tpu.memory_space<hbm>> -> memref<50000x32xf32, #tpu.memory_space<hbm>>
      tpu.enqueue_indirect_dma source(%dma_start3A_17 : memref<50000x32xf32, #tpu.memory_space<hbm>>) target(%arg12 : memref<128x32xf32, #tpu.memory_space<vmem>>) offsets(%arg8 : memref<128xi32, #tpu.memory_space<vmem>>) semaphore(%arg15 : memref<!tpu.dma_semaphore, #tpu.memory_space<semaphore_mem>>)
    } else {
    }
    %eq3A_5 = arith.constant 1 : i32
    %eq3A_6 = arith.cmpi eq, %arg0, %eq3A_5 : i32
    %convert_element_type3A_7 = arith.extui %eq3A_6 : i1 to i32
    %cond3A_8 = arith.constant 0 : i32
    %cond3A_9 = arith.cmpi ne, %convert_element_type3A_7, %cond3A_8 : i32
    scf.if %cond3A_9 {
      %dma_start3A = arith.constant 0 : i32
      %dma_start3A_16 = arith.constant 0 : i32
      %dma_start3A_17 = tpu.memref_slice %arg5[%dma_start3A, %dma_start3A_16] : memref<50000x32xf32, #tpu.memory_space<hbm>> -> memref<50000x32xf32, #tpu.memory_space<hbm>>
      tpu.enqueue_indirect_dma source(%dma_start3A_17 : memref<50000x32xf32, #tpu.memory_space<hbm>>) target(%arg12 : memref<128x32xf32, #tpu.memory_space<vmem>>) offsets(%arg8 : memref<128xi32, #tpu.memory_space<vmem>>) semaphore(%arg15 : memref<!tpu.dma_semaphore, #tpu.memory_space<semaphore_mem>>)
    } else {
    }
    %scan3A = arith.constant 0 : i32
    %scan3A_10 = arith.constant 0 : i32
    %scan3A_11 = arith.constant 196 : i32
    %scan3A_12 = arith.addi %scan3A_10, %scan3A_11 : i32
    %scan3A_13 = arith.constant 1 : i32
    scf.for %scan3A_16 = %scan3A_10 to %scan3A_12 step %scan3A_13  : i32 {
      %mul3A_17 = arith.constant 2 : i32
      %mul3A_18 = arith.muli %mul3A_17, %scan3A_16 : i32
      %add3A = arith.constant 1 : i32
      %add3A_19 = arith.addi %mul3A_18, %add3A : i32
      %mul3A_20 = arith.constant 128 : i32
      %mul3A_21 = arith.muli %add3A_19, %mul3A_20 : i32
      %add3A_22 = arith.addi %mul3A_2, %mul3A_21 : i32
      "tpu.region"() ({
        %run_scoped3A = tpu.sem_alloc : memref<!tpu.dma_semaphore, #tpu.memory_space<semaphore_mem>>
        %dma_start3A = tpu.memref_slice %arg2[%add3A_22] : memref<802816xi32, #tpu.memory_space<hbm>> -> memref<128xi32, #tpu.memory_space<hbm>>
        %dma_start3A_42 = tpu.memref_slice %arg2[%add3A_22] : memref<802816xi32, #tpu.memory_space<hbm>> -> memref<128xi32, #tpu.memory_space<hbm>>
        tpu.enqueue_dma source(%dma_start3A_42 : memref<128xi32, #tpu.memory_space<hbm>>) target(%arg10 : memref<128xi32, #tpu.memory_space<vmem>>) target_semaphore(%run_scoped3A : memref<!tpu.dma_semaphore, #tpu.memory_space<semaphore_mem>>)
        %dma_wait3A_43 = tpu.memref_slice %arg2[%add3A_22] : memref<802816xi32, #tpu.memory_space<hbm>> -> memref<128xi32, #tpu.memory_space<hbm>>
        %dma_wait3A_44 = tpu.memref_slice %arg2[%add3A_22] : memref<802816xi32, #tpu.memory_space<hbm>> -> memref<128xi32, #tpu.memory_space<hbm>>
        tpu.wait_dma2 semaphore(%run_scoped3A : memref<!tpu.dma_semaphore, #tpu.memory_space<semaphore_mem>>) src(%dma_wait3A_44 : memref<128xi32, #tpu.memory_space<hbm>>) dst(%arg10 : memref<128xi32, #tpu.memory_space<vmem>>)
        tpu.yield
      }) : () -> ()
      "tpu.region"() ({
        %run_scoped3A = tpu.sem_alloc : memref<!tpu.dma_semaphore, #tpu.memory_space<semaphore_mem>>
        %dma_start3A = tpu.memref_slice %arg3[%add3A_22] : memref<802816xi32, #tpu.memory_space<hbm>> -> memref<128xi32, #tpu.memory_space<hbm>>
        %dma_start3A_42 = tpu.memref_slice %arg3[%add3A_22] : memref<802816xi32, #tpu.memory_space<hbm>> -> memref<128xi32, #tpu.memory_space<hbm>>
        tpu.enqueue_dma source(%dma_start3A_42 : memref<128xi32, #tpu.memory_space<hbm>>) target(%arg11 : memref<128xi32, #tpu.memory_space<vmem>>) target_semaphore(%run_scoped3A : memref<!tpu.dma_semaphore, #tpu.memory_space<semaphore_mem>>)
        %dma_wait3A_43 = tpu.memref_slice %arg3[%add3A_22] : memref<802816xi32, #tpu.memory_space<hbm>> -> memref<128xi32, #tpu.memory_space<hbm>>
        %dma_wait3A_44 = tpu.memref_slice %arg3[%add3A_22] : memref<802816xi32, #tpu.memory_space<hbm>> -> memref<128xi32, #tpu.memory_space<hbm>>
        tpu.wait_dma2 semaphore(%run_scoped3A : memref<!tpu.dma_semaphore, #tpu.memory_space<semaphore_mem>>) src(%dma_wait3A_44 : memref<128xi32, #tpu.memory_space<hbm>>) dst(%arg11 : memref<128xi32, #tpu.memory_space<vmem>>)
        tpu.yield
      }) : () -> ()
      %eq3A_23 = arith.constant 0 : i32
      %eq3A_24 = arith.cmpi eq, %arg0, %eq3A_23 : i32
      %convert_element_type3A_25 = arith.extui %eq3A_24 : i1 to i32
      %cond3A_26 = arith.constant 0 : i32
      %cond3A_27 = arith.cmpi ne, %convert_element_type3A_25, %cond3A_26 : i32
      scf.if %cond3A_27 {
        %dma_start3A = arith.constant 0 : i32
        %dma_start3A_42 = arith.constant 0 : i32
        %dma_start3A_43 = tpu.memref_slice %arg4[%dma_start3A, %dma_start3A_42] : memref<50000x32xf32, #tpu.memory_space<hbm>> -> memref<50000x32xf32, #tpu.memory_space<hbm>>
        tpu.enqueue_indirect_dma source(%dma_start3A_43 : memref<50000x32xf32, #tpu.memory_space<hbm>>) target(%arg13 : memref<128x32xf32, #tpu.memory_space<vmem>>) offsets(%arg10 : memref<128xi32, #tpu.memory_space<vmem>>) semaphore(%arg16 : memref<!tpu.dma_semaphore, #tpu.memory_space<semaphore_mem>>)
      } else {
      }
      %eq3A_28 = arith.constant 1 : i32
      %eq3A_29 = arith.cmpi eq, %arg0, %eq3A_28 : i32
      %convert_element_type3A_30 = arith.extui %eq3A_29 : i1 to i32
      %cond3A_31 = arith.constant 0 : i32
      %cond3A_32 = arith.cmpi ne, %convert_element_type3A_30, %cond3A_31 : i32
      scf.if %cond3A_32 {
        %dma_start3A = arith.constant 0 : i32
        %dma_start3A_42 = arith.constant 0 : i32
        %dma_start3A_43 = tpu.memref_slice %arg5[%dma_start3A, %dma_start3A_42] : memref<50000x32xf32, #tpu.memory_space<hbm>> -> memref<50000x32xf32, #tpu.memory_space<hbm>>
        tpu.enqueue_indirect_dma source(%dma_start3A_43 : memref<50000x32xf32, #tpu.memory_space<hbm>>) target(%arg13 : memref<128x32xf32, #tpu.memory_space<vmem>>) offsets(%arg10 : memref<128xi32, #tpu.memory_space<vmem>>) semaphore(%arg16 : memref<!tpu.dma_semaphore, #tpu.memory_space<semaphore_mem>>)
      } else {
      }
      %dma_wait3A = arith.constant 0 : i32
      %dma_wait3A_33 = arith.constant 0 : i32
      %dma_wait3A_34 = tpu.memref_slice %arg4[%dma_wait3A, %dma_wait3A_33] : memref<50000x32xf32, #tpu.memory_space<hbm>> -> memref<50000x32xf32, #tpu.memory_space<hbm>>
      tpu.wait_indirect_dma semaphore(%arg15 : memref<!tpu.dma_semaphore, #tpu.memory_space<semaphore_mem>>) src(%dma_wait3A_34 : memref<50000x32xf32, #tpu.memory_space<hbm>>) dst(%arg12 : memref<128x32xf32, #tpu.memory_space<vmem>>)
      "tpu.region"() ({
        %run_scoped3A = tpu.sem_alloc : memref<!tpu.dma_semaphore, #tpu.memory_space<semaphore_mem>>
        %dma_start3A = arith.constant 0 : i32
        %dma_start3A_42 = arith.constant 0 : i32
        %dma_start3A_43 = tpu.memref_slice %arg14[%dma_start3A, %dma_start3A_42] : memref<50176x32xf32, #tpu.memory_space<vmem_shared>> -> memref<50176x32xf32, #tpu.memory_space<vmem_shared>>
        tpu.enqueue_indirect_dma source(%arg12 : memref<128x32xf32, #tpu.memory_space<vmem>>) target(%dma_start3A_43 : memref<50176x32xf32, #tpu.memory_space<vmem_shared>>) offsets(%arg9 : memref<128xi32, #tpu.memory_space<vmem>>) semaphore(%run_scoped3A : memref<!tpu.dma_semaphore, #tpu.memory_space<semaphore_mem>>) {add = true}
        %dma_wait3A_44 = arith.constant 0 : i32
        %dma_wait3A_45 = arith.constant 0 : i32
        %dma_wait3A_46 = tpu.memref_slice %arg14[%dma_wait3A_44, %dma_wait3A_45] : memref<50176x32xf32, #tpu.memory_space<vmem_shared>> -> memref<50176x32xf32, #tpu.memory_space<vmem_shared>>
        tpu.wait_indirect_dma semaphore(%run_scoped3A : memref<!tpu.dma_semaphore, #tpu.memory_space<semaphore_mem>>) src(%arg12 : memref<128x32xf32, #tpu.memory_space<vmem>>) dst(%dma_wait3A_46 : memref<50176x32xf32, #tpu.memory_space<vmem_shared>>)
        tpu.yield
      }) : () -> ()
      %lt3A = arith.constant 195 : i32
      %lt3A_35 = arith.cmpi slt, %scan3A_16, %lt3A : i32
      %convert_element_type3A_36 = arith.extui %lt3A_35 : i1 to i32
      %cond3A_37 = arith.constant 0 : i32
      %cond3A_38 = arith.cmpi ne, %convert_element_type3A_36, %cond3A_37 : i32
      scf.if %cond3A_38 {
        %mul3A_42 = arith.constant 2 : i32
        %mul3A_43 = arith.muli %mul3A_42, %scan3A_16 : i32
        %add3A_44 = arith.constant 2 : i32
        %add3A_45 = arith.addi %mul3A_43, %add3A_44 : i32
        %mul3A_46 = arith.constant 128 : i32
        %mul3A_47 = arith.muli %add3A_45, %mul3A_46 : i32
        %add3A_48 = arith.addi %mul3A_2, %mul3A_47 : i32
        "tpu.region"() ({
          %run_scoped3A = tpu.sem_alloc : memref<!tpu.dma_semaphore, #tpu.memory_space<semaphore_mem>>
          %dma_start3A = tpu.memref_slice %arg2[%add3A_48] : memref<802816xi32, #tpu.memory_space<hbm>> -> memref<128xi32, #tpu.memory_space<hbm>>
          %dma_start3A_59 = tpu.memref_slice %arg2[%add3A_48] : memref<802816xi32, #tpu.memory_space<hbm>> -> memref<128xi32, #tpu.memory_space<hbm>>
          tpu.enqueue_dma source(%dma_start3A_59 : memref<128xi32, #tpu.memory_space<hbm>>) target(%arg8 : memref<128xi32, #tpu.memory_space<vmem>>) target_semaphore(%run_scoped3A : memref<!tpu.dma_semaphore, #tpu.memory_space<semaphore_mem>>)
          %dma_wait3A_60 = tpu.memref_slice %arg2[%add3A_48] : memref<802816xi32, #tpu.memory_space<hbm>> -> memref<128xi32, #tpu.memory_space<hbm>>
          %dma_wait3A_61 = tpu.memref_slice %arg2[%add3A_48] : memref<802816xi32, #tpu.memory_space<hbm>> -> memref<128xi32, #tpu.memory_space<hbm>>
          tpu.wait_dma2 semaphore(%run_scoped3A : memref<!tpu.dma_semaphore, #tpu.memory_space<semaphore_mem>>) src(%dma_wait3A_61 : memref<128xi32, #tpu.memory_space<hbm>>) dst(%arg8 : memref<128xi32, #tpu.memory_space<vmem>>)
          tpu.yield
        }) : () -> ()
        "tpu.region"() ({
          %run_scoped3A = tpu.sem_alloc : memref<!tpu.dma_semaphore, #tpu.memory_space<semaphore_mem>>
          %dma_start3A = tpu.memref_slice %arg3[%add3A_48] : memref<802816xi32, #tpu.memory_space<hbm>> -> memref<128xi32, #tpu.memory_space<hbm>>
          %dma_start3A_59 = tpu.memref_slice %arg3[%add3A_48] : memref<802816xi32, #tpu.memory_space<hbm>> -> memref<128xi32, #tpu.memory_space<hbm>>
          tpu.enqueue_dma source(%dma_start3A_59 : memref<128xi32, #tpu.memory_space<hbm>>) target(%arg9 : memref<128xi32, #tpu.memory_space<vmem>>) target_semaphore(%run_scoped3A : memref<!tpu.dma_semaphore, #tpu.memory_space<semaphore_mem>>)
          %dma_wait3A_60 = tpu.memref_slice %arg3[%add3A_48] : memref<802816xi32, #tpu.memory_space<hbm>> -> memref<128xi32, #tpu.memory_space<hbm>>
          %dma_wait3A_61 = tpu.memref_slice %arg3[%add3A_48] : memref<802816xi32, #tpu.memory_space<hbm>> -> memref<128xi32, #tpu.memory_space<hbm>>
          tpu.wait_dma2 semaphore(%run_scoped3A : memref<!tpu.dma_semaphore, #tpu.memory_space<semaphore_mem>>) src(%dma_wait3A_61 : memref<128xi32, #tpu.memory_space<hbm>>) dst(%arg9 : memref<128xi32, #tpu.memory_space<vmem>>)
          tpu.yield
        }) : () -> ()
        %eq3A_49 = arith.constant 0 : i32
        %eq3A_50 = arith.cmpi eq, %arg0, %eq3A_49 : i32
        %convert_element_type3A_51 = arith.extui %eq3A_50 : i1 to i32
        %cond3A_52 = arith.constant 0 : i32
        %cond3A_53 = arith.cmpi ne, %convert_element_type3A_51, %cond3A_52 : i32
        scf.if %cond3A_53 {
          %dma_start3A = arith.constant 0 : i32
          %dma_start3A_59 = arith.constant 0 : i32
          %dma_start3A_60 = tpu.memref_slice %arg4[%dma_start3A, %dma_start3A_59] : memref<50000x32xf32, #tpu.memory_space<hbm>> -> memref<50000x32xf32, #tpu.memory_space<hbm>>
          tpu.enqueue_indirect_dma source(%dma_start3A_60 : memref<50000x32xf32, #tpu.memory_space<hbm>>) target(%arg12 : memref<128x32xf32, #tpu.memory_space<vmem>>) offsets(%arg8 : memref<128xi32, #tpu.memory_space<vmem>>) semaphore(%arg15 : memref<!tpu.dma_semaphore, #tpu.memory_space<semaphore_mem>>)
        } else {
        }
        %eq3A_54 = arith.constant 1 : i32
        %eq3A_55 = arith.cmpi eq, %arg0, %eq3A_54 : i32
        %convert_element_type3A_56 = arith.extui %eq3A_55 : i1 to i32
        %cond3A_57 = arith.constant 0 : i32
        %cond3A_58 = arith.cmpi ne, %convert_element_type3A_56, %cond3A_57 : i32
        scf.if %cond3A_58 {
          %dma_start3A = arith.constant 0 : i32
          %dma_start3A_59 = arith.constant 0 : i32
          %dma_start3A_60 = tpu.memref_slice %arg5[%dma_start3A, %dma_start3A_59] : memref<50000x32xf32, #tpu.memory_space<hbm>> -> memref<50000x32xf32, #tpu.memory_space<hbm>>
          tpu.enqueue_indirect_dma source(%dma_start3A_60 : memref<50000x32xf32, #tpu.memory_space<hbm>>) target(%arg12 : memref<128x32xf32, #tpu.memory_space<vmem>>) offsets(%arg8 : memref<128xi32, #tpu.memory_space<vmem>>) semaphore(%arg15 : memref<!tpu.dma_semaphore, #tpu.memory_space<semaphore_mem>>)
        } else {
        }
      } else {
      }
      %dma_wait3A_39 = arith.constant 0 : i32
      %dma_wait3A_40 = arith.constant 0 : i32
      %dma_wait3A_41 = tpu.memref_slice %arg4[%dma_wait3A_39, %dma_wait3A_40] : memref<50000x32xf32, #tpu.memory_space<hbm>> -> memref<50000x32xf32, #tpu.memory_space<hbm>>
      tpu.wait_indirect_dma semaphore(%arg16 : memref<!tpu.dma_semaphore, #tpu.memory_space<semaphore_mem>>) src(%dma_wait3A_41 : memref<50000x32xf32, #tpu.memory_space<hbm>>) dst(%arg13 : memref<128x32xf32, #tpu.memory_space<vmem>>)
      "tpu.region"() ({
        %run_scoped3A = tpu.sem_alloc : memref<!tpu.dma_semaphore, #tpu.memory_space<semaphore_mem>>
        %dma_start3A = arith.constant 0 : i32
        %dma_start3A_42 = arith.constant 0 : i32
        %dma_start3A_43 = tpu.memref_slice %arg14[%dma_start3A, %dma_start3A_42] : memref<50176x32xf32, #tpu.memory_space<vmem_shared>> -> memref<50176x32xf32, #tpu.memory_space<vmem_shared>>
        tpu.enqueue_indirect_dma source(%arg13 : memref<128x32xf32, #tpu.memory_space<vmem>>) target(%dma_start3A_43 : memref<50176x32xf32, #tpu.memory_space<vmem_shared>>) offsets(%arg11 : memref<128xi32, #tpu.memory_space<vmem>>) semaphore(%run_scoped3A : memref<!tpu.dma_semaphore, #tpu.memory_space<semaphore_mem>>) {add = true}
        %dma_wait3A_44 = arith.constant 0 : i32
        %dma_wait3A_45 = arith.constant 0 : i32
        %dma_wait3A_46 = tpu.memref_slice %arg14[%dma_wait3A_44, %dma_wait3A_45] : memref<50176x32xf32, #tpu.memory_space<vmem_shared>> -> memref<50176x32xf32, #tpu.memory_space<vmem_shared>>
        tpu.wait_indirect_dma semaphore(%run_scoped3A : memref<!tpu.dma_semaphore, #tpu.memory_space<semaphore_mem>>) src(%arg13 : memref<128x32xf32, #tpu.memory_space<vmem>>) dst(%dma_wait3A_46 : memref<50176x32xf32, #tpu.memory_space<vmem_shared>>)
        tpu.yield
      }) : () -> ()
    }
    %scan3A_14 = arith.constant 196 : i32
    %barrier3A_15 = arith.constant 0 : index
    tpu.barrier barrier_id(%barrier3A_15)
    "tpu.region"() ({
      %run_scoped3A = tpu.sem_alloc : memref<!tpu.dma_semaphore, #tpu.memory_space<semaphore_mem>>
      %dma_start3A = arith.constant 0 : i32
      %dma_start3A_16 = tpu.memref_slice %arg7[%arg0, %mul3A_0, %dma_start3A] : memref<2x50176x32xf32, #tpu.memory_space<hbm>> -> memref<1x3136x32xf32, #tpu.memory_space<hbm>>
      %dma_start3A_17 = tpu.memref_squeeze %dma_start3A_16 : memref<1x3136x32xf32, #tpu.memory_space<hbm>> -> memref<3136x32xf32, #tpu.memory_space<hbm>>
      %dma_start3A_18 = arith.constant 0 : i32
      %dma_start3A_19 = tpu.memref_slice %arg14[%mul3A_0, %dma_start3A_18] : memref<50176x32xf32, #tpu.memory_space<vmem_shared>> -> memref<3136x32xf32, #tpu.memory_space<vmem_shared>>
      tpu.enqueue_dma source(%dma_start3A_19 : memref<3136x32xf32, #tpu.memory_space<vmem_shared>>) target(%dma_start3A_17 : memref<3136x32xf32, #tpu.memory_space<hbm>>) target_semaphore(%run_scoped3A : memref<!tpu.dma_semaphore, #tpu.memory_space<semaphore_mem>>)
      %dma_wait3A = arith.constant 0 : i32
      %dma_wait3A_20 = tpu.memref_slice %arg7[%arg0, %mul3A_0, %dma_wait3A] : memref<2x50176x32xf32, #tpu.memory_space<hbm>> -> memref<1x3136x32xf32, #tpu.memory_space<hbm>>
      %dma_wait3A_21 = tpu.memref_squeeze %dma_wait3A_20 : memref<1x3136x32xf32, #tpu.memory_space<hbm>> -> memref<3136x32xf32, #tpu.memory_space<hbm>>
      %dma_wait3A_22 = arith.constant 0 : i32
      %dma_wait3A_23 = tpu.memref_slice %arg14[%mul3A_0, %dma_wait3A_22] : memref<50176x32xf32, #tpu.memory_space<vmem_shared>> -> memref<3136x32xf32, #tpu.memory_space<vmem_shared>>
      tpu.wait_dma2 semaphore(%run_scoped3A : memref<!tpu.dma_semaphore, #tpu.memory_space<semaphore_mem>>) src(%dma_wait3A_23 : memref<3136x32xf32, #tpu.memory_space<vmem_shared>>) dst(%dma_wait3A_21 : memref<3136x32xf32, #tpu.memory_space<hbm>>)
      tpu.yield
    }) : () -> ()
    return
  }
}

#map = affine_map<(d0, d1) -> (0)>
#map1 = affine_map<(d0, d1) -> (0, 0)>
#map2 = affine_map<(d0, d1) -> (0, 0, 0)>
module attributes {stable_mosaic.version = 14 : i64} {
  func.func @_sc_deg(%arg0: i32, %arg1: i32, %arg2: memref<802816xi32, #tpu.memory_space<hbm>>, %arg3: memref<128x16xf32, #tpu.memory_space<hbm>>, %arg4: memref<50176x16xf32, #tpu.memory_space<hbm>>, %arg5: memref<2x50176x16xf32, #tpu.memory_space<hbm>>, %arg6: memref<128xi32, #tpu.memory_space<vmem>>, %arg7: memref<128x16xf32, #tpu.memory_space<vmem>>, %arg8: memref<50176x16xf32, #tpu.memory_space<vmem_shared>>) attributes {dimension_semantics = [#tpu.dimension_semantics<core_parallel>, #tpu.dimension_semantics<subcore_parallel>], iteration_bounds = array<i64: 2, 16>, scalar_prefetch = 0 : i64, scratch_operands = 3 : i64, tpu.core_type = #tpu.core_type<sc_vector_subcore>, window_params = [{transform_indices = #map}, {transform_indices = #map1}, {transform_indices = #map1}, {transform_indices = #map2}]} {
    %mul3A = arith.constant 3136 : i32
    %mul3A_0 = arith.muli %arg1, %mul3A : i32
    "tpu.region"() ({
      %run_scoped3A = tpu.sem_alloc : memref<!tpu.dma_semaphore, #tpu.memory_space<semaphore_mem>>
      tpu.enqueue_dma source(%arg3 : memref<128x16xf32, #tpu.memory_space<hbm>>) target(%arg7 : memref<128x16xf32, #tpu.memory_space<vmem>>) target_semaphore(%run_scoped3A : memref<!tpu.dma_semaphore, #tpu.memory_space<semaphore_mem>>)
      tpu.wait_dma2 semaphore(%run_scoped3A : memref<!tpu.dma_semaphore, #tpu.memory_space<semaphore_mem>>) src(%arg3 : memref<128x16xf32, #tpu.memory_space<hbm>>) dst(%arg7 : memref<128x16xf32, #tpu.memory_space<vmem>>)
      tpu.yield
    }) : () -> ()
    "tpu.region"() ({
      %run_scoped3A = tpu.sem_alloc : memref<!tpu.dma_semaphore, #tpu.memory_space<semaphore_mem>>
      %dma_start3A = arith.constant 0 : i32
      %dma_start3A_11 = tpu.memref_slice %arg8[%mul3A_0, %dma_start3A] : memref<50176x16xf32, #tpu.memory_space<vmem_shared>> -> memref<3136x16xf32, #tpu.memory_space<vmem_shared>>
      %dma_start3A_12 = arith.constant 0 : i32
      %dma_start3A_13 = tpu.memref_slice %arg4[%mul3A_0, %dma_start3A_12] : memref<50176x16xf32, #tpu.memory_space<hbm>> -> memref<3136x16xf32, #tpu.memory_space<hbm>>
      tpu.enqueue_dma source(%dma_start3A_13 : memref<3136x16xf32, #tpu.memory_space<hbm>>) target(%dma_start3A_11 : memref<3136x16xf32, #tpu.memory_space<vmem_shared>>) target_semaphore(%run_scoped3A : memref<!tpu.dma_semaphore, #tpu.memory_space<semaphore_mem>>)
      %dma_wait3A = arith.constant 0 : i32
      %dma_wait3A_14 = tpu.memref_slice %arg8[%mul3A_0, %dma_wait3A] : memref<50176x16xf32, #tpu.memory_space<vmem_shared>> -> memref<3136x16xf32, #tpu.memory_space<vmem_shared>>
      %dma_wait3A_15 = arith.constant 0 : i32
      %dma_wait3A_16 = tpu.memref_slice %arg4[%mul3A_0, %dma_wait3A_15] : memref<50176x16xf32, #tpu.memory_space<hbm>> -> memref<3136x16xf32, #tpu.memory_space<hbm>>
      tpu.wait_dma2 semaphore(%run_scoped3A : memref<!tpu.dma_semaphore, #tpu.memory_space<semaphore_mem>>) src(%dma_wait3A_16 : memref<3136x16xf32, #tpu.memory_space<hbm>>) dst(%dma_wait3A_14 : memref<3136x16xf32, #tpu.memory_space<vmem_shared>>)
      tpu.yield
    }) : () -> ()
    %barrier3A = arith.constant 0 : index
    tpu.barrier barrier_id(%barrier3A)
    %mul3A_1 = arith.constant 401408 : i32
    %mul3A_2 = arith.muli %arg0, %mul3A_1 : i32
    %mul3A_3 = arith.constant 25088 : i32
    %mul3A_4 = arith.muli %arg1, %mul3A_3 : i32
    %add3A = arith.addi %mul3A_2, %mul3A_4 : i32
    %scan3A = arith.constant 0 : i32
    %scan3A_5 = arith.constant 0 : i32
    %scan3A_6 = arith.constant 196 : i32
    %scan3A_7 = arith.addi %scan3A_5, %scan3A_6 : i32
    %scan3A_8 = arith.constant 1 : i32
    scf.for %scan3A_11 = %scan3A_5 to %scan3A_7 step %scan3A_8  : i32 {
      %mul3A_12 = arith.constant 128 : i32
      %mul3A_13 = arith.muli %scan3A_11, %mul3A_12 : i32
      %add3A_14 = arith.addi %add3A, %mul3A_13 : i32
      "tpu.region"() ({
        %run_scoped3A = tpu.sem_alloc : memref<!tpu.dma_semaphore, #tpu.memory_space<semaphore_mem>>
        %dma_start3A = tpu.memref_slice %arg2[%add3A_14] : memref<802816xi32, #tpu.memory_space<hbm>> -> memref<128xi32, #tpu.memory_space<hbm>>
        %dma_start3A_15 = tpu.memref_slice %arg2[%add3A_14] : memref<802816xi32, #tpu.memory_space<hbm>> -> memref<128xi32, #tpu.memory_space<hbm>>
        tpu.enqueue_dma source(%dma_start3A_15 : memref<128xi32, #tpu.memory_space<hbm>>) target(%arg6 : memref<128xi32, #tpu.memory_space<vmem>>) target_semaphore(%run_scoped3A : memref<!tpu.dma_semaphore, #tpu.memory_space<semaphore_mem>>)
        %dma_wait3A = tpu.memref_slice %arg2[%add3A_14] : memref<802816xi32, #tpu.memory_space<hbm>> -> memref<128xi32, #tpu.memory_space<hbm>>
        %dma_wait3A_16 = tpu.memref_slice %arg2[%add3A_14] : memref<802816xi32, #tpu.memory_space<hbm>> -> memref<128xi32, #tpu.memory_space<hbm>>
        tpu.wait_dma2 semaphore(%run_scoped3A : memref<!tpu.dma_semaphore, #tpu.memory_space<semaphore_mem>>) src(%dma_wait3A_16 : memref<128xi32, #tpu.memory_space<hbm>>) dst(%arg6 : memref<128xi32, #tpu.memory_space<vmem>>)
        tpu.yield
      }) : () -> ()
      "tpu.region"() ({
        %run_scoped3A = tpu.sem_alloc : memref<!tpu.dma_semaphore, #tpu.memory_space<semaphore_mem>>
        %dma_start3A = arith.constant 0 : i32
        %dma_start3A_15 = arith.constant 0 : i32
        %dma_start3A_16 = tpu.memref_slice %arg8[%dma_start3A, %dma_start3A_15] : memref<50176x16xf32, #tpu.memory_space<vmem_shared>> -> memref<50176x16xf32, #tpu.memory_space<vmem_shared>>
        tpu.enqueue_indirect_dma source(%arg7 : memref<128x16xf32, #tpu.memory_space<vmem>>) target(%dma_start3A_16 : memref<50176x16xf32, #tpu.memory_space<vmem_shared>>) offsets(%arg6 : memref<128xi32, #tpu.memory_space<vmem>>) semaphore(%run_scoped3A : memref<!tpu.dma_semaphore, #tpu.memory_space<semaphore_mem>>) {add = true}
        %dma_wait3A = arith.constant 0 : i32
        %dma_wait3A_17 = arith.constant 0 : i32
        %dma_wait3A_18 = tpu.memref_slice %arg8[%dma_wait3A, %dma_wait3A_17] : memref<50176x16xf32, #tpu.memory_space<vmem_shared>> -> memref<50176x16xf32, #tpu.memory_space<vmem_shared>>
        tpu.wait_indirect_dma semaphore(%run_scoped3A : memref<!tpu.dma_semaphore, #tpu.memory_space<semaphore_mem>>) src(%arg7 : memref<128x16xf32, #tpu.memory_space<vmem>>) dst(%dma_wait3A_18 : memref<50176x16xf32, #tpu.memory_space<vmem_shared>>)
        tpu.yield
      }) : () -> ()
    }
    %scan3A_9 = arith.constant 196 : i32
    %barrier3A_10 = arith.constant 0 : index
    tpu.barrier barrier_id(%barrier3A_10)
    "tpu.region"() ({
      %run_scoped3A = tpu.sem_alloc : memref<!tpu.dma_semaphore, #tpu.memory_space<semaphore_mem>>
      %dma_start3A = arith.constant 0 : i32
      %dma_start3A_11 = tpu.memref_slice %arg5[%arg0, %mul3A_0, %dma_start3A] : memref<2x50176x16xf32, #tpu.memory_space<hbm>> -> memref<1x3136x16xf32, #tpu.memory_space<hbm>>
      %dma_start3A_12 = tpu.memref_squeeze %dma_start3A_11 : memref<1x3136x16xf32, #tpu.memory_space<hbm>> -> memref<3136x16xf32, #tpu.memory_space<hbm>>
      %dma_start3A_13 = arith.constant 0 : i32
      %dma_start3A_14 = tpu.memref_slice %arg8[%mul3A_0, %dma_start3A_13] : memref<50176x16xf32, #tpu.memory_space<vmem_shared>> -> memref<3136x16xf32, #tpu.memory_space<vmem_shared>>
      tpu.enqueue_dma source(%dma_start3A_14 : memref<3136x16xf32, #tpu.memory_space<vmem_shared>>) target(%dma_start3A_12 : memref<3136x16xf32, #tpu.memory_space<hbm>>) target_semaphore(%run_scoped3A : memref<!tpu.dma_semaphore, #tpu.memory_space<semaphore_mem>>)
      %dma_wait3A = arith.constant 0 : i32
      %dma_wait3A_15 = tpu.memref_slice %arg5[%arg0, %mul3A_0, %dma_wait3A] : memref<2x50176x16xf32, #tpu.memory_space<hbm>> -> memref<1x3136x16xf32, #tpu.memory_space<hbm>>
      %dma_wait3A_16 = tpu.memref_squeeze %dma_wait3A_15 : memref<1x3136x16xf32, #tpu.memory_space<hbm>> -> memref<3136x16xf32, #tpu.memory_space<hbm>>
      %dma_wait3A_17 = arith.constant 0 : i32
      %dma_wait3A_18 = tpu.memref_slice %arg8[%mul3A_0, %dma_wait3A_17] : memref<50176x16xf32, #tpu.memory_space<vmem_shared>> -> memref<3136x16xf32, #tpu.memory_space<vmem_shared>>
      tpu.wait_dma2 semaphore(%run_scoped3A : memref<!tpu.dma_semaphore, #tpu.memory_space<semaphore_mem>>) src(%dma_wait3A_18 : memref<3136x16xf32, #tpu.memory_space<vmem_shared>>) dst(%dma_wait3A_16 : memref<3136x16xf32, #tpu.memory_space<hbm>>)
      tpu.yield
    }) : () -> ()
    return
  }
}

#map = affine_map<(d0, d1) -> (0)>
#map1 = affine_map<(d0, d1) -> (0, 0)>
#map2 = affine_map<(d0, d1) -> (0, 0, 0)>
module attributes {stable_mosaic.version = 14 : i64} {
  func.func @_sc_agg16(%arg0: i32, %arg1: i32, %arg2: memref<802816xi32, #tpu.memory_space<hbm>>, %arg3: memref<802816xi32, #tpu.memory_space<hbm>>, %arg4: memref<50000x16xf32, #tpu.memory_space<hbm>>, %arg5: memref<50176x16xf32, #tpu.memory_space<hbm>>, %arg6: memref<2x50176x16xf32, #tpu.memory_space<hbm>>, %arg7: memref<128xi32, #tpu.memory_space<vmem>>, %arg8: memref<128xi32, #tpu.memory_space<vmem>>, %arg9: memref<128xi32, #tpu.memory_space<vmem>>, %arg10: memref<128xi32, #tpu.memory_space<vmem>>, %arg11: memref<128x16xf32, #tpu.memory_space<vmem>>, %arg12: memref<128x16xf32, #tpu.memory_space<vmem>>, %arg13: memref<50176x16xf32, #tpu.memory_space<vmem_shared>>, %arg14: memref<!tpu.dma_semaphore, #tpu.memory_space<semaphore_mem>>, %arg15: memref<!tpu.dma_semaphore, #tpu.memory_space<semaphore_mem>>) attributes {dimension_semantics = [#tpu.dimension_semantics<core_parallel>, #tpu.dimension_semantics<subcore_parallel>], iteration_bounds = array<i64: 2, 16>, scalar_prefetch = 0 : i64, scratch_operands = 9 : i64, tpu.core_type = #tpu.core_type<sc_vector_subcore>, window_params = [{transform_indices = #map}, {transform_indices = #map}, {transform_indices = #map1}, {transform_indices = #map1}, {transform_indices = #map2}]} {
    %mul3A = arith.constant 3136 : i32
    %mul3A_0 = arith.muli %arg1, %mul3A : i32
    "tpu.region"() ({
      %run_scoped3A = tpu.sem_alloc : memref<!tpu.dma_semaphore, #tpu.memory_space<semaphore_mem>>
      %dma_start3A_13 = arith.constant 0 : i32
      %dma_start3A_14 = tpu.memref_slice %arg13[%mul3A_0, %dma_start3A_13] : memref<50176x16xf32, #tpu.memory_space<vmem_shared>> -> memref<3136x16xf32, #tpu.memory_space<vmem_shared>>
      %dma_start3A_15 = arith.constant 0 : i32
      %dma_start3A_16 = tpu.memref_slice %arg5[%mul3A_0, %dma_start3A_15] : memref<50176x16xf32, #tpu.memory_space<hbm>> -> memref<3136x16xf32, #tpu.memory_space<hbm>>
      tpu.enqueue_dma source(%dma_start3A_16 : memref<3136x16xf32, #tpu.memory_space<hbm>>) target(%dma_start3A_14 : memref<3136x16xf32, #tpu.memory_space<vmem_shared>>) target_semaphore(%run_scoped3A : memref<!tpu.dma_semaphore, #tpu.memory_space<semaphore_mem>>)
      %dma_wait3A = arith.constant 0 : i32
      %dma_wait3A_17 = tpu.memref_slice %arg13[%mul3A_0, %dma_wait3A] : memref<50176x16xf32, #tpu.memory_space<vmem_shared>> -> memref<3136x16xf32, #tpu.memory_space<vmem_shared>>
      %dma_wait3A_18 = arith.constant 0 : i32
      %dma_wait3A_19 = tpu.memref_slice %arg5[%mul3A_0, %dma_wait3A_18] : memref<50176x16xf32, #tpu.memory_space<hbm>> -> memref<3136x16xf32, #tpu.memory_space<hbm>>
      tpu.wait_dma2 semaphore(%run_scoped3A : memref<!tpu.dma_semaphore, #tpu.memory_space<semaphore_mem>>) src(%dma_wait3A_19 : memref<3136x16xf32, #tpu.memory_space<hbm>>) dst(%dma_wait3A_17 : memref<3136x16xf32, #tpu.memory_space<vmem_shared>>)
      tpu.yield
    }) : () -> ()
    %barrier3A = arith.constant 0 : index
    tpu.barrier barrier_id(%barrier3A)
    %mul3A_1 = arith.constant 401408 : i32
    %mul3A_2 = arith.muli %arg0, %mul3A_1 : i32
    %mul3A_3 = arith.constant 25088 : i32
    %mul3A_4 = arith.muli %arg1, %mul3A_3 : i32
    %add3A = arith.addi %mul3A_2, %mul3A_4 : i32
    "tpu.region"() ({
      %run_scoped3A = tpu.sem_alloc : memref<!tpu.dma_semaphore, #tpu.memory_space<semaphore_mem>>
      %dma_start3A_13 = tpu.memref_slice %arg2[%add3A] : memref<802816xi32, #tpu.memory_space<hbm>> -> memref<128xi32, #tpu.memory_space<hbm>>
      %dma_start3A_14 = tpu.memref_slice %arg2[%add3A] : memref<802816xi32, #tpu.memory_space<hbm>> -> memref<128xi32, #tpu.memory_space<hbm>>
      tpu.enqueue_dma source(%dma_start3A_14 : memref<128xi32, #tpu.memory_space<hbm>>) target(%arg7 : memref<128xi32, #tpu.memory_space<vmem>>) target_semaphore(%run_scoped3A : memref<!tpu.dma_semaphore, #tpu.memory_space<semaphore_mem>>)
      %dma_wait3A = tpu.memref_slice %arg2[%add3A] : memref<802816xi32, #tpu.memory_space<hbm>> -> memref<128xi32, #tpu.memory_space<hbm>>
      %dma_wait3A_15 = tpu.memref_slice %arg2[%add3A] : memref<802816xi32, #tpu.memory_space<hbm>> -> memref<128xi32, #tpu.memory_space<hbm>>
      tpu.wait_dma2 semaphore(%run_scoped3A : memref<!tpu.dma_semaphore, #tpu.memory_space<semaphore_mem>>) src(%dma_wait3A_15 : memref<128xi32, #tpu.memory_space<hbm>>) dst(%arg7 : memref<128xi32, #tpu.memory_space<vmem>>)
      tpu.yield
    }) : () -> ()
    "tpu.region"() ({
      %run_scoped3A = tpu.sem_alloc : memref<!tpu.dma_semaphore, #tpu.memory_space<semaphore_mem>>
      %dma_start3A_13 = tpu.memref_slice %arg3[%add3A] : memref<802816xi32, #tpu.memory_space<hbm>> -> memref<128xi32, #tpu.memory_space<hbm>>
      %dma_start3A_14 = tpu.memref_slice %arg3[%add3A] : memref<802816xi32, #tpu.memory_space<hbm>> -> memref<128xi32, #tpu.memory_space<hbm>>
      tpu.enqueue_dma source(%dma_start3A_14 : memref<128xi32, #tpu.memory_space<hbm>>) target(%arg8 : memref<128xi32, #tpu.memory_space<vmem>>) target_semaphore(%run_scoped3A : memref<!tpu.dma_semaphore, #tpu.memory_space<semaphore_mem>>)
      %dma_wait3A = tpu.memref_slice %arg3[%add3A] : memref<802816xi32, #tpu.memory_space<hbm>> -> memref<128xi32, #tpu.memory_space<hbm>>
      %dma_wait3A_15 = tpu.memref_slice %arg3[%add3A] : memref<802816xi32, #tpu.memory_space<hbm>> -> memref<128xi32, #tpu.memory_space<hbm>>
      tpu.wait_dma2 semaphore(%run_scoped3A : memref<!tpu.dma_semaphore, #tpu.memory_space<semaphore_mem>>) src(%dma_wait3A_15 : memref<128xi32, #tpu.memory_space<hbm>>) dst(%arg8 : memref<128xi32, #tpu.memory_space<vmem>>)
      tpu.yield
    }) : () -> ()
    %dma_start3A = arith.constant 0 : i32
    %dma_start3A_5 = arith.constant 0 : i32
    %dma_start3A_6 = tpu.memref_slice %arg4[%dma_start3A, %dma_start3A_5] : memref<50000x16xf32, #tpu.memory_space<hbm>> -> memref<50000x16xf32, #tpu.memory_space<hbm>>
    tpu.enqueue_indirect_dma source(%dma_start3A_6 : memref<50000x16xf32, #tpu.memory_space<hbm>>) target(%arg11 : memref<128x16xf32, #tpu.memory_space<vmem>>) offsets(%arg7 : memref<128xi32, #tpu.memory_space<vmem>>) semaphore(%arg14 : memref<!tpu.dma_semaphore, #tpu.memory_space<semaphore_mem>>)
    %scan3A = arith.constant 0 : i32
    %scan3A_7 = arith.constant 0 : i32
    %scan3A_8 = arith.constant 98 : i32
    %scan3A_9 = arith.addi %scan3A_7, %scan3A_8 : i32
    %scan3A_10 = arith.constant 1 : i32
    scf.for %scan3A_13 = %scan3A_7 to %scan3A_9 step %scan3A_10  : i32 {
      %mul3A_14 = arith.constant 2 : i32
      %mul3A_15 = arith.muli %mul3A_14, %scan3A_13 : i32
      %add3A_16 = arith.constant 1 : i32
      %add3A_17 = arith.addi %mul3A_15, %add3A_16 : i32
      %mul3A_18 = arith.constant 128 : i32
      %mul3A_19 = arith.muli %add3A_17, %mul3A_18 : i32
      %add3A_20 = arith.addi %add3A, %mul3A_19 : i32
      "tpu.region"() ({
        %run_scoped3A = tpu.sem_alloc : memref<!tpu.dma_semaphore, #tpu.memory_space<semaphore_mem>>
        %dma_start3A_31 = tpu.memref_slice %arg2[%add3A_20] : memref<802816xi32, #tpu.memory_space<hbm>> -> memref<128xi32, #tpu.memory_space<hbm>>
        %dma_start3A_32 = tpu.memref_slice %arg2[%add3A_20] : memref<802816xi32, #tpu.memory_space<hbm>> -> memref<128xi32, #tpu.memory_space<hbm>>
        tpu.enqueue_dma source(%dma_start3A_32 : memref<128xi32, #tpu.memory_space<hbm>>) target(%arg9 : memref<128xi32, #tpu.memory_space<vmem>>) target_semaphore(%run_scoped3A : memref<!tpu.dma_semaphore, #tpu.memory_space<semaphore_mem>>)
        %dma_wait3A_33 = tpu.memref_slice %arg2[%add3A_20] : memref<802816xi32, #tpu.memory_space<hbm>> -> memref<128xi32, #tpu.memory_space<hbm>>
        %dma_wait3A_34 = tpu.memref_slice %arg2[%add3A_20] : memref<802816xi32, #tpu.memory_space<hbm>> -> memref<128xi32, #tpu.memory_space<hbm>>
        tpu.wait_dma2 semaphore(%run_scoped3A : memref<!tpu.dma_semaphore, #tpu.memory_space<semaphore_mem>>) src(%dma_wait3A_34 : memref<128xi32, #tpu.memory_space<hbm>>) dst(%arg9 : memref<128xi32, #tpu.memory_space<vmem>>)
        tpu.yield
      }) : () -> ()
      "tpu.region"() ({
        %run_scoped3A = tpu.sem_alloc : memref<!tpu.dma_semaphore, #tpu.memory_space<semaphore_mem>>
        %dma_start3A_31 = tpu.memref_slice %arg3[%add3A_20] : memref<802816xi32, #tpu.memory_space<hbm>> -> memref<128xi32, #tpu.memory_space<hbm>>
        %dma_start3A_32 = tpu.memref_slice %arg3[%add3A_20] : memref<802816xi32, #tpu.memory_space<hbm>> -> memref<128xi32, #tpu.memory_space<hbm>>
        tpu.enqueue_dma source(%dma_start3A_32 : memref<128xi32, #tpu.memory_space<hbm>>) target(%arg10 : memref<128xi32, #tpu.memory_space<vmem>>) target_semaphore(%run_scoped3A : memref<!tpu.dma_semaphore, #tpu.memory_space<semaphore_mem>>)
        %dma_wait3A_33 = tpu.memref_slice %arg3[%add3A_20] : memref<802816xi32, #tpu.memory_space<hbm>> -> memref<128xi32, #tpu.memory_space<hbm>>
        %dma_wait3A_34 = tpu.memref_slice %arg3[%add3A_20] : memref<802816xi32, #tpu.memory_space<hbm>> -> memref<128xi32, #tpu.memory_space<hbm>>
        tpu.wait_dma2 semaphore(%run_scoped3A : memref<!tpu.dma_semaphore, #tpu.memory_space<semaphore_mem>>) src(%dma_wait3A_34 : memref<128xi32, #tpu.memory_space<hbm>>) dst(%arg10 : memref<128xi32, #tpu.memory_space<vmem>>)
        tpu.yield
      }) : () -> ()
      %dma_start3A_21 = arith.constant 0 : i32
      %dma_start3A_22 = arith.constant 0 : i32
      %dma_start3A_23 = tpu.memref_slice %arg4[%dma_start3A_21, %dma_start3A_22] : memref<50000x16xf32, #tpu.memory_space<hbm>> -> memref<50000x16xf32, #tpu.memory_space<hbm>>
      tpu.enqueue_indirect_dma source(%dma_start3A_23 : memref<50000x16xf32, #tpu.memory_space<hbm>>) target(%arg12 : memref<128x16xf32, #tpu.memory_space<vmem>>) offsets(%arg9 : memref<128xi32, #tpu.memory_space<vmem>>) semaphore(%arg15 : memref<!tpu.dma_semaphore, #tpu.memory_space<semaphore_mem>>)
      %dma_wait3A = arith.constant 0 : i32
      %dma_wait3A_24 = arith.constant 0 : i32
      %dma_wait3A_25 = tpu.memref_slice %arg4[%dma_wait3A, %dma_wait3A_24] : memref<50000x16xf32, #tpu.memory_space<hbm>> -> memref<50000x16xf32, #tpu.memory_space<hbm>>
      tpu.wait_indirect_dma semaphore(%arg14 : memref<!tpu.dma_semaphore, #tpu.memory_space<semaphore_mem>>) src(%dma_wait3A_25 : memref<50000x16xf32, #tpu.memory_space<hbm>>) dst(%arg11 : memref<128x16xf32, #tpu.memory_space<vmem>>)
      "tpu.region"() ({
        %run_scoped3A = tpu.sem_alloc : memref<!tpu.dma_semaphore, #tpu.memory_space<semaphore_mem>>
        %dma_start3A_31 = arith.constant 0 : i32
        %dma_start3A_32 = arith.constant 0 : i32
        %dma_start3A_33 = tpu.memref_slice %arg13[%dma_start3A_31, %dma_start3A_32] : memref<50176x16xf32, #tpu.memory_space<vmem_shared>> -> memref<50176x16xf32, #tpu.memory_space<vmem_shared>>
        tpu.enqueue_indirect_dma source(%arg11 : memref<128x16xf32, #tpu.memory_space<vmem>>) target(%dma_start3A_33 : memref<50176x16xf32, #tpu.memory_space<vmem_shared>>) offsets(%arg8 : memref<128xi32, #tpu.memory_space<vmem>>) semaphore(%run_scoped3A : memref<!tpu.dma_semaphore, #tpu.memory_space<semaphore_mem>>) {add = true}
        %dma_wait3A_34 = arith.constant 0 : i32
        %dma_wait3A_35 = arith.constant 0 : i32
        %dma_wait3A_36 = tpu.memref_slice %arg13[%dma_wait3A_34, %dma_wait3A_35] : memref<50176x16xf32, #tpu.memory_space<vmem_shared>> -> memref<50176x16xf32, #tpu.memory_space<vmem_shared>>
        tpu.wait_indirect_dma semaphore(%run_scoped3A : memref<!tpu.dma_semaphore, #tpu.memory_space<semaphore_mem>>) src(%arg11 : memref<128x16xf32, #tpu.memory_space<vmem>>) dst(%dma_wait3A_36 : memref<50176x16xf32, #tpu.memory_space<vmem_shared>>)
        tpu.yield
      }) : () -> ()
      %lt3A = arith.constant 97 : i32
      %lt3A_26 = arith.cmpi slt, %scan3A_13, %lt3A : i32
      %convert_element_type3A = arith.extui %lt3A_26 : i1 to i32
      %cond3A = arith.constant 0 : i32
      %cond3A_27 = arith.cmpi ne, %convert_element_type3A, %cond3A : i32
      scf.if %cond3A_27 {
        %mul3A_31 = arith.constant 2 : i32
        %mul3A_32 = arith.muli %mul3A_31, %scan3A_13 : i32
        %add3A_33 = arith.constant 2 : i32
        %add3A_34 = arith.addi %mul3A_32, %add3A_33 : i32
        %mul3A_35 = arith.constant 128 : i32
        %mul3A_36 = arith.muli %add3A_34, %mul3A_35 : i32
        %add3A_37 = arith.addi %add3A, %mul3A_36 : i32
        "tpu.region"() ({
          %run_scoped3A = tpu.sem_alloc : memref<!tpu.dma_semaphore, #tpu.memory_space<semaphore_mem>>
          %dma_start3A_41 = tpu.memref_slice %arg2[%add3A_37] : memref<802816xi32, #tpu.memory_space<hbm>> -> memref<128xi32, #tpu.memory_space<hbm>>
          %dma_start3A_42 = tpu.memref_slice %arg2[%add3A_37] : memref<802816xi32, #tpu.memory_space<hbm>> -> memref<128xi32, #tpu.memory_space<hbm>>
          tpu.enqueue_dma source(%dma_start3A_42 : memref<128xi32, #tpu.memory_space<hbm>>) target(%arg7 : memref<128xi32, #tpu.memory_space<vmem>>) target_semaphore(%run_scoped3A : memref<!tpu.dma_semaphore, #tpu.memory_space<semaphore_mem>>)
          %dma_wait3A_43 = tpu.memref_slice %arg2[%add3A_37] : memref<802816xi32, #tpu.memory_space<hbm>> -> memref<128xi32, #tpu.memory_space<hbm>>
          %dma_wait3A_44 = tpu.memref_slice %arg2[%add3A_37] : memref<802816xi32, #tpu.memory_space<hbm>> -> memref<128xi32, #tpu.memory_space<hbm>>
          tpu.wait_dma2 semaphore(%run_scoped3A : memref<!tpu.dma_semaphore, #tpu.memory_space<semaphore_mem>>) src(%dma_wait3A_44 : memref<128xi32, #tpu.memory_space<hbm>>) dst(%arg7 : memref<128xi32, #tpu.memory_space<vmem>>)
          tpu.yield
        }) : () -> ()
        "tpu.region"() ({
          %run_scoped3A = tpu.sem_alloc : memref<!tpu.dma_semaphore, #tpu.memory_space<semaphore_mem>>
          %dma_start3A_41 = tpu.memref_slice %arg3[%add3A_37] : memref<802816xi32, #tpu.memory_space<hbm>> -> memref<128xi32, #tpu.memory_space<hbm>>
          %dma_start3A_42 = tpu.memref_slice %arg3[%add3A_37] : memref<802816xi32, #tpu.memory_space<hbm>> -> memref<128xi32, #tpu.memory_space<hbm>>
          tpu.enqueue_dma source(%dma_start3A_42 : memref<128xi32, #tpu.memory_space<hbm>>) target(%arg8 : memref<128xi32, #tpu.memory_space<vmem>>) target_semaphore(%run_scoped3A : memref<!tpu.dma_semaphore, #tpu.memory_space<semaphore_mem>>)
          %dma_wait3A_43 = tpu.memref_slice %arg3[%add3A_37] : memref<802816xi32, #tpu.memory_space<hbm>> -> memref<128xi32, #tpu.memory_space<hbm>>
          %dma_wait3A_44 = tpu.memref_slice %arg3[%add3A_37] : memref<802816xi32, #tpu.memory_space<hbm>> -> memref<128xi32, #tpu.memory_space<hbm>>
          tpu.wait_dma2 semaphore(%run_scoped3A : memref<!tpu.dma_semaphore, #tpu.memory_space<semaphore_mem>>) src(%dma_wait3A_44 : memref<128xi32, #tpu.memory_space<hbm>>) dst(%arg8 : memref<128xi32, #tpu.memory_space<vmem>>)
          tpu.yield
        }) : () -> ()
        %dma_start3A_38 = arith.constant 0 : i32
        %dma_start3A_39 = arith.constant 0 : i32
        %dma_start3A_40 = tpu.memref_slice %arg4[%dma_start3A_38, %dma_start3A_39] : memref<50000x16xf32, #tpu.memory_space<hbm>> -> memref<50000x16xf32, #tpu.memory_space<hbm>>
        tpu.enqueue_indirect_dma source(%dma_start3A_40 : memref<50000x16xf32, #tpu.memory_space<hbm>>) target(%arg11 : memref<128x16xf32, #tpu.memory_space<vmem>>) offsets(%arg7 : memref<128xi32, #tpu.memory_space<vmem>>) semaphore(%arg14 : memref<!tpu.dma_semaphore, #tpu.memory_space<semaphore_mem>>)
      } else {
      }
      %dma_wait3A_28 = arith.constant 0 : i32
      %dma_wait3A_29 = arith.constant 0 : i32
      %dma_wait3A_30 = tpu.memref_slice %arg4[%dma_wait3A_28, %dma_wait3A_29] : memref<50000x16xf32, #tpu.memory_space<hbm>> -> memref<50000x16xf32, #tpu.memory_space<hbm>>
      tpu.wait_indirect_dma semaphore(%arg15 : memref<!tpu.dma_semaphore, #tpu.memory_space<semaphore_mem>>) src(%dma_wait3A_30 : memref<50000x16xf32, #tpu.memory_space<hbm>>) dst(%arg12 : memref<128x16xf32, #tpu.memory_space<vmem>>)
      "tpu.region"() ({
        %run_scoped3A = tpu.sem_alloc : memref<!tpu.dma_semaphore, #tpu.memory_space<semaphore_mem>>
        %dma_start3A_31 = arith.constant 0 : i32
        %dma_start3A_32 = arith.constant 0 : i32
        %dma_start3A_33 = tpu.memref_slice %arg13[%dma_start3A_31, %dma_start3A_32] : memref<50176x16xf32, #tpu.memory_space<vmem_shared>> -> memref<50176x16xf32, #tpu.memory_space<vmem_shared>>
        tpu.enqueue_indirect_dma source(%arg12 : memref<128x16xf32, #tpu.memory_space<vmem>>) target(%dma_start3A_33 : memref<50176x16xf32, #tpu.memory_space<vmem_shared>>) offsets(%arg10 : memref<128xi32, #tpu.memory_space<vmem>>) semaphore(%run_scoped3A : memref<!tpu.dma_semaphore, #tpu.memory_space<semaphore_mem>>) {add = true}
        %dma_wait3A_34 = arith.constant 0 : i32
        %dma_wait3A_35 = arith.constant 0 : i32
        %dma_wait3A_36 = tpu.memref_slice %arg13[%dma_wait3A_34, %dma_wait3A_35] : memref<50176x16xf32, #tpu.memory_space<vmem_shared>> -> memref<50176x16xf32, #tpu.memory_space<vmem_shared>>
        tpu.wait_indirect_dma semaphore(%run_scoped3A : memref<!tpu.dma_semaphore, #tpu.memory_space<semaphore_mem>>) src(%arg12 : memref<128x16xf32, #tpu.memory_space<vmem>>) dst(%dma_wait3A_36 : memref<50176x16xf32, #tpu.memory_space<vmem_shared>>)
        tpu.yield
      }) : () -> ()
    }
    %scan3A_11 = arith.constant 98 : i32
    %barrier3A_12 = arith.constant 0 : index
    tpu.barrier barrier_id(%barrier3A_12)
    "tpu.region"() ({
      %run_scoped3A = tpu.sem_alloc : memref<!tpu.dma_semaphore, #tpu.memory_space<semaphore_mem>>
      %dma_start3A_13 = arith.constant 0 : i32
      %dma_start3A_14 = tpu.memref_slice %arg6[%arg0, %mul3A_0, %dma_start3A_13] : memref<2x50176x16xf32, #tpu.memory_space<hbm>> -> memref<1x3136x16xf32, #tpu.memory_space<hbm>>
      %dma_start3A_15 = tpu.memref_squeeze %dma_start3A_14 : memref<1x3136x16xf32, #tpu.memory_space<hbm>> -> memref<3136x16xf32, #tpu.memory_space<hbm>>
      %dma_start3A_16 = arith.constant 0 : i32
      %dma_start3A_17 = tpu.memref_slice %arg13[%mul3A_0, %dma_start3A_16] : memref<50176x16xf32, #tpu.memory_space<vmem_shared>> -> memref<3136x16xf32, #tpu.memory_space<vmem_shared>>
      tpu.enqueue_dma source(%dma_start3A_17 : memref<3136x16xf32, #tpu.memory_space<vmem_shared>>) target(%dma_start3A_15 : memref<3136x16xf32, #tpu.memory_space<hbm>>) target_semaphore(%run_scoped3A : memref<!tpu.dma_semaphore, #tpu.memory_space<semaphore_mem>>)
      %dma_wait3A = arith.constant 0 : i32
      %dma_wait3A_18 = tpu.memref_slice %arg6[%arg0, %mul3A_0, %dma_wait3A] : memref<2x50176x16xf32, #tpu.memory_space<hbm>> -> memref<1x3136x16xf32, #tpu.memory_space<hbm>>
      %dma_wait3A_19 = tpu.memref_squeeze %dma_wait3A_18 : memref<1x3136x16xf32, #tpu.memory_space<hbm>> -> memref<3136x16xf32, #tpu.memory_space<hbm>>
      %dma_wait3A_20 = arith.constant 0 : i32
      %dma_wait3A_21 = tpu.memref_slice %arg13[%mul3A_0, %dma_wait3A_20] : memref<50176x16xf32, #tpu.memory_space<vmem_shared>> -> memref<3136x16xf32, #tpu.memory_space<vmem_shared>>
      tpu.wait_dma2 semaphore(%run_scoped3A : memref<!tpu.dma_semaphore, #tpu.memory_space<semaphore_mem>>) src(%dma_wait3A_21 : memref<3136x16xf32, #tpu.memory_space<vmem_shared>>) dst(%dma_wait3A_19 : memref<3136x16xf32, #tpu.memory_space<hbm>>)
      tpu.yield
    }) : () -> ()
    return
  }
}

#map = affine_map<(d0, d1) -> (0)>
#map1 = affine_map<(d0, d1) -> (0, 0)>
#map2 = affine_map<(d0, d1) -> (0, 0, 0)>
module attributes {stable_mosaic.version = 14 : i64} {
  func.func @_sc_attn(%arg0: i32, %arg1: i32, %arg2: memref<802816xi32, #tpu.memory_space<hbm>>, %arg3: memref<802816xi32, #tpu.memory_space<hbm>>, %arg4: memref<50000x16xf32, #tpu.memory_space<hbm>>, %arg5: memref<50000x16xf32, #tpu.memory_space<hbm>>, %arg6: memref<50000x16xf32, #tpu.memory_space<hbm>>, %arg7: memref<16xf32, #tpu.memory_space<hbm>>, %arg8: memref<16xf32, #tpu.memory_space<hbm>>, %arg9: memref<50176x16xf32, #tpu.memory_space<hbm>>, %arg10: memref<2x50176x16xf32, #tpu.memory_space<hbm>>, %arg11: memref<2x50176x16xf32, #tpu.memory_space<hbm>>, %arg12: memref<128xi32, #tpu.memory_space<vmem>>, %arg13: memref<128xi32, #tpu.memory_space<vmem>>, %arg14: memref<128xi32, #tpu.memory_space<vmem>>, %arg15: memref<128xi32, #tpu.memory_space<vmem>>, %arg16: memref<128x16xf32, #tpu.memory_space<vmem>>, %arg17: memref<128x16xf32, #tpu.memory_space<vmem>>, %arg18: memref<128x16xf32, #tpu.memory_space<vmem>>, %arg19: memref<128x16xf32, #tpu.memory_space<vmem>>, %arg20: memref<128x16xf32, #tpu.memory_space<vmem>>, %arg21: memref<128x16xf32, #tpu.memory_space<vmem>>, %arg22: memref<128x16xf32, #tpu.memory_space<vmem>>, %arg23: memref<128x16xf32, #tpu.memory_space<vmem>>, %arg24: memref<16xf32, #tpu.memory_space<vmem>>, %arg25: memref<16xf32, #tpu.memory_space<vmem>>, %arg26: memref<50176x16xf32, #tpu.memory_space<vmem_shared>>, %arg27: memref<50176x16xf32, #tpu.memory_space<vmem_shared>>, %arg28: memref<!tpu.dma_semaphore, #tpu.memory_space<semaphore_mem>>, %arg29: memref<!tpu.dma_semaphore, #tpu.memory_space<semaphore_mem>>) attributes {dimension_semantics = [#tpu.dimension_semantics<core_parallel>, #tpu.dimension_semantics<subcore_parallel>], iteration_bounds = array<i64: 2, 16>, scalar_prefetch = 0 : i64, scratch_operands = 18 : i64, tpu.core_type = #tpu.core_type<sc_vector_subcore>, window_params = [{transform_indices = #map}, {transform_indices = #map}, {transform_indices = #map1}, {transform_indices = #map1}, {transform_indices = #map1}, {transform_indices = #map}, {transform_indices = #map}, {transform_indices = #map1}, {transform_indices = #map2}, {transform_indices = #map2}]} {
    %mul3A = arith.constant 3136 : i32
    %mul3A_0 = arith.muli %arg1, %mul3A : i32
    "tpu.region"() ({
      %run_scoped3A = tpu.sem_alloc : memref<!tpu.dma_semaphore, #tpu.memory_space<semaphore_mem>>
      tpu.enqueue_dma source(%arg7 : memref<16xf32, #tpu.memory_space<hbm>>) target(%arg24 : memref<16xf32, #tpu.memory_space<vmem>>) target_semaphore(%run_scoped3A : memref<!tpu.dma_semaphore, #tpu.memory_space<semaphore_mem>>)
      tpu.wait_dma2 semaphore(%run_scoped3A : memref<!tpu.dma_semaphore, #tpu.memory_space<semaphore_mem>>) src(%arg7 : memref<16xf32, #tpu.memory_space<hbm>>) dst(%arg24 : memref<16xf32, #tpu.memory_space<vmem>>)
      tpu.yield
    }) : () -> ()
    "tpu.region"() ({
      %run_scoped3A = tpu.sem_alloc : memref<!tpu.dma_semaphore, #tpu.memory_space<semaphore_mem>>
      tpu.enqueue_dma source(%arg8 : memref<16xf32, #tpu.memory_space<hbm>>) target(%arg25 : memref<16xf32, #tpu.memory_space<vmem>>) target_semaphore(%run_scoped3A : memref<!tpu.dma_semaphore, #tpu.memory_space<semaphore_mem>>)
      tpu.wait_dma2 semaphore(%run_scoped3A : memref<!tpu.dma_semaphore, #tpu.memory_space<semaphore_mem>>) src(%arg8 : memref<16xf32, #tpu.memory_space<hbm>>) dst(%arg25 : memref<16xf32, #tpu.memory_space<vmem>>)
      tpu.yield
    }) : () -> ()
    "tpu.region"() ({
      %run_scoped3A = tpu.sem_alloc : memref<!tpu.dma_semaphore, #tpu.memory_space<semaphore_mem>>
      %dma_start3A_25 = arith.constant 0 : i32
      %dma_start3A_26 = tpu.memref_slice %arg26[%mul3A_0, %dma_start3A_25] : memref<50176x16xf32, #tpu.memory_space<vmem_shared>> -> memref<3136x16xf32, #tpu.memory_space<vmem_shared>>
      %dma_start3A_27 = arith.constant 0 : i32
      %dma_start3A_28 = tpu.memref_slice %arg9[%mul3A_0, %dma_start3A_27] : memref<50176x16xf32, #tpu.memory_space<hbm>> -> memref<3136x16xf32, #tpu.memory_space<hbm>>
      tpu.enqueue_dma source(%dma_start3A_28 : memref<3136x16xf32, #tpu.memory_space<hbm>>) target(%dma_start3A_26 : memref<3136x16xf32, #tpu.memory_space<vmem_shared>>) target_semaphore(%run_scoped3A : memref<!tpu.dma_semaphore, #tpu.memory_space<semaphore_mem>>)
      %dma_wait3A = arith.constant 0 : i32
      %dma_wait3A_29 = tpu.memref_slice %arg26[%mul3A_0, %dma_wait3A] : memref<50176x16xf32, #tpu.memory_space<vmem_shared>> -> memref<3136x16xf32, #tpu.memory_space<vmem_shared>>
      %dma_wait3A_30 = arith.constant 0 : i32
      %dma_wait3A_31 = tpu.memref_slice %arg9[%mul3A_0, %dma_wait3A_30] : memref<50176x16xf32, #tpu.memory_space<hbm>> -> memref<3136x16xf32, #tpu.memory_space<hbm>>
      tpu.wait_dma2 semaphore(%run_scoped3A : memref<!tpu.dma_semaphore, #tpu.memory_space<semaphore_mem>>) src(%dma_wait3A_31 : memref<3136x16xf32, #tpu.memory_space<hbm>>) dst(%dma_wait3A_29 : memref<3136x16xf32, #tpu.memory_space<vmem_shared>>)
      tpu.yield
    }) : () -> ()
    "tpu.region"() ({
      %run_scoped3A = tpu.sem_alloc : memref<!tpu.dma_semaphore, #tpu.memory_space<semaphore_mem>>
      %dma_start3A_25 = arith.constant 0 : i32
      %dma_start3A_26 = tpu.memref_slice %arg27[%mul3A_0, %dma_start3A_25] : memref<50176x16xf32, #tpu.memory_space<vmem_shared>> -> memref<3136x16xf32, #tpu.memory_space<vmem_shared>>
      %dma_start3A_27 = arith.constant 0 : i32
      %dma_start3A_28 = tpu.memref_slice %arg9[%mul3A_0, %dma_start3A_27] : memref<50176x16xf32, #tpu.memory_space<hbm>> -> memref<3136x16xf32, #tpu.memory_space<hbm>>
      tpu.enqueue_dma source(%dma_start3A_28 : memref<3136x16xf32, #tpu.memory_space<hbm>>) target(%dma_start3A_26 : memref<3136x16xf32, #tpu.memory_space<vmem_shared>>) target_semaphore(%run_scoped3A : memref<!tpu.dma_semaphore, #tpu.memory_space<semaphore_mem>>)
      %dma_wait3A = arith.constant 0 : i32
      %dma_wait3A_29 = tpu.memref_slice %arg27[%mul3A_0, %dma_wait3A] : memref<50176x16xf32, #tpu.memory_space<vmem_shared>> -> memref<3136x16xf32, #tpu.memory_space<vmem_shared>>
      %dma_wait3A_30 = arith.constant 0 : i32
      %dma_wait3A_31 = tpu.memref_slice %arg9[%mul3A_0, %dma_wait3A_30] : memref<50176x16xf32, #tpu.memory_space<hbm>> -> memref<3136x16xf32, #tpu.memory_space<hbm>>
      tpu.wait_dma2 semaphore(%run_scoped3A : memref<!tpu.dma_semaphore, #tpu.memory_space<semaphore_mem>>) src(%dma_wait3A_31 : memref<3136x16xf32, #tpu.memory_space<hbm>>) dst(%dma_wait3A_29 : memref<3136x16xf32, #tpu.memory_space<vmem_shared>>)
      tpu.yield
    }) : () -> ()
    %barrier3A = arith.constant 0 : index
    tpu.barrier barrier_id(%barrier3A)
    %get3A = arith.constant 0 : index
    %get3A_1 = tpu.vector_load %arg24[%get3A] {strides = array<i32>} : memref<16xf32, #tpu.memory_space<vmem>>, vector<16xf32>,
    %get3A_2 = vector.shape_cast %get3A_1 : vector<16xf32> to vector<16xf32>
    %get3A_3 = arith.constant 0 : index
    %get3A_4 = tpu.vector_load %arg25[%get3A_3] {strides = array<i32>} : memref<16xf32, #tpu.memory_space<vmem>>, vector<16xf32>,
    %get3A_5 = vector.shape_cast %get3A_4 : vector<16xf32> to vector<16xf32>
    %mul3A_6 = arith.mulf %get3A_2, %get3A_5 : vector<16xf32>
    %mul3A_7 = arith.constant 401408 : i32
    %mul3A_8 = arith.muli %arg0, %mul3A_7 : i32
    %mul3A_9 = arith.constant 25088 : i32
    %mul3A_10 = arith.muli %arg1, %mul3A_9 : i32
    %add3A = arith.addi %mul3A_8, %mul3A_10 : i32
    "tpu.region"() ({
      %run_scoped3A = tpu.sem_alloc : memref<!tpu.dma_semaphore, #tpu.memory_space<semaphore_mem>>
      %dma_start3A_25 = tpu.memref_slice %arg2[%add3A] : memref<802816xi32, #tpu.memory_space<hbm>> -> memref<128xi32, #tpu.memory_space<hbm>>
      %dma_start3A_26 = tpu.memref_slice %arg2[%add3A] : memref<802816xi32, #tpu.memory_space<hbm>> -> memref<128xi32, #tpu.memory_space<hbm>>
      tpu.enqueue_dma source(%dma_start3A_26 : memref<128xi32, #tpu.memory_space<hbm>>) target(%arg12 : memref<128xi32, #tpu.memory_space<vmem>>) target_semaphore(%run_scoped3A : memref<!tpu.dma_semaphore, #tpu.memory_space<semaphore_mem>>)
      %dma_wait3A = tpu.memref_slice %arg2[%add3A] : memref<802816xi32, #tpu.memory_space<hbm>> -> memref<128xi32, #tpu.memory_space<hbm>>
      %dma_wait3A_27 = tpu.memref_slice %arg2[%add3A] : memref<802816xi32, #tpu.memory_space<hbm>> -> memref<128xi32, #tpu.memory_space<hbm>>
      tpu.wait_dma2 semaphore(%run_scoped3A : memref<!tpu.dma_semaphore, #tpu.memory_space<semaphore_mem>>) src(%dma_wait3A_27 : memref<128xi32, #tpu.memory_space<hbm>>) dst(%arg12 : memref<128xi32, #tpu.memory_space<vmem>>)
      tpu.yield
    }) : () -> ()
    "tpu.region"() ({
      %run_scoped3A = tpu.sem_alloc : memref<!tpu.dma_semaphore, #tpu.memory_space<semaphore_mem>>
      %dma_start3A_25 = tpu.memref_slice %arg3[%add3A] : memref<802816xi32, #tpu.memory_space<hbm>> -> memref<128xi32, #tpu.memory_space<hbm>>
      %dma_start3A_26 = tpu.memref_slice %arg3[%add3A] : memref<802816xi32, #tpu.memory_space<hbm>> -> memref<128xi32, #tpu.memory_space<hbm>>
      tpu.enqueue_dma source(%dma_start3A_26 : memref<128xi32, #tpu.memory_space<hbm>>) target(%arg13 : memref<128xi32, #tpu.memory_space<vmem>>) target_semaphore(%run_scoped3A : memref<!tpu.dma_semaphore, #tpu.memory_space<semaphore_mem>>)
      %dma_wait3A = tpu.memref_slice %arg3[%add3A] : memref<802816xi32, #tpu.memory_space<hbm>> -> memref<128xi32, #tpu.memory_space<hbm>>
      %dma_wait3A_27 = tpu.memref_slice %arg3[%add3A] : memref<802816xi32, #tpu.memory_space<hbm>> -> memref<128xi32, #tpu.memory_space<hbm>>
      tpu.wait_dma2 semaphore(%run_scoped3A : memref<!tpu.dma_semaphore, #tpu.memory_space<semaphore_mem>>) src(%dma_wait3A_27 : memref<128xi32, #tpu.memory_space<hbm>>) dst(%arg13 : memref<128xi32, #tpu.memory_space<vmem>>)
      tpu.yield
    }) : () -> ()
    %dma_start3A = arith.constant 0 : i32
    %dma_start3A_11 = arith.constant 0 : i32
    %dma_start3A_12 = tpu.memref_slice %arg4[%dma_start3A, %dma_start3A_11] : memref<50000x16xf32, #tpu.memory_space<hbm>> -> memref<50000x16xf32, #tpu.memory_space<hbm>>
    tpu.enqueue_indirect_dma source(%dma_start3A_12 : memref<50000x16xf32, #tpu.memory_space<hbm>>) target(%arg16 : memref<128x16xf32, #tpu.memory_space<vmem>>) offsets(%arg13 : memref<128xi32, #tpu.memory_space<vmem>>) semaphore(%arg28 : memref<!tpu.dma_semaphore, #tpu.memory_space<semaphore_mem>>)
    %dma_start3A_13 = arith.constant 0 : i32
    %dma_start3A_14 = arith.constant 0 : i32
    %dma_start3A_15 = tpu.memref_slice %arg5[%dma_start3A_13, %dma_start3A_14] : memref<50000x16xf32, #tpu.memory_space<hbm>> -> memref<50000x16xf32, #tpu.memory_space<hbm>>
    tpu.enqueue_indirect_dma source(%dma_start3A_15 : memref<50000x16xf32, #tpu.memory_space<hbm>>) target(%arg17 : memref<128x16xf32, #tpu.memory_space<vmem>>) offsets(%arg12 : memref<128xi32, #tpu.memory_space<vmem>>) semaphore(%arg28 : memref<!tpu.dma_semaphore, #tpu.memory_space<semaphore_mem>>)
    %dma_start3A_16 = arith.constant 0 : i32
    %dma_start3A_17 = arith.constant 0 : i32
    %dma_start3A_18 = tpu.memref_slice %arg6[%dma_start3A_16, %dma_start3A_17] : memref<50000x16xf32, #tpu.memory_space<hbm>> -> memref<50000x16xf32, #tpu.memory_space<hbm>>
    tpu.enqueue_indirect_dma source(%dma_start3A_18 : memref<50000x16xf32, #tpu.memory_space<hbm>>) target(%arg18 : memref<128x16xf32, #tpu.memory_space<vmem>>) offsets(%arg12 : memref<128xi32, #tpu.memory_space<vmem>>) semaphore(%arg28 : memref<!tpu.dma_semaphore, #tpu.memory_space<semaphore_mem>>)
    %scan3A = arith.constant 0 : i32
    %scan3A_19 = arith.constant 0 : i32
    %scan3A_20 = arith.constant 98 : i32
    %scan3A_21 = arith.addi %scan3A_19, %scan3A_20 : i32
    %scan3A_22 = arith.constant 1 : i32
    scf.for %scan3A_25 = %scan3A_19 to %scan3A_21 step %scan3A_22  : i32 {
      %mul3A_26 = arith.constant 2 : i32
      %mul3A_27 = arith.muli %mul3A_26, %scan3A_25 : i32
      %add3A_28 = arith.constant 1 : i32
      %add3A_29 = arith.addi %mul3A_27, %add3A_28 : i32
      %mul3A_30 = arith.constant 128 : i32
      %mul3A_31 = arith.muli %add3A_29, %mul3A_30 : i32
      %add3A_32 = arith.addi %add3A, %mul3A_31 : i32
      "tpu.region"() ({
        %run_scoped3A = tpu.sem_alloc : memref<!tpu.dma_semaphore, #tpu.memory_space<semaphore_mem>>
        %dma_start3A_73 = tpu.memref_slice %arg2[%add3A_32] : memref<802816xi32, #tpu.memory_space<hbm>> -> memref<128xi32, #tpu.memory_space<hbm>>
        %dma_start3A_74 = tpu.memref_slice %arg2[%add3A_32] : memref<802816xi32, #tpu.memory_space<hbm>> -> memref<128xi32, #tpu.memory_space<hbm>>
        tpu.enqueue_dma source(%dma_start3A_74 : memref<128xi32, #tpu.memory_space<hbm>>) target(%arg14 : memref<128xi32, #tpu.memory_space<vmem>>) target_semaphore(%run_scoped3A : memref<!tpu.dma_semaphore, #tpu.memory_space<semaphore_mem>>)
        %dma_wait3A_75 = tpu.memref_slice %arg2[%add3A_32] : memref<802816xi32, #tpu.memory_space<hbm>> -> memref<128xi32, #tpu.memory_space<hbm>>
        %dma_wait3A_76 = tpu.memref_slice %arg2[%add3A_32] : memref<802816xi32, #tpu.memory_space<hbm>> -> memref<128xi32, #tpu.memory_space<hbm>>
        tpu.wait_dma2 semaphore(%run_scoped3A : memref<!tpu.dma_semaphore, #tpu.memory_space<semaphore_mem>>) src(%dma_wait3A_76 : memref<128xi32, #tpu.memory_space<hbm>>) dst(%arg14 : memref<128xi32, #tpu.memory_space<vmem>>)
        tpu.yield
      }) : () -> ()
      "tpu.region"() ({
        %run_scoped3A = tpu.sem_alloc : memref<!tpu.dma_semaphore, #tpu.memory_space<semaphore_mem>>
        %dma_start3A_73 = tpu.memref_slice %arg3[%add3A_32] : memref<802816xi32, #tpu.memory_space<hbm>> -> memref<128xi32, #tpu.memory_space<hbm>>
        %dma_start3A_74 = tpu.memref_slice %arg3[%add3A_32] : memref<802816xi32, #tpu.memory_space<hbm>> -> memref<128xi32, #tpu.memory_space<hbm>>
        tpu.enqueue_dma source(%dma_start3A_74 : memref<128xi32, #tpu.memory_space<hbm>>) target(%arg15 : memref<128xi32, #tpu.memory_space<vmem>>) target_semaphore(%run_scoped3A : memref<!tpu.dma_semaphore, #tpu.memory_space<semaphore_mem>>)
        %dma_wait3A_75 = tpu.memref_slice %arg3[%add3A_32] : memref<802816xi32, #tpu.memory_space<hbm>> -> memref<128xi32, #tpu.memory_space<hbm>>
        %dma_wait3A_76 = tpu.memref_slice %arg3[%add3A_32] : memref<802816xi32, #tpu.memory_space<hbm>> -> memref<128xi32, #tpu.memory_space<hbm>>
        tpu.wait_dma2 semaphore(%run_scoped3A : memref<!tpu.dma_semaphore, #tpu.memory_space<semaphore_mem>>) src(%dma_wait3A_76 : memref<128xi32, #tpu.memory_space<hbm>>) dst(%arg15 : memref<128xi32, #tpu.memory_space<vmem>>)
        tpu.yield
      }) : () -> ()
      %dma_start3A_33 = arith.constant 0 : i32
      %dma_start3A_34 = arith.constant 0 : i32
      %dma_start3A_35 = tpu.memref_slice %arg4[%dma_start3A_33, %dma_start3A_34] : memref<50000x16xf32, #tpu.memory_space<hbm>> -> memref<50000x16xf32, #tpu.memory_space<hbm>>
      tpu.enqueue_indirect_dma source(%dma_start3A_35 : memref<50000x16xf32, #tpu.memory_space<hbm>>) target(%arg19 : memref<128x16xf32, #tpu.memory_space<vmem>>) offsets(%arg15 : memref<128xi32, #tpu.memory_space<vmem>>) semaphore(%arg29 : memref<!tpu.dma_semaphore, #tpu.memory_space<semaphore_mem>>)
      %dma_start3A_36 = arith.constant 0 : i32
      %dma_start3A_37 = arith.constant 0 : i32
      %dma_start3A_38 = tpu.memref_slice %arg5[%dma_start3A_36, %dma_start3A_37] : memref<50000x16xf32, #tpu.memory_space<hbm>> -> memref<50000x16xf32, #tpu.memory_space<hbm>>
      tpu.enqueue_indirect_dma source(%dma_start3A_38 : memref<50000x16xf32, #tpu.memory_space<hbm>>) target(%arg20 : memref<128x16xf32, #tpu.memory_space<vmem>>) offsets(%arg14 : memref<128xi32, #tpu.memory_space<vmem>>) semaphore(%arg29 : memref<!tpu.dma_semaphore, #tpu.memory_space<semaphore_mem>>)
      %dma_start3A_39 = arith.constant 0 : i32
      %dma_start3A_40 = arith.constant 0 : i32
      %dma_start3A_41 = tpu.memref_slice %arg6[%dma_start3A_39, %dma_start3A_40] : memref<50000x16xf32, #tpu.memory_space<hbm>> -> memref<50000x16xf32, #tpu.memory_space<hbm>>
      tpu.enqueue_indirect_dma source(%dma_start3A_41 : memref<50000x16xf32, #tpu.memory_space<hbm>>) target(%arg21 : memref<128x16xf32, #tpu.memory_space<vmem>>) offsets(%arg14 : memref<128xi32, #tpu.memory_space<vmem>>) semaphore(%arg29 : memref<!tpu.dma_semaphore, #tpu.memory_space<semaphore_mem>>)
      %dma_wait3A = arith.constant 0 : i32
      %dma_wait3A_42 = arith.constant 0 : i32
      %dma_wait3A_43 = tpu.memref_slice %arg4[%dma_wait3A, %dma_wait3A_42] : memref<50000x16xf32, #tpu.memory_space<hbm>> -> memref<50000x16xf32, #tpu.memory_space<hbm>>
      tpu.wait_indirect_dma semaphore(%arg28 : memref<!tpu.dma_semaphore, #tpu.memory_space<semaphore_mem>>) src(%dma_wait3A_43 : memref<50000x16xf32, #tpu.memory_space<hbm>>) dst(%arg16 : memref<128x16xf32, #tpu.memory_space<vmem>>)
      %dma_wait3A_44 = arith.constant 0 : i32
      %dma_wait3A_45 = arith.constant 0 : i32
      %dma_wait3A_46 = tpu.memref_slice %arg4[%dma_wait3A_44, %dma_wait3A_45] : memref<50000x16xf32, #tpu.memory_space<hbm>> -> memref<50000x16xf32, #tpu.memory_space<hbm>>
      tpu.wait_indirect_dma semaphore(%arg28 : memref<!tpu.dma_semaphore, #tpu.memory_space<semaphore_mem>>) src(%dma_wait3A_46 : memref<50000x16xf32, #tpu.memory_space<hbm>>) dst(%arg17 : memref<128x16xf32, #tpu.memory_space<vmem>>)
      %dma_wait3A_47 = arith.constant 0 : i32
      %dma_wait3A_48 = arith.constant 0 : i32
      %dma_wait3A_49 = tpu.memref_slice %arg4[%dma_wait3A_47, %dma_wait3A_48] : memref<50000x16xf32, #tpu.memory_space<hbm>> -> memref<50000x16xf32, #tpu.memory_space<hbm>>
      tpu.wait_indirect_dma semaphore(%arg28 : memref<!tpu.dma_semaphore, #tpu.memory_space<semaphore_mem>>) src(%dma_wait3A_49 : memref<50000x16xf32, #tpu.memory_space<hbm>>) dst(%arg18 : memref<128x16xf32, #tpu.memory_space<vmem>>)
      %scan3A_50 = arith.constant 0 : i32
      %scan3A_51 = arith.constant 0 : i32
      %scan3A_52 = arith.constant 32 : i32
      %scan3A_53 = arith.addi %scan3A_51, %scan3A_52 : i32
      %scan3A_54 = arith.constant 1 : i32
      scf.for %scan3A_73 = %scan3A_51 to %scan3A_53 step %scan3A_54  : i32 {
        %mul3A_74 = arith.constant 4 : i32
        %mul3A_75 = arith.muli %mul3A_74, %scan3A_73 : i32
        %add3A_76 = arith.constant 0 : i32
        %add3A_77 = arith.addi %mul3A_75, %add3A_76 : i32
        %get3A_78 = arith.index_cast %add3A_77 : i32 to index
        %get3A_79 = arith.constant 0 : index
        %get3A_80 = tpu.vector_load %arg16[%get3A_78, %get3A_79] {strides = array<i32>} : memref<128x16xf32, #tpu.memory_space<vmem>>, vector<1x16xf32>,
        %get3A_81 = vector.shape_cast %get3A_80 : vector<1x16xf32> to vector<16xf32>
        %get3A_82 = arith.index_cast %add3A_77 : i32 to index
        %get3A_83 = arith.constant 0 : index
        %get3A_84 = tpu.vector_load %arg17[%get3A_82, %get3A_83] {strides = array<i32>} : memref<128x16xf32, #tpu.memory_space<vmem>>, vector<1x16xf32>,
        %get3A_85 = vector.shape_cast %get3A_84 : vector<1x16xf32> to vector<16xf32>
        %mul3A_86 = arith.mulf %get3A_81, %get3A_85 : vector<16xf32>
        %sub3A = arith.subf %mul3A_86, %mul3A_6 : vector<16xf32>
        %exp3A = math.exp %sub3A : vector<16xf32>
        %swap3A = arith.index_cast %add3A_77 : i32 to index
        %swap3A_87 = arith.constant 0 : index
        %swap3A_88 = tpu.vector_load %arg22[%swap3A, %swap3A_87] {strides = array<i32>} : memref<128x16xf32, #tpu.memory_space<vmem>>, vector<1x16xf32>,
        %swap3A_89 = vector.shape_cast %swap3A_88 : vector<1x16xf32> to vector<16xf32>
        %swap3A_90 = vector.shape_cast %exp3A : vector<16xf32> to vector<1x16xf32>
        tpu.vector_store %arg22[%swap3A, %swap3A_87], %swap3A_90 {strides = array<i32>} : memref<128x16xf32, #tpu.memory_space<vmem>>, vector<1x16xf32>,
        %get3A_91 = arith.index_cast %add3A_77 : i32 to index
        %get3A_92 = arith.constant 0 : index
        %get3A_93 = tpu.vector_load %arg18[%get3A_91, %get3A_92] {strides = array<i32>} : memref<128x16xf32, #tpu.memory_space<vmem>>, vector<1x16xf32>,
        %get3A_94 = vector.shape_cast %get3A_93 : vector<1x16xf32> to vector<16xf32>
        %mul3A_95 = arith.mulf %exp3A, %get3A_94 : vector<16xf32>
        %swap3A_96 = arith.index_cast %add3A_77 : i32 to index
        %swap3A_97 = arith.constant 0 : index
        %swap3A_98 = tpu.vector_load %arg23[%swap3A_96, %swap3A_97] {strides = array<i32>} : memref<128x16xf32, #tpu.memory_space<vmem>>, vector<1x16xf32>,
        %swap3A_99 = vector.shape_cast %swap3A_98 : vector<1x16xf32> to vector<16xf32>
        %swap3A_100 = vector.shape_cast %mul3A_95 : vector<16xf32> to vector<1x16xf32>
        tpu.vector_store %arg23[%swap3A_96, %swap3A_97], %swap3A_100 {strides = array<i32>} : memref<128x16xf32, #tpu.memory_space<vmem>>, vector<1x16xf32>,
        %mul3A_101 = arith.constant 4 : i32
        %mul3A_102 = arith.muli %mul3A_101, %scan3A_73 : i32
        %add3A_103 = arith.constant 1 : i32
        %add3A_104 = arith.addi %mul3A_102, %add3A_103 : i32
        %get3A_105 = arith.index_cast %add3A_104 : i32 to index
        %get3A_106 = arith.constant 0 : index
        %get3A_107 = tpu.vector_load %arg16[%get3A_105, %get3A_106] {strides = array<i32>} : memref<128x16xf32, #tpu.memory_space<vmem>>, vector<1x16xf32>,
        %get3A_108 = vector.shape_cast %get3A_107 : vector<1x16xf32> to vector<16xf32>
        %get3A_109 = arith.index_cast %add3A_104 : i32 to index
        %get3A_110 = arith.constant 0 : index
        %get3A_111 = tpu.vector_load %arg17[%get3A_109, %get3A_110] {strides = array<i32>} : memref<128x16xf32, #tpu.memory_space<vmem>>, vector<1x16xf32>,
        %get3A_112 = vector.shape_cast %get3A_111 : vector<1x16xf32> to vector<16xf32>
        %mul3A_113 = arith.mulf %get3A_108, %get3A_112 : vector<16xf32>
        %sub3A_114 = arith.subf %mul3A_113, %mul3A_6 : vector<16xf32>
        %exp3A_115 = math.exp %sub3A_114 : vector<16xf32>
        %swap3A_116 = arith.index_cast %add3A_104 : i32 to index
        %swap3A_117 = arith.constant 0 : index
        %swap3A_118 = tpu.vector_load %arg22[%swap3A_116, %swap3A_117] {strides = array<i32>} : memref<128x16xf32, #tpu.memory_space<vmem>>, vector<1x16xf32>,
        %swap3A_119 = vector.shape_cast %swap3A_118 : vector<1x16xf32> to vector<16xf32>
        %swap3A_120 = vector.shape_cast %exp3A_115 : vector<16xf32> to vector<1x16xf32>
        tpu.vector_store %arg22[%swap3A_116, %swap3A_117], %swap3A_120 {strides = array<i32>} : memref<128x16xf32, #tpu.memory_space<vmem>>, vector<1x16xf32>,
        %get3A_121 = arith.index_cast %add3A_104 : i32 to index
        %get3A_122 = arith.constant 0 : index
        %get3A_123 = tpu.vector_load %arg18[%get3A_121, %get3A_122] {strides = array<i32>} : memref<128x16xf32, #tpu.memory_space<vmem>>, vector<1x16xf32>,
        %get3A_124 = vector.shape_cast %get3A_123 : vector<1x16xf32> to vector<16xf32>
        %mul3A_125 = arith.mulf %exp3A_115, %get3A_124 : vector<16xf32>
        %swap3A_126 = arith.index_cast %add3A_104 : i32 to index
        %swap3A_127 = arith.constant 0 : index
        %swap3A_128 = tpu.vector_load %arg23[%swap3A_126, %swap3A_127] {strides = array<i32>} : memref<128x16xf32, #tpu.memory_space<vmem>>, vector<1x16xf32>,
        %swap3A_129 = vector.shape_cast %swap3A_128 : vector<1x16xf32> to vector<16xf32>
        %swap3A_130 = vector.shape_cast %mul3A_125 : vector<16xf32> to vector<1x16xf32>
        tpu.vector_store %arg23[%swap3A_126, %swap3A_127], %swap3A_130 {strides = array<i32>} : memref<128x16xf32, #tpu.memory_space<vmem>>, vector<1x16xf32>,
        %mul3A_131 = arith.constant 4 : i32
        %mul3A_132 = arith.muli %mul3A_131, %scan3A_73 : i32
        %add3A_133 = arith.constant 2 : i32
        %add3A_134 = arith.addi %mul3A_132, %add3A_133 : i32
        %get3A_135 = arith.index_cast %add3A_134 : i32 to index
        %get3A_136 = arith.constant 0 : index
        %get3A_137 = tpu.vector_load %arg16[%get3A_135, %get3A_136] {strides = array<i32>} : memref<128x16xf32, #tpu.memory_space<vmem>>, vector<1x16xf32>,
        %get3A_138 = vector.shape_cast %get3A_137 : vector<1x16xf32> to vector<16xf32>
        %get3A_139 = arith.index_cast %add3A_134 : i32 to index
        %get3A_140 = arith.constant 0 : index
        %get3A_141 = tpu.vector_load %arg17[%get3A_139, %get3A_140] {strides = array<i32>} : memref<128x16xf32, #tpu.memory_space<vmem>>, vector<1x16xf32>,
        %get3A_142 = vector.shape_cast %get3A_141 : vector<1x16xf32> to vector<16xf32>
        %mul3A_143 = arith.mulf %get3A_138, %get3A_142 : vector<16xf32>
        %sub3A_144 = arith.subf %mul3A_143, %mul3A_6 : vector<16xf32>
        %exp3A_145 = math.exp %sub3A_144 : vector<16xf32>
        %swap3A_146 = arith.index_cast %add3A_134 : i32 to index
        %swap3A_147 = arith.constant 0 : index
        %swap3A_148 = tpu.vector_load %arg22[%swap3A_146, %swap3A_147] {strides = array<i32>} : memref<128x16xf32, #tpu.memory_space<vmem>>, vector<1x16xf32>,
        %swap3A_149 = vector.shape_cast %swap3A_148 : vector<1x16xf32> to vector<16xf32>
        %swap3A_150 = vector.shape_cast %exp3A_145 : vector<16xf32> to vector<1x16xf32>
        tpu.vector_store %arg22[%swap3A_146, %swap3A_147], %swap3A_150 {strides = array<i32>} : memref<128x16xf32, #tpu.memory_space<vmem>>, vector<1x16xf32>,
        %get3A_151 = arith.index_cast %add3A_134 : i32 to index
        %get3A_152 = arith.constant 0 : index
        %get3A_153 = tpu.vector_load %arg18[%get3A_151, %get3A_152] {strides = array<i32>} : memref<128x16xf32, #tpu.memory_space<vmem>>, vector<1x16xf32>,
        %get3A_154 = vector.shape_cast %get3A_153 : vector<1x16xf32> to vector<16xf32>
        %mul3A_155 = arith.mulf %exp3A_145, %get3A_154 : vector<16xf32>
        %swap3A_156 = arith.index_cast %add3A_134 : i32 to index
        %swap3A_157 = arith.constant 0 : index
        %swap3A_158 = tpu.vector_load %arg23[%swap3A_156, %swap3A_157] {strides = array<i32>} : memref<128x16xf32, #tpu.memory_space<vmem>>, vector<1x16xf32>,
        %swap3A_159 = vector.shape_cast %swap3A_158 : vector<1x16xf32> to vector<16xf32>
        %swap3A_160 = vector.shape_cast %mul3A_155 : vector<16xf32> to vector<1x16xf32>
        tpu.vector_store %arg23[%swap3A_156, %swap3A_157], %swap3A_160 {strides = array<i32>} : memref<128x16xf32, #tpu.memory_space<vmem>>, vector<1x16xf32>,
        %mul3A_161 = arith.constant 4 : i32
        %mul3A_162 = arith.muli %mul3A_161, %scan3A_73 : i32
        %add3A_163 = arith.constant 3 : i32
        %add3A_164 = arith.addi %mul3A_162, %add3A_163 : i32
        %get3A_165 = arith.index_cast %add3A_164 : i32 to index
        %get3A_166 = arith.constant 0 : index
        %get3A_167 = tpu.vector_load %arg16[%get3A_165, %get3A_166] {strides = array<i32>} : memref<128x16xf32, #tpu.memory_space<vmem>>, vector<1x16xf32>,
        %get3A_168 = vector.shape_cast %get3A_167 : vector<1x16xf32> to vector<16xf32>
        %get3A_169 = arith.index_cast %add3A_164 : i32 to index
        %get3A_170 = arith.constant 0 : index
        %get3A_171 = tpu.vector_load %arg17[%get3A_169, %get3A_170] {strides = array<i32>} : memref<128x16xf32, #tpu.memory_space<vmem>>, vector<1x16xf32>,
        %get3A_172 = vector.shape_cast %get3A_171 : vector<1x16xf32> to vector<16xf32>
        %mul3A_173 = arith.mulf %get3A_168, %get3A_172 : vector<16xf32>
        %sub3A_174 = arith.subf %mul3A_173, %mul3A_6 : vector<16xf32>
        %exp3A_175 = math.exp %sub3A_174 : vector<16xf32>
        %swap3A_176 = arith.index_cast %add3A_164 : i32 to index
        %swap3A_177 = arith.constant 0 : index
        %swap3A_178 = tpu.vector_load %arg22[%swap3A_176, %swap3A_177] {strides = array<i32>} : memref<128x16xf32, #tpu.memory_space<vmem>>, vector<1x16xf32>,
        %swap3A_179 = vector.shape_cast %swap3A_178 : vector<1x16xf32> to vector<16xf32>
        %swap3A_180 = vector.shape_cast %exp3A_175 : vector<16xf32> to vector<1x16xf32>
        tpu.vector_store %arg22[%swap3A_176, %swap3A_177], %swap3A_180 {strides = array<i32>} : memref<128x16xf32, #tpu.memory_space<vmem>>, vector<1x16xf32>,
        %get3A_181 = arith.index_cast %add3A_164 : i32 to index
        %get3A_182 = arith.constant 0 : index
        %get3A_183 = tpu.vector_load %arg18[%get3A_181, %get3A_182] {strides = array<i32>} : memref<128x16xf32, #tpu.memory_space<vmem>>, vector<1x16xf32>,
        %get3A_184 = vector.shape_cast %get3A_183 : vector<1x16xf32> to vector<16xf32>
        %mul3A_185 = arith.mulf %exp3A_175, %get3A_184 : vector<16xf32>
        %swap3A_186 = arith.index_cast %add3A_164 : i32 to index
        %swap3A_187 = arith.constant 0 : index
        %swap3A_188 = tpu.vector_load %arg23[%swap3A_186, %swap3A_187] {strides = array<i32>} : memref<128x16xf32, #tpu.memory_space<vmem>>, vector<1x16xf32>,
        %swap3A_189 = vector.shape_cast %swap3A_188 : vector<1x16xf32> to vector<16xf32>
        %swap3A_190 = vector.shape_cast %mul3A_185 : vector<16xf32> to vector<1x16xf32>
        tpu.vector_store %arg23[%swap3A_186, %swap3A_187], %swap3A_190 {strides = array<i32>} : memref<128x16xf32, #tpu.memory_space<vmem>>, vector<1x16xf32>,
      }
      %scan3A_55 = arith.constant 32 : i32
      "tpu.region"() ({
        %run_scoped3A = tpu.sem_alloc : memref<!tpu.dma_semaphore, #tpu.memory_space<semaphore_mem>>
        %dma_start3A_73 = arith.constant 0 : i32
        %dma_start3A_74 = arith.constant 0 : i32
        %dma_start3A_75 = tpu.memref_slice %arg26[%dma_start3A_73, %dma_start3A_74] : memref<50176x16xf32, #tpu.memory_space<vmem_shared>> -> memref<50176x16xf32, #tpu.memory_space<vmem_shared>>
        tpu.enqueue_indirect_dma source(%arg22 : memref<128x16xf32, #tpu.memory_space<vmem>>) target(%dma_start3A_75 : memref<50176x16xf32, #tpu.memory_space<vmem_shared>>) offsets(%arg13 : memref<128xi32, #tpu.memory_space<vmem>>) semaphore(%run_scoped3A : memref<!tpu.dma_semaphore, #tpu.memory_space<semaphore_mem>>) {add = true}
        %dma_wait3A_76 = arith.constant 0 : i32
        %dma_wait3A_77 = arith.constant 0 : i32
        %dma_wait3A_78 = tpu.memref_slice %arg26[%dma_wait3A_76, %dma_wait3A_77] : memref<50176x16xf32, #tpu.memory_space<vmem_shared>> -> memref<50176x16xf32, #tpu.memory_space<vmem_shared>>
        tpu.wait_indirect_dma semaphore(%run_scoped3A : memref<!tpu.dma_semaphore, #tpu.memory_space<semaphore_mem>>) src(%arg22 : memref<128x16xf32, #tpu.memory_space<vmem>>) dst(%dma_wait3A_78 : memref<50176x16xf32, #tpu.memory_space<vmem_shared>>)
        tpu.yield
      }) : () -> ()
      "tpu.region"() ({
        %run_scoped3A = tpu.sem_alloc : memref<!tpu.dma_semaphore, #tpu.memory_space<semaphore_mem>>
        %dma_start3A_73 = arith.constant 0 : i32
        %dma_start3A_74 = arith.constant 0 : i32
        %dma_start3A_75 = tpu.memref_slice %arg27[%dma_start3A_73, %dma_start3A_74] : memref<50176x16xf32, #tpu.memory_space<vmem_shared>> -> memref<50176x16xf32, #tpu.memory_space<vmem_shared>>
        tpu.enqueue_indirect_dma source(%arg23 : memref<128x16xf32, #tpu.memory_space<vmem>>) target(%dma_start3A_75 : memref<50176x16xf32, #tpu.memory_space<vmem_shared>>) offsets(%arg13 : memref<128xi32, #tpu.memory_space<vmem>>) semaphore(%run_scoped3A : memref<!tpu.dma_semaphore, #tpu.memory_space<semaphore_mem>>) {add = true}
        %dma_wait3A_76 = arith.constant 0 : i32
        %dma_wait3A_77 = arith.constant 0 : i32
        %dma_wait3A_78 = tpu.memref_slice %arg27[%dma_wait3A_76, %dma_wait3A_77] : memref<50176x16xf32, #tpu.memory_space<vmem_shared>> -> memref<50176x16xf32, #tpu.memory_space<vmem_shared>>
        tpu.wait_indirect_dma semaphore(%run_scoped3A : memref<!tpu.dma_semaphore, #tpu.memory_space<semaphore_mem>>) src(%arg23 : memref<128x16xf32, #tpu.memory_space<vmem>>) dst(%dma_wait3A_78 : memref<50176x16xf32, #tpu.memory_space<vmem_shared>>)
        tpu.yield
      }) : () -> ()
      %lt3A = arith.constant 97 : i32
      %lt3A_56 = arith.cmpi slt, %scan3A_25, %lt3A : i32
      %convert_element_type3A = arith.extui %lt3A_56 : i1 to i32
      %cond3A = arith.constant 0 : i32
      %cond3A_57 = arith.cmpi ne, %convert_element_type3A, %cond3A : i32
      scf.if %cond3A_57 {
        %mul3A_73 = arith.constant 2 : i32
        %mul3A_74 = arith.muli %mul3A_73, %scan3A_25 : i32
        %add3A_75 = arith.constant 2 : i32
        %add3A_76 = arith.addi %mul3A_74, %add3A_75 : i32
        %mul3A_77 = arith.constant 128 : i32
        %mul3A_78 = arith.muli %add3A_76, %mul3A_77 : i32
        %add3A_79 = arith.addi %add3A, %mul3A_78 : i32
        "tpu.region"() ({
          %run_scoped3A = tpu.sem_alloc : memref<!tpu.dma_semaphore, #tpu.memory_space<semaphore_mem>>
          %dma_start3A_89 = tpu.memref_slice %arg2[%add3A_79] : memref<802816xi32, #tpu.memory_space<hbm>> -> memref<128xi32, #tpu.memory_space<hbm>>
          %dma_start3A_90 = tpu.memref_slice %arg2[%add3A_79] : memref<802816xi32, #tpu.memory_space<hbm>> -> memref<128xi32, #tpu.memory_space<hbm>>
          tpu.enqueue_dma source(%dma_start3A_90 : memref<128xi32, #tpu.memory_space<hbm>>) target(%arg12 : memref<128xi32, #tpu.memory_space<vmem>>) target_semaphore(%run_scoped3A : memref<!tpu.dma_semaphore, #tpu.memory_space<semaphore_mem>>)
          %dma_wait3A_91 = tpu.memref_slice %arg2[%add3A_79] : memref<802816xi32, #tpu.memory_space<hbm>> -> memref<128xi32, #tpu.memory_space<hbm>>
          %dma_wait3A_92 = tpu.memref_slice %arg2[%add3A_79] : memref<802816xi32, #tpu.memory_space<hbm>> -> memref<128xi32, #tpu.memory_space<hbm>>
          tpu.wait_dma2 semaphore(%run_scoped3A : memref<!tpu.dma_semaphore, #tpu.memory_space<semaphore_mem>>) src(%dma_wait3A_92 : memref<128xi32, #tpu.memory_space<hbm>>) dst(%arg12 : memref<128xi32, #tpu.memory_space<vmem>>)
          tpu.yield
        }) : () -> ()
        "tpu.region"() ({
          %run_scoped3A = tpu.sem_alloc : memref<!tpu.dma_semaphore, #tpu.memory_space<semaphore_mem>>
          %dma_start3A_89 = tpu.memref_slice %arg3[%add3A_79] : memref<802816xi32, #tpu.memory_space<hbm>> -> memref<128xi32, #tpu.memory_space<hbm>>
          %dma_start3A_90 = tpu.memref_slice %arg3[%add3A_79] : memref<802816xi32, #tpu.memory_space<hbm>> -> memref<128xi32, #tpu.memory_space<hbm>>
          tpu.enqueue_dma source(%dma_start3A_90 : memref<128xi32, #tpu.memory_space<hbm>>) target(%arg13 : memref<128xi32, #tpu.memory_space<vmem>>) target_semaphore(%run_scoped3A : memref<!tpu.dma_semaphore, #tpu.memory_space<semaphore_mem>>)
          %dma_wait3A_91 = tpu.memref_slice %arg3[%add3A_79] : memref<802816xi32, #tpu.memory_space<hbm>> -> memref<128xi32, #tpu.memory_space<hbm>>
          %dma_wait3A_92 = tpu.memref_slice %arg3[%add3A_79] : memref<802816xi32, #tpu.memory_space<hbm>> -> memref<128xi32, #tpu.memory_space<hbm>>
          tpu.wait_dma2 semaphore(%run_scoped3A : memref<!tpu.dma_semaphore, #tpu.memory_space<semaphore_mem>>) src(%dma_wait3A_92 : memref<128xi32, #tpu.memory_space<hbm>>) dst(%arg13 : memref<128xi32, #tpu.memory_space<vmem>>)
          tpu.yield
        }) : () -> ()
        %dma_start3A_80 = arith.constant 0 : i32
        %dma_start3A_81 = arith.constant 0 : i32
        %dma_start3A_82 = tpu.memref_slice %arg4[%dma_start3A_80, %dma_start3A_81] : memref<50000x16xf32, #tpu.memory_space<hbm>> -> memref<50000x16xf32, #tpu.memory_space<hbm>>
        tpu.enqueue_indirect_dma source(%dma_start3A_82 : memref<50000x16xf32, #tpu.memory_space<hbm>>) target(%arg16 : memref<128x16xf32, #tpu.memory_space<vmem>>) offsets(%arg13 : memref<128xi32, #tpu.memory_space<vmem>>) semaphore(%arg28 : memref<!tpu.dma_semaphore, #tpu.memory_space<semaphore_mem>>)
        %dma_start3A_83 = arith.constant 0 : i32
        %dma_start3A_84 = arith.constant 0 : i32
        %dma_start3A_85 = tpu.memref_slice %arg5[%dma_start3A_83, %dma_start3A_84] : memref<50000x16xf32, #tpu.memory_space<hbm>> -> memref<50000x16xf32, #tpu.memory_space<hbm>>
        tpu.enqueue_indirect_dma source(%dma_start3A_85 : memref<50000x16xf32, #tpu.memory_space<hbm>>) target(%arg17 : memref<128x16xf32, #tpu.memory_space<vmem>>) offsets(%arg12 : memref<128xi32, #tpu.memory_space<vmem>>) semaphore(%arg28 : memref<!tpu.dma_semaphore, #tpu.memory_space<semaphore_mem>>)
        %dma_start3A_86 = arith.constant 0 : i32
        %dma_start3A_87 = arith.constant 0 : i32
        %dma_start3A_88 = tpu.memref_slice %arg6[%dma_start3A_86, %dma_start3A_87] : memref<50000x16xf32, #tpu.memory_space<hbm>> -> memref<50000x16xf32, #tpu.memory_space<hbm>>
        tpu.enqueue_indirect_dma source(%dma_start3A_88 : memref<50000x16xf32, #tpu.memory_space<hbm>>) target(%arg18 : memref<128x16xf32, #tpu.memory_space<vmem>>) offsets(%arg12 : memref<128xi32, #tpu.memory_space<vmem>>) semaphore(%arg28 : memref<!tpu.dma_semaphore, #tpu.memory_space<semaphore_mem>>)
      } else {
      }
      %dma_wait3A_58 = arith.constant 0 : i32
      %dma_wait3A_59 = arith.constant 0 : i32
      %dma_wait3A_60 = tpu.memref_slice %arg4[%dma_wait3A_58, %dma_wait3A_59] : memref<50000x16xf32, #tpu.memory_space<hbm>> -> memref<50000x16xf32, #tpu.memory_space<hbm>>
      tpu.wait_indirect_dma semaphore(%arg29 : memref<!tpu.dma_semaphore, #tpu.memory_space<semaphore_mem>>) src(%dma_wait3A_60 : memref<50000x16xf32, #tpu.memory_space<hbm>>) dst(%arg19 : memref<128x16xf32, #tpu.memory_space<vmem>>)
      %dma_wait3A_61 = arith.constant 0 : i32
      %dma_wait3A_62 = arith.constant 0 : i32
      %dma_wait3A_63 = tpu.memref_slice %arg4[%dma_wait3A_61, %dma_wait3A_62] : memref<50000x16xf32, #tpu.memory_space<hbm>> -> memref<50000x16xf32, #tpu.memory_space<hbm>>
      tpu.wait_indirect_dma semaphore(%arg29 : memref<!tpu.dma_semaphore, #tpu.memory_space<semaphore_mem>>) src(%dma_wait3A_63 : memref<50000x16xf32, #tpu.memory_space<hbm>>) dst(%arg20 : memref<128x16xf32, #tpu.memory_space<vmem>>)
      %dma_wait3A_64 = arith.constant 0 : i32
      %dma_wait3A_65 = arith.constant 0 : i32
      %dma_wait3A_66 = tpu.memref_slice %arg4[%dma_wait3A_64, %dma_wait3A_65] : memref<50000x16xf32, #tpu.memory_space<hbm>> -> memref<50000x16xf32, #tpu.memory_space<hbm>>
      tpu.wait_indirect_dma semaphore(%arg29 : memref<!tpu.dma_semaphore, #tpu.memory_space<semaphore_mem>>) src(%dma_wait3A_66 : memref<50000x16xf32, #tpu.memory_space<hbm>>) dst(%arg21 : memref<128x16xf32, #tpu.memory_space<vmem>>)
      %scan3A_67 = arith.constant 0 : i32
      %scan3A_68 = arith.constant 0 : i32
      %scan3A_69 = arith.constant 32 : i32
      %scan3A_70 = arith.addi %scan3A_68, %scan3A_69 : i32
      %scan3A_71 = arith.constant 1 : i32
      scf.for %scan3A_73 = %scan3A_68 to %scan3A_70 step %scan3A_71  : i32 {
        %mul3A_74 = arith.constant 4 : i32
        %mul3A_75 = arith.muli %mul3A_74, %scan3A_73 : i32
        %add3A_76 = arith.constant 0 : i32
        %add3A_77 = arith.addi %mul3A_75, %add3A_76 : i32
        %get3A_78 = arith.index_cast %add3A_77 : i32 to index
        %get3A_79 = arith.constant 0 : index
        %get3A_80 = tpu.vector_load %arg19[%get3A_78, %get3A_79] {strides = array<i32>} : memref<128x16xf32, #tpu.memory_space<vmem>>, vector<1x16xf32>,
        %get3A_81 = vector.shape_cast %get3A_80 : vector<1x16xf32> to vector<16xf32>
        %get3A_82 = arith.index_cast %add3A_77 : i32 to index
        %get3A_83 = arith.constant 0 : index
        %get3A_84 = tpu.vector_load %arg20[%get3A_82, %get3A_83] {strides = array<i32>} : memref<128x16xf32, #tpu.memory_space<vmem>>, vector<1x16xf32>,
        %get3A_85 = vector.shape_cast %get3A_84 : vector<1x16xf32> to vector<16xf32>
        %mul3A_86 = arith.mulf %get3A_81, %get3A_85 : vector<16xf32>
        %sub3A = arith.subf %mul3A_86, %mul3A_6 : vector<16xf32>
        %exp3A = math.exp %sub3A : vector<16xf32>
        %swap3A = arith.index_cast %add3A_77 : i32 to index
        %swap3A_87 = arith.constant 0 : index
        %swap3A_88 = tpu.vector_load %arg22[%swap3A, %swap3A_87] {strides = array<i32>} : memref<128x16xf32, #tpu.memory_space<vmem>>, vector<1x16xf32>,
        %swap3A_89 = vector.shape_cast %swap3A_88 : vector<1x16xf32> to vector<16xf32>
        %swap3A_90 = vector.shape_cast %exp3A : vector<16xf32> to vector<1x16xf32>
        tpu.vector_store %arg22[%swap3A, %swap3A_87], %swap3A_90 {strides = array<i32>} : memref<128x16xf32, #tpu.memory_space<vmem>>, vector<1x16xf32>,
        %get3A_91 = arith.index_cast %add3A_77 : i32 to index
        %get3A_92 = arith.constant 0 : index
        %get3A_93 = tpu.vector_load %arg21[%get3A_91, %get3A_92] {strides = array<i32>} : memref<128x16xf32, #tpu.memory_space<vmem>>, vector<1x16xf32>,
        %get3A_94 = vector.shape_cast %get3A_93 : vector<1x16xf32> to vector<16xf32>
        %mul3A_95 = arith.mulf %exp3A, %get3A_94 : vector<16xf32>
        %swap3A_96 = arith.index_cast %add3A_77 : i32 to index
        %swap3A_97 = arith.constant 0 : index
        %swap3A_98 = tpu.vector_load %arg23[%swap3A_96, %swap3A_97] {strides = array<i32>} : memref<128x16xf32, #tpu.memory_space<vmem>>, vector<1x16xf32>,
        %swap3A_99 = vector.shape_cast %swap3A_98 : vector<1x16xf32> to vector<16xf32>
        %swap3A_100 = vector.shape_cast %mul3A_95 : vector<16xf32> to vector<1x16xf32>
        tpu.vector_store %arg23[%swap3A_96, %swap3A_97], %swap3A_100 {strides = array<i32>} : memref<128x16xf32, #tpu.memory_space<vmem>>, vector<1x16xf32>,
        %mul3A_101 = arith.constant 4 : i32
        %mul3A_102 = arith.muli %mul3A_101, %scan3A_73 : i32
        %add3A_103 = arith.constant 1 : i32
        %add3A_104 = arith.addi %mul3A_102, %add3A_103 : i32
        %get3A_105 = arith.index_cast %add3A_104 : i32 to index
        %get3A_106 = arith.constant 0 : index
        %get3A_107 = tpu.vector_load %arg19[%get3A_105, %get3A_106] {strides = array<i32>} : memref<128x16xf32, #tpu.memory_space<vmem>>, vector<1x16xf32>,
        %get3A_108 = vector.shape_cast %get3A_107 : vector<1x16xf32> to vector<16xf32>
        %get3A_109 = arith.index_cast %add3A_104 : i32 to index
        %get3A_110 = arith.constant 0 : index
        %get3A_111 = tpu.vector_load %arg20[%get3A_109, %get3A_110] {strides = array<i32>} : memref<128x16xf32, #tpu.memory_space<vmem>>, vector<1x16xf32>,
        %get3A_112 = vector.shape_cast %get3A_111 : vector<1x16xf32> to vector<16xf32>
        %mul3A_113 = arith.mulf %get3A_108, %get3A_112 : vector<16xf32>
        %sub3A_114 = arith.subf %mul3A_113, %mul3A_6 : vector<16xf32>
        %exp3A_115 = math.exp %sub3A_114 : vector<16xf32>
        %swap3A_116 = arith.index_cast %add3A_104 : i32 to index
        %swap3A_117 = arith.constant 0 : index
        %swap3A_118 = tpu.vector_load %arg22[%swap3A_116, %swap3A_117] {strides = array<i32>} : memref<128x16xf32, #tpu.memory_space<vmem>>, vector<1x16xf32>,
        %swap3A_119 = vector.shape_cast %swap3A_118 : vector<1x16xf32> to vector<16xf32>
        %swap3A_120 = vector.shape_cast %exp3A_115 : vector<16xf32> to vector<1x16xf32>
        tpu.vector_store %arg22[%swap3A_116, %swap3A_117], %swap3A_120 {strides = array<i32>} : memref<128x16xf32, #tpu.memory_space<vmem>>, vector<1x16xf32>,
        %get3A_121 = arith.index_cast %add3A_104 : i32 to index
        %get3A_122 = arith.constant 0 : index
        %get3A_123 = tpu.vector_load %arg21[%get3A_121, %get3A_122] {strides = array<i32>} : memref<128x16xf32, #tpu.memory_space<vmem>>, vector<1x16xf32>,
        %get3A_124 = vector.shape_cast %get3A_123 : vector<1x16xf32> to vector<16xf32>
        %mul3A_125 = arith.mulf %exp3A_115, %get3A_124 : vector<16xf32>
        %swap3A_126 = arith.index_cast %add3A_104 : i32 to index
        %swap3A_127 = arith.constant 0 : index
        %swap3A_128 = tpu.vector_load %arg23[%swap3A_126, %swap3A_127] {strides = array<i32>} : memref<128x16xf32, #tpu.memory_space<vmem>>, vector<1x16xf32>,
        %swap3A_129 = vector.shape_cast %swap3A_128 : vector<1x16xf32> to vector<16xf32>
        %swap3A_130 = vector.shape_cast %mul3A_125 : vector<16xf32> to vector<1x16xf32>
        tpu.vector_store %arg23[%swap3A_126, %swap3A_127], %swap3A_130 {strides = array<i32>} : memref<128x16xf32, #tpu.memory_space<vmem>>, vector<1x16xf32>,
        %mul3A_131 = arith.constant 4 : i32
        %mul3A_132 = arith.muli %mul3A_131, %scan3A_73 : i32
        %add3A_133 = arith.constant 2 : i32
        %add3A_134 = arith.addi %mul3A_132, %add3A_133 : i32
        %get3A_135 = arith.index_cast %add3A_134 : i32 to index
        %get3A_136 = arith.constant 0 : index
        %get3A_137 = tpu.vector_load %arg19[%get3A_135, %get3A_136] {strides = array<i32>} : memref<128x16xf32, #tpu.memory_space<vmem>>, vector<1x16xf32>,
        %get3A_138 = vector.shape_cast %get3A_137 : vector<1x16xf32> to vector<16xf32>
        %get3A_139 = arith.index_cast %add3A_134 : i32 to index
        %get3A_140 = arith.constant 0 : index
        %get3A_141 = tpu.vector_load %arg20[%get3A_139, %get3A_140] {strides = array<i32>} : memref<128x16xf32, #tpu.memory_space<vmem>>, vector<1x16xf32>,
        %get3A_142 = vector.shape_cast %get3A_141 : vector<1x16xf32> to vector<16xf32>
        %mul3A_143 = arith.mulf %get3A_138, %get3A_142 : vector<16xf32>
        %sub3A_144 = arith.subf %mul3A_143, %mul3A_6 : vector<16xf32>
        %exp3A_145 = math.exp %sub3A_144 : vector<16xf32>
        %swap3A_146 = arith.index_cast %add3A_134 : i32 to index
        %swap3A_147 = arith.constant 0 : index
        %swap3A_148 = tpu.vector_load %arg22[%swap3A_146, %swap3A_147] {strides = array<i32>} : memref<128x16xf32, #tpu.memory_space<vmem>>, vector<1x16xf32>,
        %swap3A_149 = vector.shape_cast %swap3A_148 : vector<1x16xf32> to vector<16xf32>
        %swap3A_150 = vector.shape_cast %exp3A_145 : vector<16xf32> to vector<1x16xf32>
        tpu.vector_store %arg22[%swap3A_146, %swap3A_147], %swap3A_150 {strides = array<i32>} : memref<128x16xf32, #tpu.memory_space<vmem>>, vector<1x16xf32>,
        %get3A_151 = arith.index_cast %add3A_134 : i32 to index
        %get3A_152 = arith.constant 0 : index
        %get3A_153 = tpu.vector_load %arg21[%get3A_151, %get3A_152] {strides = array<i32>} : memref<128x16xf32, #tpu.memory_space<vmem>>, vector<1x16xf32>,
        %get3A_154 = vector.shape_cast %get3A_153 : vector<1x16xf32> to vector<16xf32>
        %mul3A_155 = arith.mulf %exp3A_145, %get3A_154 : vector<16xf32>
        %swap3A_156 = arith.index_cast %add3A_134 : i32 to index
        %swap3A_157 = arith.constant 0 : index
        %swap3A_158 = tpu.vector_load %arg23[%swap3A_156, %swap3A_157] {strides = array<i32>} : memref<128x16xf32, #tpu.memory_space<vmem>>, vector<1x16xf32>,
        %swap3A_159 = vector.shape_cast %swap3A_158 : vector<1x16xf32> to vector<16xf32>
        %swap3A_160 = vector.shape_cast %mul3A_155 : vector<16xf32> to vector<1x16xf32>
        tpu.vector_store %arg23[%swap3A_156, %swap3A_157], %swap3A_160 {strides = array<i32>} : memref<128x16xf32, #tpu.memory_space<vmem>>, vector<1x16xf32>,
        %mul3A_161 = arith.constant 4 : i32
        %mul3A_162 = arith.muli %mul3A_161, %scan3A_73 : i32
        %add3A_163 = arith.constant 3 : i32
        %add3A_164 = arith.addi %mul3A_162, %add3A_163 : i32
        %get3A_165 = arith.index_cast %add3A_164 : i32 to index
        %get3A_166 = arith.constant 0 : index
        %get3A_167 = tpu.vector_load %arg19[%get3A_165, %get3A_166] {strides = array<i32>} : memref<128x16xf32, #tpu.memory_space<vmem>>, vector<1x16xf32>,
        %get3A_168 = vector.shape_cast %get3A_167 : vector<1x16xf32> to vector<16xf32>
        %get3A_169 = arith.index_cast %add3A_164 : i32 to index
        %get3A_170 = arith.constant 0 : index
        %get3A_171 = tpu.vector_load %arg20[%get3A_169, %get3A_170] {strides = array<i32>} : memref<128x16xf32, #tpu.memory_space<vmem>>, vector<1x16xf32>,
        %get3A_172 = vector.shape_cast %get3A_171 : vector<1x16xf32> to vector<16xf32>
        %mul3A_173 = arith.mulf %get3A_168, %get3A_172 : vector<16xf32>
        %sub3A_174 = arith.subf %mul3A_173, %mul3A_6 : vector<16xf32>
        %exp3A_175 = math.exp %sub3A_174 : vector<16xf32>
        %swap3A_176 = arith.index_cast %add3A_164 : i32 to index
        %swap3A_177 = arith.constant 0 : index
        %swap3A_178 = tpu.vector_load %arg22[%swap3A_176, %swap3A_177] {strides = array<i32>} : memref<128x16xf32, #tpu.memory_space<vmem>>, vector<1x16xf32>,
        %swap3A_179 = vector.shape_cast %swap3A_178 : vector<1x16xf32> to vector<16xf32>
        %swap3A_180 = vector.shape_cast %exp3A_175 : vector<16xf32> to vector<1x16xf32>
        tpu.vector_store %arg22[%swap3A_176, %swap3A_177], %swap3A_180 {strides = array<i32>} : memref<128x16xf32, #tpu.memory_space<vmem>>, vector<1x16xf32>,
        %get3A_181 = arith.index_cast %add3A_164 : i32 to index
        %get3A_182 = arith.constant 0 : index
        %get3A_183 = tpu.vector_load %arg21[%get3A_181, %get3A_182] {strides = array<i32>} : memref<128x16xf32, #tpu.memory_space<vmem>>, vector<1x16xf32>,
        %get3A_184 = vector.shape_cast %get3A_183 : vector<1x16xf32> to vector<16xf32>
        %mul3A_185 = arith.mulf %exp3A_175, %get3A_184 : vector<16xf32>
        %swap3A_186 = arith.index_cast %add3A_164 : i32 to index
        %swap3A_187 = arith.constant 0 : index
        %swap3A_188 = tpu.vector_load %arg23[%swap3A_186, %swap3A_187] {strides = array<i32>} : memref<128x16xf32, #tpu.memory_space<vmem>>, vector<1x16xf32>,
        %swap3A_189 = vector.shape_cast %swap3A_188 : vector<1x16xf32> to vector<16xf32>
        %swap3A_190 = vector.shape_cast %mul3A_185 : vector<16xf32> to vector<1x16xf32>
        tpu.vector_store %arg23[%swap3A_186, %swap3A_187], %swap3A_190 {strides = array<i32>} : memref<128x16xf32, #tpu.memory_space<vmem>>, vector<1x16xf32>,
      }
      %scan3A_72 = arith.constant 32 : i32
      "tpu.region"() ({
        %run_scoped3A = tpu.sem_alloc : memref<!tpu.dma_semaphore, #tpu.memory_space<semaphore_mem>>
        %dma_start3A_73 = arith.constant 0 : i32
        %dma_start3A_74 = arith.constant 0 : i32
        %dma_start3A_75 = tpu.memref_slice %arg26[%dma_start3A_73, %dma_start3A_74] : memref<50176x16xf32, #tpu.memory_space<vmem_shared>> -> memref<50176x16xf32, #tpu.memory_space<vmem_shared>>
        tpu.enqueue_indirect_dma source(%arg22 : memref<128x16xf32, #tpu.memory_space<vmem>>) target(%dma_start3A_75 : memref<50176x16xf32, #tpu.memory_space<vmem_shared>>) offsets(%arg15 : memref<128xi32, #tpu.memory_space<vmem>>) semaphore(%run_scoped3A : memref<!tpu.dma_semaphore, #tpu.memory_space<semaphore_mem>>) {add = true}
        %dma_wait3A_76 = arith.constant 0 : i32
        %dma_wait3A_77 = arith.constant 0 : i32
        %dma_wait3A_78 = tpu.memref_slice %arg26[%dma_wait3A_76, %dma_wait3A_77] : memref<50176x16xf32, #tpu.memory_space<vmem_shared>> -> memref<50176x16xf32, #tpu.memory_space<vmem_shared>>
        tpu.wait_indirect_dma semaphore(%run_scoped3A : memref<!tpu.dma_semaphore, #tpu.memory_space<semaphore_mem>>) src(%arg22 : memref<128x16xf32, #tpu.memory_space<vmem>>) dst(%dma_wait3A_78 : memref<50176x16xf32, #tpu.memory_space<vmem_shared>>)
        tpu.yield
      }) : () -> ()
      "tpu.region"() ({
        %run_scoped3A = tpu.sem_alloc : memref<!tpu.dma_semaphore, #tpu.memory_space<semaphore_mem>>
        %dma_start3A_73 = arith.constant 0 : i32
        %dma_start3A_74 = arith.constant 0 : i32
        %dma_start3A_75 = tpu.memref_slice %arg27[%dma_start3A_73, %dma_start3A_74] : memref<50176x16xf32, #tpu.memory_space<vmem_shared>> -> memref<50176x16xf32, #tpu.memory_space<vmem_shared>>
        tpu.enqueue_indirect_dma source(%arg23 : memref<128x16xf32, #tpu.memory_space<vmem>>) target(%dma_start3A_75 : memref<50176x16xf32, #tpu.memory_space<vmem_shared>>) offsets(%arg15 : memref<128xi32, #tpu.memory_space<vmem>>) semaphore(%run_scoped3A : memref<!tpu.dma_semaphore, #tpu.memory_space<semaphore_mem>>) {add = true}
        %dma_wait3A_76 = arith.constant 0 : i32
        %dma_wait3A_77 = arith.constant 0 : i32
        %dma_wait3A_78 = tpu.memref_slice %arg27[%dma_wait3A_76, %dma_wait3A_77] : memref<50176x16xf32, #tpu.memory_space<vmem_shared>> -> memref<50176x16xf32, #tpu.memory_space<vmem_shared>>
        tpu.wait_indirect_dma semaphore(%run_scoped3A : memref<!tpu.dma_semaphore, #tpu.memory_space<semaphore_mem>>) src(%arg23 : memref<128x16xf32, #tpu.memory_space<vmem>>) dst(%dma_wait3A_78 : memref<50176x16xf32, #tpu.memory_space<vmem_shared>>)
        tpu.yield
      }) : () -> ()
    }
    %scan3A_23 = arith.constant 98 : i32
    %barrier3A_24 = arith.constant 0 : index
    tpu.barrier barrier_id(%barrier3A_24)
    "tpu.region"() ({
      %run_scoped3A = tpu.sem_alloc : memref<!tpu.dma_semaphore, #tpu.memory_space<semaphore_mem>>
      %dma_start3A_25 = arith.constant 0 : i32
      %dma_start3A_26 = tpu.memref_slice %arg10[%arg0, %mul3A_0, %dma_start3A_25] : memref<2x50176x16xf32, #tpu.memory_space<hbm>> -> memref<1x3136x16xf32, #tpu.memory_space<hbm>>
      %dma_start3A_27 = tpu.memref_squeeze %dma_start3A_26 : memref<1x3136x16xf32, #tpu.memory_space<hbm>> -> memref<3136x16xf32, #tpu.memory_space<hbm>>
      %dma_start3A_28 = arith.constant 0 : i32
      %dma_start3A_29 = tpu.memref_slice %arg26[%mul3A_0, %dma_start3A_28] : memref<50176x16xf32, #tpu.memory_space<vmem_shared>> -> memref<3136x16xf32, #tpu.memory_space<vmem_shared>>
      tpu.enqueue_dma source(%dma_start3A_29 : memref<3136x16xf32, #tpu.memory_space<vmem_shared>>) target(%dma_start3A_27 : memref<3136x16xf32, #tpu.memory_space<hbm>>) target_semaphore(%run_scoped3A : memref<!tpu.dma_semaphore, #tpu.memory_space<semaphore_mem>>)
      %dma_wait3A = arith.constant 0 : i32
      %dma_wait3A_30 = tpu.memref_slice %arg10[%arg0, %mul3A_0, %dma_wait3A] : memref<2x50176x16xf32, #tpu.memory_space<hbm>> -> memref<1x3136x16xf32, #tpu.memory_space<hbm>>
      %dma_wait3A_31 = tpu.memref_squeeze %dma_wait3A_30 : memref<1x3136x16xf32, #tpu.memory_space<hbm>> -> memref<3136x16xf32, #tpu.memory_space<hbm>>
      %dma_wait3A_32 = arith.constant 0 : i32
      %dma_wait3A_33 = tpu.memref_slice %arg26[%mul3A_0, %dma_wait3A_32] : memref<50176x16xf32, #tpu.memory_space<vmem_shared>> -> memref<3136x16xf32, #tpu.memory_space<vmem_shared>>
      tpu.wait_dma2 semaphore(%run_scoped3A : memref<!tpu.dma_semaphore, #tpu.memory_space<semaphore_mem>>) src(%dma_wait3A_33 : memref<3136x16xf32, #tpu.memory_space<vmem_shared>>) dst(%dma_wait3A_31 : memref<3136x16xf32, #tpu.memory_space<hbm>>)
      tpu.yield
    }) : () -> ()
    "tpu.region"() ({
      %run_scoped3A = tpu.sem_alloc : memref<!tpu.dma_semaphore, #tpu.memory_space<semaphore_mem>>
      %dma_start3A_25 = arith.constant 0 : i32
      %dma_start3A_26 = tpu.memref_slice %arg11[%arg0, %mul3A_0, %dma_start3A_25] : memref<2x50176x16xf32, #tpu.memory_space<hbm>> -> memref<1x3136x16xf32, #tpu.memory_space<hbm>>
      %dma_start3A_27 = tpu.memref_squeeze %dma_start3A_26 : memref<1x3136x16xf32, #tpu.memory_space<hbm>> -> memref<3136x16xf32, #tpu.memory_space<hbm>>
      %dma_start3A_28 = arith.constant 0 : i32
      %dma_start3A_29 = tpu.memref_slice %arg27[%mul3A_0, %dma_start3A_28] : memref<50176x16xf32, #tpu.memory_space<vmem_shared>> -> memref<3136x16xf32, #tpu.memory_space<vmem_shared>>
      tpu.enqueue_dma source(%dma_start3A_29 : memref<3136x16xf32, #tpu.memory_space<vmem_shared>>) target(%dma_start3A_27 : memref<3136x16xf32, #tpu.memory_space<hbm>>) target_semaphore(%run_scoped3A : memref<!tpu.dma_semaphore, #tpu.memory_space<semaphore_mem>>)
      %dma_wait3A = arith.constant 0 : i32
      %dma_wait3A_30 = tpu.memref_slice %arg11[%arg0, %mul3A_0, %dma_wait3A] : memref<2x50176x16xf32, #tpu.memory_space<hbm>> -> memref<1x3136x16xf32, #tpu.memory_space<hbm>>
      %dma_wait3A_31 = tpu.memref_squeeze %dma_wait3A_30 : memref<1x3136x16xf32, #tpu.memory_space<hbm>> -> memref<3136x16xf32, #tpu.memory_space<hbm>>
      %dma_wait3A_32 = arith.constant 0 : i32
      %dma_wait3A_33 = tpu.memref_slice %arg27[%mul3A_0, %dma_wait3A_32] : memref<50176x16xf32, #tpu.memory_space<vmem_shared>> -> memref<3136x16xf32, #tpu.memory_space<vmem_shared>>
      tpu.wait_dma2 semaphore(%run_scoped3A : memref<!tpu.dma_semaphore, #tpu.memory_space<semaphore_mem>>) src(%dma_wait3A_33 : memref<3136x16xf32, #tpu.memory_space<vmem_shared>>) dst(%dma_wait3A_31 : memref<3136x16xf32, #tpu.memory_space<hbm>>)
      tpu.yield
    }) : () -> ()
    return
  }
}

module attributes {stable_mosaic.version = 14 : i64} {
  func.func @_t0_body(%arg0: i32, %arg1: memref<2x1000x16xf32, #tpu.memory_space<vmem>>, %arg2: memref<1000x8xf32, #tpu.memory_space<vmem>>, %arg3: memref<1000x1xf32, #tpu.memory_space<vmem>>, %arg4: memref<1000x16xf32, #tpu.memory_space<vmem>>) attributes {dimension_semantics = [#tpu.dimension_semantics<arbitrary>], iteration_bounds = array<i64: 50>, scalar_prefetch = 0 : i64, scratch_operands = 0 : i64, tpu.core_type = #tpu.core_type<tc>, window_params = [{transform_indices = @transform_0, window_bounds = array<i64: 2, 1000, 16>}, {transform_indices = @transform_1, window_bounds = array<i64: 1000, 8>}, {transform_indices = @transform_2, window_bounds = array<i64: 1000, 1>}, {transform_indices = @transform_3, window_bounds = array<i64: 1000, 16>}]} {
    %get3A = arith.constant 0 : index
    %get3A_0 = arith.constant 0 : index
    %get3A_1 = arith.constant 0 : index
    %get3A_2 = vector.load %arg1[%get3A, %get3A_0, %get3A_1] : memref<2x1000x16xf32, #tpu.memory_space<vmem>>, vector<1x1000x1xf32>
    %get3A_3 = vector.shape_cast %get3A_2 : vector<1x1000x1xf32> to vector<1000x1xf32>
    %get3A_4 = arith.constant 1 : index
    %get3A_5 = arith.constant 0 : index
    %get3A_6 = arith.constant 0 : index
    %get3A_7 = vector.load %arg1[%get3A_4, %get3A_5, %get3A_6] : memref<2x1000x16xf32, #tpu.memory_space<vmem>>, vector<1x1000x1xf32>
    %get3A_8 = vector.shape_cast %get3A_7 : vector<1x1000x1xf32> to vector<1000x1xf32>
    %add3A = arith.addf %get3A_3, %get3A_8 : vector<1000x1xf32>
    %add3A_9 = arith.constant 1.000000e+00 : f32
    %add3A_10 = vector.broadcast %add3A_9 : f32 to vector<1000x1xf32>
    %add3A_11 = arith.addf %add3A, %add3A_10 : vector<1000x1xf32>
    %rsqrt3A = math.rsqrt %add3A_11 : vector<1000x1xf32>
    %swap3A = arith.constant 0 : index
    %swap3A_12 = arith.constant 0 : index
    %swap3A_13 = vector.load %arg3[%swap3A, %swap3A_12] : memref<1000x1xf32, #tpu.memory_space<vmem>>, vector<1000x1xf32>
    tpu.vector_store %arg3[%swap3A, %swap3A_12], %rsqrt3A {strides = array<i32>} : memref<1000x1xf32, #tpu.memory_space<vmem>>, vector<1000x1xf32>,
    %get3A_14 = arith.constant 0 : index
    %get3A_15 = arith.constant 0 : index
    %get3A_16 = vector.load %arg2[%get3A_14, %get3A_15] : memref<1000x8xf32, #tpu.memory_space<vmem>>, vector<1000x8xf32>
    %mul3A = vector.broadcast %rsqrt3A : vector<1000x1xf32> to vector<1000x8xf32>
    %mul3A_17 = arith.mulf %mul3A, %get3A_16 : vector<1000x8xf32>
    %broadcast_in_dim3A = arith.constant 0.000000e+00 : f32
    %broadcast_in_dim3A_18 = vector.broadcast %broadcast_in_dim3A : f32 to vector<1000x8xf32>
    %concatenate3A = tpu.concatenate %mul3A_17, %broadcast_in_dim3A_18 in 1 : vector<1000x8xf32>, vector<1000x8xf32> -> vector<1000x16xf32>
    %swap3A_19 = arith.constant 0 : index
    %swap3A_20 = arith.constant 0 : index
    %swap3A_21 = vector.load %arg4[%swap3A_19, %swap3A_20] : memref<1000x16xf32, #tpu.memory_space<vmem>>, vector<1000x16xf32>
    tpu.vector_store %arg4[%swap3A_19, %swap3A_20], %concatenate3A {strides = array<i32>} : memref<1000x16xf32, #tpu.memory_space<vmem>>, vector<1000x16xf32>,
    return
  }
  func.func @transform_0(%arg0: i32) -> (i32, i32, i32) {
    %c0_i32 = arith.constant 0 : i32
    %c0_i32_0 = arith.constant 0 : i32
    %c0_i32_1 = arith.constant 0 : i32
    return %c0_i32, %arg0, %c0_i32_0 : i32, i32, i32
  }
  func.func @transform_1(%arg0: i32) -> (i32, i32) {
    %c0_i32 = arith.constant 0 : i32
    %c0_i32_0 = arith.constant 0 : i32
    return %arg0, %c0_i32 : i32, i32
  }
  func.func @transform_2(%arg0: i32) -> (i32, i32) {
    %c0_i32 = arith.constant 0 : i32
    %c0_i32_0 = arith.constant 0 : i32
    return %arg0, %c0_i32 : i32, i32
  }
  func.func @transform_3(%arg0: i32) -> (i32, i32) {
    %c0_i32 = arith.constant 0 : i32
    %c0_i32_0 = arith.constant 0 : i32
    return %arg0, %c0_i32 : i32, i32
  }
}

module attributes {stable_mosaic.version = 14 : i64} {
  func.func @_t1_body(%arg0: i32, %arg1: memref<2x1000x16xf32, #tpu.memory_space<vmem>>, %arg2: memref<1000x16xf32, #tpu.memory_space<vmem>>, %arg3: memref<1000x1xf32, #tpu.memory_space<vmem>>, %arg4: memref<8x64xf32, #tpu.memory_space<vmem>>, %arg5: memref<1x64xf32, #tpu.memory_space<vmem>>, %arg6: memref<1000x32xf32, #tpu.memory_space<vmem>>, %arg7: memref<1000x32xf32, #tpu.memory_space<vmem>>) attributes {dimension_semantics = [#tpu.dimension_semantics<arbitrary>], iteration_bounds = array<i64: 50>, scalar_prefetch = 0 : i64, scratch_operands = 0 : i64, tpu.core_type = #tpu.core_type<tc>, window_params = [{transform_indices = @transform_0, window_bounds = array<i64: 2, 1000, 16>}, {transform_indices = @transform_1, window_bounds = array<i64: 1000, 16>}, {transform_indices = @transform_2, window_bounds = array<i64: 1000, 1>}, {pipeline_mode = #tpu.pipeline_mode<synchronous>, transform_indices = @transform_3, window_bounds = array<i64: 8, 64>}, {pipeline_mode = #tpu.pipeline_mode<synchronous>, transform_indices = @transform_4, window_bounds = array<i64: 1, 64>}, {transform_indices = @transform_5, window_bounds = array<i64: 1000, 32>}, {transform_indices = @transform_6, window_bounds = array<i64: 1000, 32>}]} {
    %get3A = arith.constant 0 : index
    %get3A_0 = arith.constant 0 : index
    %get3A_1 = vector.load %arg3[%get3A, %get3A_0] : memref<1000x1xf32, #tpu.memory_space<vmem>>, vector<1000x1xf32>
    %get3A_2 = arith.constant 0 : index
    %get3A_3 = arith.constant 0 : index
    %get3A_4 = arith.constant 0 : index
    %get3A_5 = vector.load %arg1[%get3A_2, %get3A_3, %get3A_4] : memref<2x1000x16xf32, #tpu.memory_space<vmem>>, vector<1x1000x16xf32>
    %get3A_6 = vector.shape_cast %get3A_5 : vector<1x1000x16xf32> to vector<1000x16xf32>
    %get3A_7 = arith.constant 1 : index
    %get3A_8 = arith.constant 0 : index
    %get3A_9 = arith.constant 0 : index
    %get3A_10 = vector.load %arg1[%get3A_7, %get3A_8, %get3A_9] : memref<2x1000x16xf32, #tpu.memory_space<vmem>>, vector<1x1000x16xf32>
    %get3A_11 = vector.shape_cast %get3A_10 : vector<1x1000x16xf32> to vector<1000x16xf32>
    %add3A = arith.addf %get3A_6, %get3A_11 : vector<1000x16xf32>
    %get3A_12 = arith.constant 0 : index
    %get3A_13 = arith.constant 0 : index
    %get3A_14 = vector.load %arg2[%get3A_12, %get3A_13] : memref<1000x16xf32, #tpu.memory_space<vmem>>, vector<1000x16xf32>
    %add3A_15 = arith.addf %add3A, %get3A_14 : vector<1000x16xf32>
    %mul3A = vector.broadcast %get3A_1 : vector<1000x1xf32> to vector<1000x16xf32>
    %mul3A_16 = arith.mulf %mul3A, %add3A_15 : vector<1000x16xf32>
    %slice3A = vector.extract_strided_slice %mul3A_16 {offsets = [0, 0], sizes = [1000, 8], strides = [1, 1]} : vector<1000x16xf32> to vector<1000x8xf32>
    %get3A_17 = arith.constant 0 : index
    %get3A_18 = arith.constant 0 : index
    %get3A_19 = vector.load %arg4[%get3A_17, %get3A_18] : memref<8x64xf32, #tpu.memory_space<vmem>>, vector<8x64xf32>
    %dot_general3A = arith.constant dense<0.000000e+00> : vector<1000x64xf32>
    %dot_general3A_20 = tpu.matmul %slice3A, %get3A_19, %dot_general3A {dimension_numbers = #tpu.dot_dimension_numbers<[1], [0], [0], [1], [0, 0, 1, 1], [], []>, transpose_lhs_hint = false} : vector<1000x8xf32>, vector<8x64xf32>, vector<1000x64xf32> -> vector<1000x64xf32>
    %get3A_21 = arith.constant 0 : index
    %get3A_22 = arith.constant 0 : index
    %get3A_23 = vector.load %arg5[%get3A_21, %get3A_22] : memref<1x64xf32, #tpu.memory_space<vmem>>, vector<1x64xf32>
    %add3A_24 = vector.broadcast %get3A_23 : vector<1x64xf32> to vector<1000x64xf32>
    %add3A_25 = arith.addf %dot_general3A_20, %add3A_24 : vector<1000x64xf32>
    %max3A = arith.constant 0.000000e+00 : f32
    %max3A_26 = vector.broadcast %max3A : f32 to vector<1000x64xf32>
    %max3A_27 = arith.maximumf %add3A_25, %max3A_26 : vector<1000x64xf32>
    %mul3A_28 = vector.broadcast %get3A_1 : vector<1000x1xf32> to vector<1000x64xf32>
    %mul3A_29 = arith.mulf %mul3A_28, %max3A_27 : vector<1000x64xf32>
    %slice3A_30 = vector.extract_strided_slice %mul3A_29 {offsets = [0, 0], sizes = [1000, 32], strides = [1, 1]} : vector<1000x64xf32> to vector<1000x32xf32>
    %swap3A = arith.constant 0 : index
    %swap3A_31 = arith.constant 0 : index
    %swap3A_32 = vector.load %arg6[%swap3A, %swap3A_31] : memref<1000x32xf32, #tpu.memory_space<vmem>>, vector<1000x32xf32>
    tpu.vector_store %arg6[%swap3A, %swap3A_31], %slice3A_30 {strides = array<i32>} : memref<1000x32xf32, #tpu.memory_space<vmem>>, vector<1000x32xf32>,
    %slice3A_33 = vector.extract_strided_slice %mul3A_29 {offsets = [0, 32], sizes = [1000, 32], strides = [1, 1]} : vector<1000x64xf32> to vector<1000x32xf32>
    %swap3A_34 = arith.constant 0 : index
    %swap3A_35 = arith.constant 0 : index
    %swap3A_36 = vector.load %arg7[%swap3A_34, %swap3A_35] : memref<1000x32xf32, #tpu.memory_space<vmem>>, vector<1000x32xf32>
    tpu.vector_store %arg7[%swap3A_34, %swap3A_35], %slice3A_33 {strides = array<i32>} : memref<1000x32xf32, #tpu.memory_space<vmem>>, vector<1000x32xf32>,
    return
  }
  func.func @transform_0(%arg0: i32) -> (i32, i32, i32) {
    %c0_i32 = arith.constant 0 : i32
    %c0_i32_0 = arith.constant 0 : i32
    %c0_i32_1 = arith.constant 0 : i32
    return %c0_i32, %arg0, %c0_i32_0 : i32, i32, i32
  }
  func.func @transform_1(%arg0: i32) -> (i32, i32) {
    %c0_i32 = arith.constant 0 : i32
    %c0_i32_0 = arith.constant 0 : i32
    return %arg0, %c0_i32 : i32, i32
  }
  func.func @transform_2(%arg0: i32) -> (i32, i32) {
    %c0_i32 = arith.constant 0 : i32
    %c0_i32_0 = arith.constant 0 : i32
    return %arg0, %c0_i32 : i32, i32
  }
  func.func @transform_3(%arg0: i32) -> (i32, i32) {
    %c0_i32 = arith.constant 0 : i32
    %c0_i32_0 = arith.constant 0 : i32
    %c0_i32_1 = arith.constant 0 : i32
    return %c0_i32, %c0_i32_0 : i32, i32
  }
  func.func @transform_4(%arg0: i32) -> (i32, i32) {
    %c0_i32 = arith.constant 0 : i32
    %c0_i32_0 = arith.constant 0 : i32
    %c0_i32_1 = arith.constant 0 : i32
    return %c0_i32, %c0_i32_0 : i32, i32
  }
  func.func @transform_5(%arg0: i32) -> (i32, i32) {
    %c0_i32 = arith.constant 0 : i32
    %c0_i32_0 = arith.constant 0 : i32
    return %arg0, %c0_i32 : i32, i32
  }
  func.func @transform_6(%arg0: i32) -> (i32, i32) {
    %c0_i32 = arith.constant 0 : i32
    %c0_i32_0 = arith.constant 0 : i32
    return %arg0, %c0_i32 : i32, i32
  }
}

module attributes {stable_mosaic.version = 14 : i64} {
  func.func @_t2_body(%arg0: i32, %arg1: memref<2x1000x32xf32, #tpu.memory_space<vmem>>, %arg2: memref<1000x32xf32, #tpu.memory_space<vmem>>, %arg3: memref<1000x32xf32, #tpu.memory_space<vmem>>, %arg4: memref<1000x1xf32, #tpu.memory_space<vmem>>, %arg5: memref<64x150xf32, #tpu.memory_space<vmem>>, %arg6: memref<1x150xf32, #tpu.memory_space<vmem>>, %arg7: memref<150x5xf32, #tpu.memory_space<vmem>>, %arg8: memref<1x5xf32, #tpu.memory_space<vmem>>, %arg9: memref<5x5xf32, #tpu.memory_space<vmem>>, %arg10: memref<1x5xf32, #tpu.memory_space<vmem>>, %arg11: memref<5x5xf32, #tpu.memory_space<vmem>>, %arg12: memref<1x5xf32, #tpu.memory_space<vmem>>, %arg13: memref<5x5xf32, #tpu.memory_space<vmem>>, %arg14: memref<1x5xf32, #tpu.memory_space<vmem>>, %arg15: memref<1000x5xf32, #tpu.memory_space<vmem>>, %arg16: memref<1000x16xf32, #tpu.memory_space<vmem>>, %arg17: memref<1000x16xf32, #tpu.memory_space<vmem>>, %arg18: memref<1000x16xf32, #tpu.memory_space<vmem>>, %arg19: memref<1x16xf32, #tpu.memory_space<vmem>>, %arg20: memref<1x16xf32, #tpu.memory_space<vmem>>) attributes {dimension_semantics = [#tpu.dimension_semantics<arbitrary>], iteration_bounds = array<i64: 50>, scalar_prefetch = 0 : i64, scratch_operands = 0 : i64, tpu.core_type = #tpu.core_type<tc>, window_params = [{transform_indices = @transform_0, window_bounds = array<i64: 2, 1000, 32>}, {transform_indices = @transform_1, window_bounds = array<i64: 1000, 32>}, {transform_indices = @transform_2, window_bounds = array<i64: 1000, 32>}, {transform_indices = @transform_3, window_bounds = array<i64: 1000, 1>}, {pipeline_mode = #tpu.pipeline_mode<synchronous>, transform_indices = @transform_4, window_bounds = array<i64: 64, 150>}, {pipeline_mode = #tpu.pipeline_mode<synchronous>, transform_indices = @transform_5, window_bounds = array<i64: 1, 150>}, {pipeline_mode = #tpu.pipeline_mode<synchronous>, transform_indices = @transform_6, window_bounds = array<i64: 150, 5>}, {pipeline_mode = #tpu.pipeline_mode<synchronous>, transform_indices = @transform_7, window_bounds = array<i64: 1, 5>}, {pipeline_mode = #tpu.pipeline_mode<synchronous>, transform_indices = @transform_8, window_bounds = array<i64: 5, 5>}, {pipeline_mode = #tpu.pipeline_mode<synchronous>, transform_indices = @transform_9, window_bounds = array<i64: 1, 5>}, {pipeline_mode = #tpu.pipeline_mode<synchronous>, transform_indices = @transform_10, window_bounds = array<i64: 5, 5>}, {pipeline_mode = #tpu.pipeline_mode<synchronous>, transform_indices = @transform_11, window_bounds = array<i64: 1, 5>}, {pipeline_mode = #tpu.pipeline_mode<synchronous>, transform_indices = @transform_12, window_bounds = array<i64: 5, 5>}, {pipeline_mode = #tpu.pipeline_mode<synchronous>, transform_indices = @transform_13, window_bounds = array<i64: 1, 5>}, {transform_indices = @transform_14, window_bounds = array<i64: 1000, 5>}, {transform_indices = @transform_15, window_bounds = array<i64: 1000, 16>}, {transform_indices = @transform_16, window_bounds = array<i64: 1000, 16>}, {transform_indices = @transform_17, window_bounds = array<i64: 1000, 16>}, {pipeline_mode = #tpu.pipeline_mode<synchronous>, transform_indices = @transform_18, window_bounds = array<i64: 1, 16>}, {pipeline_mode = #tpu.pipeline_mode<synchronous>, transform_indices = @transform_19, window_bounds = array<i64: 1, 16>}]} {
    %get3A = arith.constant 0 : index
    %get3A_0 = arith.constant 0 : index
    %get3A_1 = vector.load %arg4[%get3A, %get3A_0] : memref<1000x1xf32, #tpu.memory_space<vmem>>, vector<1000x1xf32>
    %get3A_2 = arith.constant 0 : index
    %get3A_3 = arith.constant 0 : index
    %get3A_4 = arith.constant 0 : index
    %get3A_5 = vector.load %arg1[%get3A_2, %get3A_3, %get3A_4] : memref<2x1000x32xf32, #tpu.memory_space<vmem>>, vector<1x1000x32xf32>
    %get3A_6 = vector.shape_cast %get3A_5 : vector<1x1000x32xf32> to vector<1000x32xf32>
    %get3A_7 = arith.constant 1 : index
    %get3A_8 = arith.constant 0 : index
    %get3A_9 = arith.constant 0 : index
    %get3A_10 = vector.load %arg1[%get3A_7, %get3A_8, %get3A_9] : memref<2x1000x32xf32, #tpu.memory_space<vmem>>, vector<1x1000x32xf32>
    %get3A_11 = vector.shape_cast %get3A_10 : vector<1x1000x32xf32> to vector<1000x32xf32>
    %concatenate3A = tpu.concatenate %get3A_6, %get3A_11 in 1 : vector<1000x32xf32>, vector<1000x32xf32> -> vector<1000x64xf32>
    %get3A_12 = arith.constant 0 : index
    %get3A_13 = arith.constant 0 : index
    %get3A_14 = vector.load %arg2[%get3A_12, %get3A_13] : memref<1000x32xf32, #tpu.memory_space<vmem>>, vector<1000x32xf32>
    %get3A_15 = arith.constant 0 : index
    %get3A_16 = arith.constant 0 : index
    %get3A_17 = vector.load %arg3[%get3A_15, %get3A_16] : memref<1000x32xf32, #tpu.memory_space<vmem>>, vector<1000x32xf32>
    %concatenate3A_18 = tpu.concatenate %get3A_14, %get3A_17 in 1 : vector<1000x32xf32>, vector<1000x32xf32> -> vector<1000x64xf32>
    %add3A = arith.addf %concatenate3A, %concatenate3A_18 : vector<1000x64xf32>
    %mul3A = vector.broadcast %get3A_1 : vector<1000x1xf32> to vector<1000x64xf32>
    %mul3A_19 = arith.mulf %mul3A, %add3A : vector<1000x64xf32>
    %get3A_20 = arith.constant 0 : index
    %get3A_21 = arith.constant 0 : index
    %get3A_22 = vector.load %arg5[%get3A_20, %get3A_21] : memref<64x150xf32, #tpu.memory_space<vmem>>, vector<64x150xf32>
    %dot_general3A = arith.constant dense<0.000000e+00> : vector<1000x150xf32>
    %dot_general3A_23 = tpu.matmul %mul3A_19, %get3A_22, %dot_general3A {dimension_numbers = #tpu.dot_dimension_numbers<[1], [0], [0], [1], [0, 0, 1, 1], [], []>, transpose_lhs_hint = false} : vector<1000x64xf32>, vector<64x150xf32>, vector<1000x150xf32> -> vector<1000x150xf32>
    %get3A_24 = arith.constant 0 : index
    %get3A_25 = arith.constant 0 : index
    %get3A_26 = vector.load %arg6[%get3A_24, %get3A_25] : memref<1x150xf32, #tpu.memory_space<vmem>>, vector<1x150xf32>
    %add3A_27 = vector.broadcast %get3A_26 : vector<1x150xf32> to vector<1000x150xf32>
    %add3A_28 = arith.addf %dot_general3A_23, %add3A_27 : vector<1000x150xf32>
    %max3A = arith.constant 0.000000e+00 : f32
    %max3A_29 = vector.broadcast %max3A : f32 to vector<1000x150xf32>
    %max3A_30 = arith.maximumf %add3A_28, %max3A_29 : vector<1000x150xf32>
    %get3A_31 = arith.constant 0 : index
    %get3A_32 = arith.constant 0 : index
    %get3A_33 = vector.load %arg7[%get3A_31, %get3A_32] : memref<150x5xf32, #tpu.memory_space<vmem>>, vector<150x5xf32>
    %dot_general3A_34 = arith.constant dense<0.000000e+00> : vector<1000x5xf32>
    %dot_general3A_35 = tpu.matmul %max3A_30, %get3A_33, %dot_general3A_34 {dimension_numbers = #tpu.dot_dimension_numbers<[1], [0], [0], [1], [0, 0, 1, 1], [], []>, transpose_lhs_hint = false} : vector<1000x150xf32>, vector<150x5xf32>, vector<1000x5xf32> -> vector<1000x5xf32>
    %get3A_36 = arith.constant 0 : index
    %get3A_37 = arith.constant 0 : index
    %get3A_38 = vector.load %arg8[%get3A_36, %get3A_37] : memref<1x5xf32, #tpu.memory_space<vmem>>, vector<1x5xf32>
    %add3A_39 = vector.broadcast %get3A_38 : vector<1x5xf32> to vector<1000x5xf32>
    %add3A_40 = arith.addf %dot_general3A_35, %add3A_39 : vector<1000x5xf32>
    %get3A_41 = arith.constant 0 : index
    %get3A_42 = arith.constant 0 : index
    %get3A_43 = vector.load %arg9[%get3A_41, %get3A_42] : memref<5x5xf32, #tpu.memory_space<vmem>>, vector<5x5xf32>
    %dot_general3A_44 = arith.constant dense<0.000000e+00> : vector<1000x5xf32>
    %dot_general3A_45 = tpu.matmul %add3A_40, %get3A_43, %dot_general3A_44 {dimension_numbers = #tpu.dot_dimension_numbers<[1], [0], [0], [1], [0, 0, 1, 1], [], []>, transpose_lhs_hint = false} : vector<1000x5xf32>, vector<5x5xf32>, vector<1000x5xf32> -> vector<1000x5xf32>
    %get3A_46 = arith.constant 0 : index
    %get3A_47 = arith.constant 0 : index
    %get3A_48 = vector.load %arg10[%get3A_46, %get3A_47] : memref<1x5xf32, #tpu.memory_space<vmem>>, vector<1x5xf32>
    %add3A_49 = vector.broadcast %get3A_48 : vector<1x5xf32> to vector<1000x5xf32>
    %add3A_50 = arith.addf %dot_general3A_45, %add3A_49 : vector<1000x5xf32>
    %get3A_51 = arith.constant 0 : index
    %get3A_52 = arith.constant 0 : index
    %get3A_53 = vector.load %arg11[%get3A_51, %get3A_52] : memref<5x5xf32, #tpu.memory_space<vmem>>, vector<5x5xf32>
    %dot_general3A_54 = arith.constant dense<0.000000e+00> : vector<1000x5xf32>
    %dot_general3A_55 = tpu.matmul %add3A_40, %get3A_53, %dot_general3A_54 {dimension_numbers = #tpu.dot_dimension_numbers<[1], [0], [0], [1], [0, 0, 1, 1], [], []>, transpose_lhs_hint = false} : vector<1000x5xf32>, vector<5x5xf32>, vector<1000x5xf32> -> vector<1000x5xf32>
    %get3A_56 = arith.constant 0 : index
    %get3A_57 = arith.constant 0 : index
    %get3A_58 = vector.load %arg12[%get3A_56, %get3A_57] : memref<1x5xf32, #tpu.memory_space<vmem>>, vector<1x5xf32>
    %add3A_59 = vector.broadcast %get3A_58 : vector<1x5xf32> to vector<1000x5xf32>
    %add3A_60 = arith.addf %dot_general3A_55, %add3A_59 : vector<1000x5xf32>
    %get3A_61 = arith.constant 0 : index
    %get3A_62 = arith.constant 0 : index
    %get3A_63 = vector.load %arg13[%get3A_61, %get3A_62] : memref<5x5xf32, #tpu.memory_space<vmem>>, vector<5x5xf32>
    %dot_general3A_64 = arith.constant dense<0.000000e+00> : vector<1000x5xf32>
    %dot_general3A_65 = tpu.matmul %add3A_40, %get3A_63, %dot_general3A_64 {dimension_numbers = #tpu.dot_dimension_numbers<[1], [0], [0], [1], [0, 0, 1, 1], [], []>, transpose_lhs_hint = false} : vector<1000x5xf32>, vector<5x5xf32>, vector<1000x5xf32> -> vector<1000x5xf32>
    %get3A_66 = arith.constant 0 : index
    %get3A_67 = arith.constant 0 : index
    %get3A_68 = vector.load %arg14[%get3A_66, %get3A_67] : memref<1x5xf32, #tpu.memory_space<vmem>>, vector<1x5xf32>
    %add3A_69 = vector.broadcast %get3A_68 : vector<1x5xf32> to vector<1000x5xf32>
    %add3A_70 = arith.addf %dot_general3A_65, %add3A_69 : vector<1000x5xf32>
    %broadcast_in_dim3A = arith.constant 0.000000e+00 : f32
    %broadcast_in_dim3A_71 = vector.broadcast %broadcast_in_dim3A : f32 to vector<1000x11xf32>
    %swap3A = arith.constant 0 : index
    %swap3A_72 = arith.constant 0 : index
    %swap3A_73 = vector.load %arg15[%swap3A, %swap3A_72] : memref<1000x5xf32, #tpu.memory_space<vmem>>, vector<1000x5xf32>
    tpu.vector_store %arg15[%swap3A, %swap3A_72], %add3A_40 {strides = array<i32>} : memref<1000x5xf32, #tpu.memory_space<vmem>>, vector<1000x5xf32>,
    %concatenate3A_74 = tpu.concatenate %add3A_50, %broadcast_in_dim3A_71 in 1 : vector<1000x5xf32>, vector<1000x11xf32> -> vector<1000x16xf32>
    %swap3A_75 = arith.constant 0 : index
    %swap3A_76 = arith.constant 0 : index
    %swap3A_77 = vector.load %arg16[%swap3A_75, %swap3A_76] : memref<1000x16xf32, #tpu.memory_space<vmem>>, vector<1000x16xf32>
    tpu.vector_store %arg16[%swap3A_75, %swap3A_76], %concatenate3A_74 {strides = array<i32>} : memref<1000x16xf32, #tpu.memory_space<vmem>>, vector<1000x16xf32>,
    %concatenate3A_78 = tpu.concatenate %add3A_60, %broadcast_in_dim3A_71 in 1 : vector<1000x5xf32>, vector<1000x11xf32> -> vector<1000x16xf32>
    %swap3A_79 = arith.constant 0 : index
    %swap3A_80 = arith.constant 0 : index
    %swap3A_81 = vector.load %arg17[%swap3A_79, %swap3A_80] : memref<1000x16xf32, #tpu.memory_space<vmem>>, vector<1000x16xf32>
    tpu.vector_store %arg17[%swap3A_79, %swap3A_80], %concatenate3A_78 {strides = array<i32>} : memref<1000x16xf32, #tpu.memory_space<vmem>>, vector<1000x16xf32>,
    %concatenate3A_82 = tpu.concatenate %add3A_70, %broadcast_in_dim3A_71 in 1 : vector<1000x5xf32>, vector<1000x11xf32> -> vector<1000x16xf32>
    %swap3A_83 = arith.constant 0 : index
    %swap3A_84 = arith.constant 0 : index
    %swap3A_85 = vector.load %arg18[%swap3A_83, %swap3A_84] : memref<1000x16xf32, #tpu.memory_space<vmem>>, vector<1000x16xf32>
    tpu.vector_store %arg18[%swap3A_83, %swap3A_84], %concatenate3A_82 {strides = array<i32>} : memref<1000x16xf32, #tpu.memory_space<vmem>>, vector<1000x16xf32>,
    %broadcast_in_dim3A_86 = arith.constant 0.000000e+00 : f32
    %broadcast_in_dim3A_87 = vector.broadcast %broadcast_in_dim3A_86 : f32 to vector<1x11xf32>
    %abs3A = math.absf %add3A_50 : vector<1000x5xf32>
    %reduce_max3A = arith.constant dense<0xFF800000> : vector<5xf32>
    %reduce_max3A_88 = vector.multi_reduction <maximumf>, %abs3A, %reduce_max3A [0] : vector<1000x5xf32> to vector<5xf32>
    %broadcast_in_dim3A_89 = vector.shape_cast %reduce_max3A_88 : vector<5xf32> to vector<1x5xf32>
    %concatenate3A_90 = tpu.concatenate %broadcast_in_dim3A_89, %broadcast_in_dim3A_87 in 1 : vector<1x5xf32>, vector<1x11xf32> -> vector<1x16xf32>
    %abs3A_91 = math.absf %add3A_60 : vector<1000x5xf32>
    %reduce_max3A_92 = arith.constant dense<0xFF800000> : vector<5xf32>
    %reduce_max3A_93 = vector.multi_reduction <maximumf>, %abs3A_91, %reduce_max3A_92 [0] : vector<1000x5xf32> to vector<5xf32>
    %broadcast_in_dim3A_94 = vector.shape_cast %reduce_max3A_93 : vector<5xf32> to vector<1x5xf32>
    %concatenate3A_95 = tpu.concatenate %broadcast_in_dim3A_94, %broadcast_in_dim3A_87 in 1 : vector<1x5xf32>, vector<1x11xf32> -> vector<1x16xf32>
    %eq3A = arith.constant 0 : i32
    %eq3A_96 = arith.cmpi eq, %arg0, %eq3A : i32
    %convert_element_type3A = arith.extui %eq3A_96 : i1 to i32
    %cond3A = arith.constant 0 : i32
    %cond3A_97 = arith.cmpi ne, %convert_element_type3A, %cond3A : i32
    scf.if %cond3A_97 {
      %swap3A_102 = arith.constant 0 : index
      %swap3A_103 = arith.constant 0 : index
      %swap3A_104 = vector.load %arg19[%swap3A_102, %swap3A_103] : memref<1x16xf32, #tpu.memory_space<vmem>>, vector<1x16xf32>
      tpu.vector_store %arg19[%swap3A_102, %swap3A_103], %concatenate3A_90 {strides = array<i32>} : memref<1x16xf32, #tpu.memory_space<vmem>>, vector<1x16xf32>,
      %swap3A_105 = arith.constant 0 : index
      %swap3A_106 = arith.constant 0 : index
      %swap3A_107 = vector.load %arg20[%swap3A_105, %swap3A_106] : memref<1x16xf32, #tpu.memory_space<vmem>>, vector<1x16xf32>
      tpu.vector_store %arg20[%swap3A_105, %swap3A_106], %concatenate3A_95 {strides = array<i32>} : memref<1x16xf32, #tpu.memory_space<vmem>>, vector<1x16xf32>,
    } else {
    }
    %gt3A = arith.constant 0 : i32
    %gt3A_98 = arith.cmpi sgt, %arg0, %gt3A : i32
    %convert_element_type3A_99 = arith.extui %gt3A_98 : i1 to i32
    %cond3A_100 = arith.constant 0 : i32
    %cond3A_101 = arith.cmpi ne, %convert_element_type3A_99, %cond3A_100 : i32
    scf.if %cond3A_101 {
      %get3A_102 = arith.constant 0 : index
      %get3A_103 = arith.constant 0 : index
      %get3A_104 = vector.load %arg19[%get3A_102, %get3A_103] : memref<1x16xf32, #tpu.memory_space<vmem>>, vector<1x16xf32>
      %max3A_105 = arith.maximumf %get3A_104, %concatenate3A_90 : vector<1x16xf32>
      %swap3A_106 = arith.constant 0 : index
      %swap3A_107 = arith.constant 0 : index
      %swap3A_108 = vector.load %arg19[%swap3A_106, %swap3A_107] : memref<1x16xf32, #tpu.memory_space<vmem>>, vector<1x16xf32>
      tpu.vector_store %arg19[%swap3A_106, %swap3A_107], %max3A_105 {strides = array<i32>} : memref<1x16xf32, #tpu.memory_space<vmem>>, vector<1x16xf32>,
      %get3A_109 = arith.constant 0 : index
      %get3A_110 = arith.constant 0 : index
      %get3A_111 = vector.load %arg20[%get3A_109, %get3A_110] : memref<1x16xf32, #tpu.memory_space<vmem>>, vector<1x16xf32>
      %max3A_112 = arith.maximumf %get3A_111, %concatenate3A_95 : vector<1x16xf32>
      %swap3A_113 = arith.constant 0 : index
      %swap3A_114 = arith.constant 0 : index
      %swap3A_115 = vector.load %arg20[%swap3A_113, %swap3A_114] : memref<1x16xf32, #tpu.memory_space<vmem>>, vector<1x16xf32>
      tpu.vector_store %arg20[%swap3A_113, %swap3A_114], %max3A_112 {strides = array<i32>} : memref<1x16xf32, #tpu.memory_space<vmem>>, vector<1x16xf32>,
    } else {
    }
    return
  }
  func.func @transform_0(%arg0: i32) -> (i32, i32, i32) {
    %c0_i32 = arith.constant 0 : i32
    %c0_i32_0 = arith.constant 0 : i32
    %c0_i32_1 = arith.constant 0 : i32
    return %c0_i32, %arg0, %c0_i32_0 : i32, i32, i32
  }
  func.func @transform_1(%arg0: i32) -> (i32, i32) {
    %c0_i32 = arith.constant 0 : i32
    %c0_i32_0 = arith.constant 0 : i32
    return %arg0, %c0_i32 : i32, i32
  }
  func.func @transform_2(%arg0: i32) -> (i32, i32) {
    %c0_i32 = arith.constant 0 : i32
    %c0_i32_0 = arith.constant 0 : i32
    return %arg0, %c0_i32 : i32, i32
  }
  func.func @transform_3(%arg0: i32) -> (i32, i32) {
    %c0_i32 = arith.constant 0 : i32
    %c0_i32_0 = arith.constant 0 : i32
    return %arg0, %c0_i32 : i32, i32
  }
  func.func @transform_4(%arg0: i32) -> (i32, i32) {
    %c0_i32 = arith.constant 0 : i32
    %c0_i32_0 = arith.constant 0 : i32
    %c0_i32_1 = arith.constant 0 : i32
    return %c0_i32, %c0_i32_0 : i32, i32
  }
  func.func @transform_5(%arg0: i32) -> (i32, i32) {
    %c0_i32 = arith.constant 0 : i32
    %c0_i32_0 = arith.constant 0 : i32
    %c0_i32_1 = arith.constant 0 : i32
    return %c0_i32, %c0_i32_0 : i32, i32
  }
  func.func @transform_6(%arg0: i32) -> (i32, i32) {
    %c0_i32 = arith.constant 0 : i32
    %c0_i32_0 = arith.constant 0 : i32
    %c0_i32_1 = arith.constant 0 : i32
    return %c0_i32, %c0_i32_0 : i32, i32
  }
  func.func @transform_7(%arg0: i32) -> (i32, i32) {
    %c0_i32 = arith.constant 0 : i32
    %c0_i32_0 = arith.constant 0 : i32
    %c0_i32_1 = arith.constant 0 : i32
    return %c0_i32, %c0_i32_0 : i32, i32
  }
  func.func @transform_8(%arg0: i32) -> (i32, i32) {
    %c0_i32 = arith.constant 0 : i32
    %c0_i32_0 = arith.constant 0 : i32
    %c0_i32_1 = arith.constant 0 : i32
    return %c0_i32, %c0_i32_0 : i32, i32
  }
  func.func @transform_9(%arg0: i32) -> (i32, i32) {
    %c0_i32 = arith.constant 0 : i32
    %c0_i32_0 = arith.constant 0 : i32
    %c0_i32_1 = arith.constant 0 : i32
    return %c0_i32, %c0_i32_0 : i32, i32
  }
  func.func @transform_10(%arg0: i32) -> (i32, i32) {
    %c0_i32 = arith.constant 0 : i32
    %c0_i32_0 = arith.constant 0 : i32
    %c0_i32_1 = arith.constant 0 : i32
    return %c0_i32, %c0_i32_0 : i32, i32
  }
  func.func @transform_11(%arg0: i32) -> (i32, i32) {
    %c0_i32 = arith.constant 0 : i32
    %c0_i32_0 = arith.constant 0 : i32
    %c0_i32_1 = arith.constant 0 : i32
    return %c0_i32, %c0_i32_0 : i32, i32
  }
  func.func @transform_12(%arg0: i32) -> (i32, i32) {
    %c0_i32 = arith.constant 0 : i32
    %c0_i32_0 = arith.constant 0 : i32
    %c0_i32_1 = arith.constant 0 : i32
    return %c0_i32, %c0_i32_0 : i32, i32
  }
  func.func @transform_13(%arg0: i32) -> (i32, i32) {
    %c0_i32 = arith.constant 0 : i32
    %c0_i32_0 = arith.constant 0 : i32
    %c0_i32_1 = arith.constant 0 : i32
    return %c0_i32, %c0_i32_0 : i32, i32
  }
  func.func @transform_14(%arg0: i32) -> (i32, i32) {
    %c0_i32 = arith.constant 0 : i32
    %c0_i32_0 = arith.constant 0 : i32
    return %arg0, %c0_i32 : i32, i32
  }
  func.func @transform_15(%arg0: i32) -> (i32, i32) {
    %c0_i32 = arith.constant 0 : i32
    %c0_i32_0 = arith.constant 0 : i32
    return %arg0, %c0_i32 : i32, i32
  }
  func.func @transform_16(%arg0: i32) -> (i32, i32) {
    %c0_i32 = arith.constant 0 : i32
    %c0_i32_0 = arith.constant 0 : i32
    return %arg0, %c0_i32 : i32, i32
  }
  func.func @transform_17(%arg0: i32) -> (i32, i32) {
    %c0_i32 = arith.constant 0 : i32
    %c0_i32_0 = arith.constant 0 : i32
    return %arg0, %c0_i32 : i32, i32
  }
  func.func @transform_18(%arg0: i32) -> (i32, i32) {
    %c0_i32 = arith.constant 0 : i32
    %c0_i32_0 = arith.constant 0 : i32
    %c0_i32_1 = arith.constant 0 : i32
    return %c0_i32, %c0_i32_0 : i32, i32
  }
  func.func @transform_19(%arg0: i32) -> (i32, i32) {
    %c0_i32 = arith.constant 0 : i32
    %c0_i32_0 = arith.constant 0 : i32
    %c0_i32_1 = arith.constant 0 : i32
    return %c0_i32, %c0_i32_0 : i32, i32
  }
}

module attributes {stable_mosaic.version = 14 : i64} {
  func.func @_t3_body(%arg0: i32, %arg1: memref<2x1000x16xf32, #tpu.memory_space<vmem>>, %arg2: memref<2x1000x16xf32, #tpu.memory_space<vmem>>, %arg3: memref<1000x5xf32, #tpu.memory_space<vmem>>, %arg4: memref<1000x16xf32, #tpu.memory_space<vmem>>, %arg5: memref<1000x16xf32, #tpu.memory_space<vmem>>, %arg6: memref<1000x16xf32, #tpu.memory_space<vmem>>, %arg7: memref<1x16xf32, #tpu.memory_space<vmem>>, %arg8: memref<1x16xf32, #tpu.memory_space<vmem>>, %arg9: memref<5x5xf32, #tpu.memory_space<vmem>>, %arg10: memref<1x5xf32, #tpu.memory_space<vmem>>, %arg11: memref<1x5xf32, #tpu.memory_space<vmem>>, %arg12: memref<1x5xf32, #tpu.memory_space<vmem>>, %arg13: memref<5x64xf32, #tpu.memory_space<vmem>>, %arg14: memref<1x64xf32, #tpu.memory_space<vmem>>, %arg15: memref<64x5xf32, #tpu.memory_space<vmem>>, %arg16: memref<1x5xf32, #tpu.memory_space<vmem>>, %arg17: memref<1x5xf32, #tpu.memory_space<vmem>>, %arg18: memref<1x5xf32, #tpu.memory_space<vmem>>, %arg19: memref<1000x5xf32, #tpu.memory_space<vmem>>) attributes {dimension_semantics = [#tpu.dimension_semantics<arbitrary>], iteration_bounds = array<i64: 50>, scalar_prefetch = 0 : i64, scratch_operands = 0 : i64, tpu.core_type = #tpu.core_type<tc>, window_params = [{transform_indices = @transform_0, window_bounds = array<i64: 2, 1000, 16>}, {transform_indices = @transform_1, window_bounds = array<i64: 2, 1000, 16>}, {transform_indices = @transform_2, window_bounds = array<i64: 1000, 5>}, {transform_indices = @transform_3, window_bounds = array<i64: 1000, 16>}, {transform_indices = @transform_4, window_bounds = array<i64: 1000, 16>}, {transform_indices = @transform_5, window_bounds = array<i64: 1000, 16>}, {pipeline_mode = #tpu.pipeline_mode<synchronous>, transform_indices = @transform_6, window_bounds = array<i64: 1, 16>}, {pipeline_mode = #tpu.pipeline_mode<synchronous>, transform_indices = @transform_7, window_bounds = array<i64: 1, 16>}, {pipeline_mode = #tpu.pipeline_mode<synchronous>, transform_indices = @transform_8, window_bounds = array<i64: 5, 5>}, {pipeline_mode = #tpu.pipeline_mode<synchronous>, transform_indices = @transform_9, window_bounds = array<i64: 1, 5>}, {pipeline_mode = #tpu.pipeline_mode<synchronous>, transform_indices = @transform_10, window_bounds = array<i64: 1, 5>}, {pipeline_mode = #tpu.pipeline_mode<synchronous>, transform_indices = @transform_11, window_bounds = array<i64: 1, 5>}, {pipeline_mode = #tpu.pipeline_mode<synchronous>, transform_indices = @transform_12, window_bounds = array<i64: 5, 64>}, {pipeline_mode = #tpu.pipeline_mode<synchronous>, transform_indices = @transform_13, window_bounds = array<i64: 1, 64>}, {pipeline_mode = #tpu.pipeline_mode<synchronous>, transform_indices = @transform_14, window_bounds = array<i64: 64, 5>}, {pipeline_mode = #tpu.pipeline_mode<synchronous>, transform_indices = @transform_15, window_bounds = array<i64: 1, 5>}, {pipeline_mode = #tpu.pipeline_mode<synchronous>, transform_indices = @transform_16, window_bounds = array<i64: 1, 5>}, {pipeline_mode = #tpu.pipeline_mode<synchronous>, transform_indices = @transform_17, window_bounds = array<i64: 1, 5>}, {transform_indices = @transform_18, window_bounds = array<i64: 1000, 5>}]} {
    %get3A = arith.constant 0 : index
    %get3A_0 = arith.constant 0 : index
    %get3A_1 = vector.load %arg7[%get3A, %get3A_0] : memref<1x16xf32, #tpu.memory_space<vmem>>, vector<1x16xf32>
    %get3A_2 = arith.constant 0 : index
    %get3A_3 = arith.constant 0 : index
    %get3A_4 = vector.load %arg8[%get3A_2, %get3A_3] : memref<1x16xf32, #tpu.memory_space<vmem>>, vector<1x16xf32>
    %mul3A = arith.mulf %get3A_1, %get3A_4 : vector<1x16xf32>
    %get3A_5 = arith.constant 0 : index
    %get3A_6 = arith.constant 0 : index
    %get3A_7 = vector.load %arg4[%get3A_5, %get3A_6] : memref<1000x16xf32, #tpu.memory_space<vmem>>, vector<1000x16xf32>
    %get3A_8 = arith.constant 0 : index
    %get3A_9 = arith.constant 0 : index
    %get3A_10 = vector.load %arg5[%get3A_8, %get3A_9] : memref<1000x16xf32, #tpu.memory_space<vmem>>, vector<1000x16xf32>
    %mul3A_11 = arith.mulf %get3A_7, %get3A_10 : vector<1000x16xf32>
    %sub3A = vector.broadcast %mul3A : vector<1x16xf32> to vector<1000x16xf32>
    %sub3A_12 = arith.subf %mul3A_11, %sub3A : vector<1000x16xf32>
    %exp3A = math.exp %sub3A_12 : vector<1000x16xf32>
    %get3A_13 = arith.constant 0 : index
    %get3A_14 = arith.constant 0 : index
    %get3A_15 = arith.constant 0 : index
    %get3A_16 = vector.load %arg1[%get3A_13, %get3A_14, %get3A_15] : memref<2x1000x16xf32, #tpu.memory_space<vmem>>, vector<1x1000x5xf32>
    %get3A_17 = vector.shape_cast %get3A_16 : vector<1x1000x5xf32> to vector<1000x5xf32>
    %get3A_18 = arith.constant 1 : index
    %get3A_19 = arith.constant 0 : index
    %get3A_20 = arith.constant 0 : index
    %get3A_21 = vector.load %arg1[%get3A_18, %get3A_19, %get3A_20] : memref<2x1000x16xf32, #tpu.memory_space<vmem>>, vector<1x1000x5xf32>
    %get3A_22 = vector.shape_cast %get3A_21 : vector<1x1000x5xf32> to vector<1000x5xf32>
    %add3A = arith.addf %get3A_17, %get3A_22 : vector<1000x5xf32>
    %slice3A = vector.extract_strided_slice %exp3A {offsets = [0, 0], sizes = [1000, 5], strides = [1, 1]} : vector<1000x16xf32> to vector<1000x5xf32>
    %add3A_23 = arith.addf %add3A, %slice3A : vector<1000x5xf32>
    %get3A_24 = arith.constant 0 : index
    %get3A_25 = arith.constant 0 : index
    %get3A_26 = arith.constant 0 : index
    %get3A_27 = vector.load %arg2[%get3A_24, %get3A_25, %get3A_26] : memref<2x1000x16xf32, #tpu.memory_space<vmem>>, vector<1x1000x5xf32>
    %get3A_28 = vector.shape_cast %get3A_27 : vector<1x1000x5xf32> to vector<1000x5xf32>
    %get3A_29 = arith.constant 1 : index
    %get3A_30 = arith.constant 0 : index
    %get3A_31 = arith.constant 0 : index
    %get3A_32 = vector.load %arg2[%get3A_29, %get3A_30, %get3A_31] : memref<2x1000x16xf32, #tpu.memory_space<vmem>>, vector<1x1000x5xf32>
    %get3A_33 = vector.shape_cast %get3A_32 : vector<1x1000x5xf32> to vector<1000x5xf32>
    %add3A_34 = arith.addf %get3A_28, %get3A_33 : vector<1000x5xf32>
    %slice3A_35 = vector.extract_strided_slice %exp3A {offsets = [0, 0], sizes = [1000, 5], strides = [1, 1]} : vector<1000x16xf32> to vector<1000x5xf32>
    %get3A_36 = arith.constant 0 : index
    %get3A_37 = arith.constant 0 : index
    %get3A_38 = vector.load %arg6[%get3A_36, %get3A_37] : memref<1000x16xf32, #tpu.memory_space<vmem>>, vector<1000x16xf32>
    %slice3A_39 = vector.extract_strided_slice %get3A_38 {offsets = [0, 0], sizes = [1000, 5], strides = [1, 1]} : vector<1000x16xf32> to vector<1000x5xf32>
    %mul3A_40 = arith.mulf %slice3A_35, %slice3A_39 : vector<1000x5xf32>
    %add3A_41 = arith.addf %add3A_34, %mul3A_40 : vector<1000x5xf32>
    %div3A = arith.divf %add3A_41, %add3A_23 : vector<1000x5xf32>
    %get3A_42 = arith.constant 0 : index
    %get3A_43 = arith.constant 0 : index
    %get3A_44 = vector.load %arg9[%get3A_42, %get3A_43] : memref<5x5xf32, #tpu.memory_space<vmem>>, vector<5x5xf32>
    %dot_general3A = arith.constant dense<0.000000e+00> : vector<1000x5xf32>
    %dot_general3A_45 = tpu.matmul %div3A, %get3A_44, %dot_general3A {dimension_numbers = #tpu.dot_dimension_numbers<[1], [0], [0], [1], [0, 0, 1, 1], [], []>, transpose_lhs_hint = false} : vector<1000x5xf32>, vector<5x5xf32>, vector<1000x5xf32> -> vector<1000x5xf32>
    %get3A_46 = arith.constant 0 : index
    %get3A_47 = arith.constant 0 : index
    %get3A_48 = vector.load %arg10[%get3A_46, %get3A_47] : memref<1x5xf32, #tpu.memory_space<vmem>>, vector<1x5xf32>
    %add3A_49 = vector.broadcast %get3A_48 : vector<1x5xf32> to vector<1000x5xf32>
    %add3A_50 = arith.addf %dot_general3A_45, %add3A_49 : vector<1000x5xf32>
    %get3A_51 = arith.constant 0 : index
    %get3A_52 = arith.constant 0 : index
    %get3A_53 = vector.load %arg3[%get3A_51, %get3A_52] : memref<1000x5xf32, #tpu.memory_space<vmem>>, vector<1000x5xf32>
    %add3A_54 = arith.addf %get3A_53, %add3A_50 : vector<1000x5xf32>
    %get3A_55 = arith.constant 0 : index
    %get3A_56 = arith.constant 0 : index
    %get3A_57 = vector.load %arg11[%get3A_55, %get3A_56] : memref<1x5xf32, #tpu.memory_space<vmem>>, vector<1x5xf32>
    %get3A_58 = arith.constant 0 : index
    %get3A_59 = arith.constant 0 : index
    %get3A_60 = vector.load %arg12[%get3A_58, %get3A_59] : memref<1x5xf32, #tpu.memory_space<vmem>>, vector<1x5xf32>
    %reduce_sum3A = arith.constant dense<0.000000e+00> : vector<1000xf32>
    %reduce_sum3A_61 = vector.multi_reduction <add>, %add3A_54, %reduce_sum3A [1] : vector<1000x5xf32> to vector<1000xf32>
    %broadcast_in_dim3A = vector.shape_cast %reduce_sum3A_61 : vector<1000xf32> to vector<1000x1xf32>
    %div3A_62 = arith.constant 5.000000e+00 : f32
    %div3A_63 = vector.broadcast %div3A_62 : f32 to vector<1000x1xf32>
    %div3A_64 = arith.divf %broadcast_in_dim3A, %div3A_63 : vector<1000x1xf32>
    %sub3A_65 = vector.broadcast %div3A_64 : vector<1000x1xf32> to vector<1000x5xf32>
    %sub3A_66 = arith.subf %add3A_54, %sub3A_65 : vector<1000x5xf32>
    %sub3A_67 = vector.broadcast %div3A_64 : vector<1000x1xf32> to vector<1000x5xf32>
    %sub3A_68 = arith.subf %add3A_54, %sub3A_67 : vector<1000x5xf32>
    %mul3A_69 = arith.mulf %sub3A_66, %sub3A_68 : vector<1000x5xf32>
    %reduce_sum3A_70 = arith.constant dense<0.000000e+00> : vector<1000xf32>
    %reduce_sum3A_71 = vector.multi_reduction <add>, %mul3A_69, %reduce_sum3A_70 [1] : vector<1000x5xf32> to vector<1000xf32>
    %broadcast_in_dim3A_72 = vector.shape_cast %reduce_sum3A_71 : vector<1000xf32> to vector<1000x1xf32>
    %div3A_73 = arith.constant 5.000000e+00 : f32
    %div3A_74 = vector.broadcast %div3A_73 : f32 to vector<1000x1xf32>
    %div3A_75 = arith.divf %broadcast_in_dim3A_72, %div3A_74 : vector<1000x1xf32>
    %sub3A_76 = vector.broadcast %div3A_64 : vector<1000x1xf32> to vector<1000x5xf32>
    %sub3A_77 = arith.subf %add3A_54, %sub3A_76 : vector<1000x5xf32>
    %add3A_78 = arith.constant 9.99999974E-6 : f32
    %add3A_79 = vector.broadcast %add3A_78 : f32 to vector<1000x1xf32>
    %add3A_80 = arith.addf %div3A_75, %add3A_79 : vector<1000x1xf32>
    %rsqrt3A = math.rsqrt %add3A_80 : vector<1000x1xf32>
    %mul3A_81 = vector.broadcast %rsqrt3A : vector<1000x1xf32> to vector<1000x5xf32>
    %mul3A_82 = arith.mulf %sub3A_77, %mul3A_81 : vector<1000x5xf32>
    %mul3A_83 = vector.broadcast %get3A_57 : vector<1x5xf32> to vector<1000x5xf32>
    %mul3A_84 = arith.mulf %mul3A_82, %mul3A_83 : vector<1000x5xf32>
    %add3A_85 = vector.broadcast %get3A_60 : vector<1x5xf32> to vector<1000x5xf32>
    %add3A_86 = arith.addf %mul3A_84, %add3A_85 : vector<1000x5xf32>
    %get3A_87 = arith.constant 0 : index
    %get3A_88 = arith.constant 0 : index
    %get3A_89 = vector.load %arg13[%get3A_87, %get3A_88] : memref<5x64xf32, #tpu.memory_space<vmem>>, vector<5x64xf32>
    %dot_general3A_90 = arith.constant dense<0.000000e+00> : vector<1000x64xf32>
    %dot_general3A_91 = tpu.matmul %add3A_86, %get3A_89, %dot_general3A_90 {dimension_numbers = #tpu.dot_dimension_numbers<[1], [0], [0], [1], [0, 0, 1, 1], [], []>, transpose_lhs_hint = false} : vector<1000x5xf32>, vector<5x64xf32>, vector<1000x64xf32> -> vector<1000x64xf32>
    %get3A_92 = arith.constant 0 : index
    %get3A_93 = arith.constant 0 : index
    %get3A_94 = vector.load %arg14[%get3A_92, %get3A_93] : memref<1x64xf32, #tpu.memory_space<vmem>>, vector<1x64xf32>
    %add3A_95 = vector.broadcast %get3A_94 : vector<1x64xf32> to vector<1000x64xf32>
    %add3A_96 = arith.addf %dot_general3A_91, %add3A_95 : vector<1000x64xf32>
    %max3A = arith.constant 0.000000e+00 : f32
    %max3A_97 = vector.broadcast %max3A : f32 to vector<1000x64xf32>
    %max3A_98 = arith.maximumf %add3A_96, %max3A_97 : vector<1000x64xf32>
    %get3A_99 = arith.constant 0 : index
    %get3A_100 = arith.constant 0 : index
    %get3A_101 = vector.load %arg15[%get3A_99, %get3A_100] : memref<64x5xf32, #tpu.memory_space<vmem>>, vector<64x5xf32>
    %dot_general3A_102 = arith.constant dense<0.000000e+00> : vector<1000x5xf32>
    %dot_general3A_103 = tpu.matmul %max3A_98, %get3A_101, %dot_general3A_102 {dimension_numbers = #tpu.dot_dimension_numbers<[1], [0], [0], [1], [0, 0, 1, 1], [], []>, transpose_lhs_hint = false} : vector<1000x64xf32>, vector<64x5xf32>, vector<1000x5xf32> -> vector<1000x5xf32>
    %get3A_104 = arith.constant 0 : index
    %get3A_105 = arith.constant 0 : index
    %get3A_106 = vector.load %arg16[%get3A_104, %get3A_105] : memref<1x5xf32, #tpu.memory_space<vmem>>, vector<1x5xf32>
    %add3A_107 = vector.broadcast %get3A_106 : vector<1x5xf32> to vector<1000x5xf32>
    %add3A_108 = arith.addf %dot_general3A_103, %add3A_107 : vector<1000x5xf32>
    %add3A_109 = arith.addf %add3A_86, %add3A_108 : vector<1000x5xf32>
    %get3A_110 = arith.constant 0 : index
    %get3A_111 = arith.constant 0 : index
    %get3A_112 = vector.load %arg17[%get3A_110, %get3A_111] : memref<1x5xf32, #tpu.memory_space<vmem>>, vector<1x5xf32>
    %get3A_113 = arith.constant 0 : index
    %get3A_114 = arith.constant 0 : index
    %get3A_115 = vector.load %arg18[%get3A_113, %get3A_114] : memref<1x5xf32, #tpu.memory_space<vmem>>, vector<1x5xf32>
    %reduce_sum3A_116 = arith.constant dense<0.000000e+00> : vector<1000xf32>
    %reduce_sum3A_117 = vector.multi_reduction <add>, %add3A_109, %reduce_sum3A_116 [1] : vector<1000x5xf32> to vector<1000xf32>
    %broadcast_in_dim3A_118 = vector.shape_cast %reduce_sum3A_117 : vector<1000xf32> to vector<1000x1xf32>
    %div3A_119 = arith.constant 5.000000e+00 : f32
    %div3A_120 = vector.broadcast %div3A_119 : f32 to vector<1000x1xf32>
    %div3A_121 = arith.divf %broadcast_in_dim3A_118, %div3A_120 : vector<1000x1xf32>
    %sub3A_122 = vector.broadcast %div3A_121 : vector<1000x1xf32> to vector<1000x5xf32>
    %sub3A_123 = arith.subf %add3A_109, %sub3A_122 : vector<1000x5xf32>
    %sub3A_124 = vector.broadcast %div3A_121 : vector<1000x1xf32> to vector<1000x5xf32>
    %sub3A_125 = arith.subf %add3A_109, %sub3A_124 : vector<1000x5xf32>
    %mul3A_126 = arith.mulf %sub3A_123, %sub3A_125 : vector<1000x5xf32>
    %reduce_sum3A_127 = arith.constant dense<0.000000e+00> : vector<1000xf32>
    %reduce_sum3A_128 = vector.multi_reduction <add>, %mul3A_126, %reduce_sum3A_127 [1] : vector<1000x5xf32> to vector<1000xf32>
    %broadcast_in_dim3A_129 = vector.shape_cast %reduce_sum3A_128 : vector<1000xf32> to vector<1000x1xf32>
    %div3A_130 = arith.constant 5.000000e+00 : f32
    %div3A_131 = vector.broadcast %div3A_130 : f32 to vector<1000x1xf32>
    %div3A_132 = arith.divf %broadcast_in_dim3A_129, %div3A_131 : vector<1000x1xf32>
    %sub3A_133 = vector.broadcast %div3A_121 : vector<1000x1xf32> to vector<1000x5xf32>
    %sub3A_134 = arith.subf %add3A_109, %sub3A_133 : vector<1000x5xf32>
    %add3A_135 = arith.constant 9.99999974E-6 : f32
    %add3A_136 = vector.broadcast %add3A_135 : f32 to vector<1000x1xf32>
    %add3A_137 = arith.addf %div3A_132, %add3A_136 : vector<1000x1xf32>
    %rsqrt3A_138 = math.rsqrt %add3A_137 : vector<1000x1xf32>
    %mul3A_139 = vector.broadcast %rsqrt3A_138 : vector<1000x1xf32> to vector<1000x5xf32>
    %mul3A_140 = arith.mulf %sub3A_134, %mul3A_139 : vector<1000x5xf32>
    %mul3A_141 = vector.broadcast %get3A_112 : vector<1x5xf32> to vector<1000x5xf32>
    %mul3A_142 = arith.mulf %mul3A_140, %mul3A_141 : vector<1000x5xf32>
    %add3A_143 = vector.broadcast %get3A_115 : vector<1x5xf32> to vector<1000x5xf32>
    %add3A_144 = arith.addf %mul3A_142, %add3A_143 : vector<1000x5xf32>
    %swap3A = arith.constant 0 : index
    %swap3A_145 = arith.constant 0 : index
    %swap3A_146 = vector.load %arg19[%swap3A, %swap3A_145] : memref<1000x5xf32, #tpu.memory_space<vmem>>, vector<1000x5xf32>
    tpu.vector_store %arg19[%swap3A, %swap3A_145], %add3A_144 {strides = array<i32>} : memref<1000x5xf32, #tpu.memory_space<vmem>>, vector<1000x5xf32>,
    return
  }
  func.func @transform_0(%arg0: i32) -> (i32, i32, i32) {
    %c0_i32 = arith.constant 0 : i32
    %c0_i32_0 = arith.constant 0 : i32
    %c0_i32_1 = arith.constant 0 : i32
    return %c0_i32, %arg0, %c0_i32_0 : i32, i32, i32
  }
  func.func @transform_1(%arg0: i32) -> (i32, i32, i32) {
    %c0_i32 = arith.constant 0 : i32
    %c0_i32_0 = arith.constant 0 : i32
    %c0_i32_1 = arith.constant 0 : i32
    return %c0_i32, %arg0, %c0_i32_0 : i32, i32, i32
  }
  func.func @transform_2(%arg0: i32) -> (i32, i32) {
    %c0_i32 = arith.constant 0 : i32
    %c0_i32_0 = arith.constant 0 : i32
    return %arg0, %c0_i32 : i32, i32
  }
  func.func @transform_3(%arg0: i32) -> (i32, i32) {
    %c0_i32 = arith.constant 0 : i32
    %c0_i32_0 = arith.constant 0 : i32
    return %arg0, %c0_i32 : i32, i32
  }
  func.func @transform_4(%arg0: i32) -> (i32, i32) {
    %c0_i32 = arith.constant 0 : i32
    %c0_i32_0 = arith.constant 0 : i32
    return %arg0, %c0_i32 : i32, i32
  }
  func.func @transform_5(%arg0: i32) -> (i32, i32) {
    %c0_i32 = arith.constant 0 : i32
    %c0_i32_0 = arith.constant 0 : i32
    return %arg0, %c0_i32 : i32, i32
  }
  func.func @transform_6(%arg0: i32) -> (i32, i32) {
    %c0_i32 = arith.constant 0 : i32
    %c0_i32_0 = arith.constant 0 : i32
    %c0_i32_1 = arith.constant 0 : i32
    return %c0_i32, %c0_i32_0 : i32, i32
  }
  func.func @transform_7(%arg0: i32) -> (i32, i32) {
    %c0_i32 = arith.constant 0 : i32
    %c0_i32_0 = arith.constant 0 : i32
    %c0_i32_1 = arith.constant 0 : i32
    return %c0_i32, %c0_i32_0 : i32, i32
  }
  func.func @transform_8(%arg0: i32) -> (i32, i32) {
    %c0_i32 = arith.constant 0 : i32
    %c0_i32_0 = arith.constant 0 : i32
    %c0_i32_1 = arith.constant 0 : i32
    return %c0_i32, %c0_i32_0 : i32, i32
  }
  func.func @transform_9(%arg0: i32) -> (i32, i32) {
    %c0_i32 = arith.constant 0 : i32
    %c0_i32_0 = arith.constant 0 : i32
    %c0_i32_1 = arith.constant 0 : i32
    return %c0_i32, %c0_i32_0 : i32, i32
  }
  func.func @transform_10(%arg0: i32) -> (i32, i32) {
    %c0_i32 = arith.constant 0 : i32
    %c0_i32_0 = arith.constant 0 : i32
    %c0_i32_1 = arith.constant 0 : i32
    return %c0_i32, %c0_i32_0 : i32, i32
  }
  func.func @transform_11(%arg0: i32) -> (i32, i32) {
    %c0_i32 = arith.constant 0 : i32
    %c0_i32_0 = arith.constant 0 : i32
    %c0_i32_1 = arith.constant 0 : i32
    return %c0_i32, %c0_i32_0 : i32, i32
  }
  func.func @transform_12(%arg0: i32) -> (i32, i32) {
    %c0_i32 = arith.constant 0 : i32
    %c0_i32_0 = arith.constant 0 : i32
    %c0_i32_1 = arith.constant 0 : i32
    return %c0_i32, %c0_i32_0 : i32, i32
  }
  func.func @transform_13(%arg0: i32) -> (i32, i32) {
    %c0_i32 = arith.constant 0 : i32
    %c0_i32_0 = arith.constant 0 : i32
    %c0_i32_1 = arith.constant 0 : i32
    return %c0_i32, %c0_i32_0 : i32, i32
  }
  func.func @transform_14(%arg0: i32) -> (i32, i32) {
    %c0_i32 = arith.constant 0 : i32
    %c0_i32_0 = arith.constant 0 : i32
    %c0_i32_1 = arith.constant 0 : i32
    return %c0_i32, %c0_i32_0 : i32, i32
  }
  func.func @transform_15(%arg0: i32) -> (i32, i32) {
    %c0_i32 = arith.constant 0 : i32
    %c0_i32_0 = arith.constant 0 : i32
    %c0_i32_1 = arith.constant 0 : i32
    return %c0_i32, %c0_i32_0 : i32, i32
  }
  func.func @transform_16(%arg0: i32) -> (i32, i32) {
    %c0_i32 = arith.constant 0 : i32
    %c0_i32_0 = arith.constant 0 : i32
    %c0_i32_1 = arith.constant 0 : i32
    return %c0_i32, %c0_i32_0 : i32, i32
  }
  func.func @transform_17(%arg0: i32) -> (i32, i32) {
    %c0_i32 = arith.constant 0 : i32
    %c0_i32_0 = arith.constant 0 : i32
    %c0_i32_1 = arith.constant 0 : i32
    return %c0_i32, %c0_i32_0 : i32, i32
  }
  func.func @transform_18(%arg0: i32) -> (i32, i32) {
    %c0_i32 = arith.constant 0 : i32
    %c0_i32_0 = arith.constant 0 : i32
    return %arg0, %c0_i32 : i32, i32
  }
}

</mosaic_0001>

<sc_bundles>
// kernel: kernel.10.cloned.1.call-start
scs
__scs_entry_jumppad:
0x0: {  	(pc) =	sbr.rel $0x88, $3  }
0x1: {  	(tag) =	ssettag $0x0;
	lr =	simm.s32 $0x1  }
0x2: {  	[smem:$0x3F89] =	sst lr;
	_ =	strace $0xD0000000  }
0x3: {  	_ = 	snop  }
0x4: {  	_ = 	snop  }
0x5: {  	_ = 	snop  }
0x6: {  	_ = 	snop  }
0x7: {  	_ = 	snop  }
__scs_overlays_trampoline_lowered:
0x8: {  	[smem:$0x3F98] =	sst s0  }
0x9: {  	[smem:$0x3F99] =	sst s1  }
0xa: {  	[smem:$0x3F9A] =	sst s2  }
0xb: {  	[smem:$0x3F9B] =	sst s3  }
0xc: {  	[smem:$0x3F9C] =	sst s4  }
0xd: {  	[smem:$0x3F9D] =	sst s5  }
0xe: {  	[smem:$0x3F9E] =	sst s6  }
0xf: {  	[smem:$0x3F9F] =	sst s7  }
0x10: {  	[smem:$0x3FA0] =	sst s8  }
0x11: {  	[smem:$0x3FA1] =	sst s9;
	s0 =	simm.s32 @!p0 $0x0  }
0x12: {  	s1 =	sld [smem:$0x3F87];
	s0 =	simm.s32 @p0 $0x1  }
0x13: {  	[smem:$0x3FA2] =	sst s0;
	s0 =	simm.s32 @!p1 $0x0  }
0x14: {  	s2 =	sld [smem:$0x3F86];
	s0 =	simm.s32 @p1 $0x1  }
0x15: {  	[smem:$0x3FA3] =	sst s0;
	s0 =	simm.s32 @!p2 $0x0  }
0x16: {  	s3 =	sld [smem:$0x3FDB];
	s0 =	simm.s32 @p2 $0x1  }
0x17: {  	s4 =	simm.s32 $0x1BF5;
	[smem:$0x3FA5] =	sst s0  }
0x18: {  	s0 =	sld [smem:$0x3F88];
	_ =	swait.ge [sflag:s4], $0x0  }
0x19: {  	s7 =	sld [smem:$0x3F89]  }
0x1a: {  	s8 =	sadd.s32 $0xFFFFE003, lr  }
0x1b: {  	s9 =	sadd.s32 $0xFFFFFEF7, lr;
	s5 =	simm.s32 $0xFFFFFFFF;
	p2 =	slt.u32 s8, $0xFFFFF086  }
0x1c: {  	p1 =	slt.u32 s9, $0xF7A;
	s5 =	simm.s32 @!p2 $0x0  }
0x1d: {  	s5 =	simm.s32 @p1 $0x1;
	p0 =	seq.s32 s7, s2  }
0x1e: {  	s7 =	smul.u32 @!p0 $0xF7A, s2;
	p2 =	seq.s32 @!p0 s5, $0x0  }
0x1f: {  	s9 =	smul.u32 $0xF7A, s1;
	s8 =	simm.s32 @!p0 $0x1BF5;
	p2 =	por !p2, p0  }
0x20: {  	[sflag:s8] =	ssyncset.s32 @!p0 $0xFFFFF086;
	s6 =	sadd.s32 @!p0 s3, s7;
	s7 =	simm.s32 @!p0 $0x108  }
0x21: {  	s3 =	sadd.s32 s3, s9;
	s6 =	sadd.s32 @!p0 $0x88, s6;
	s7 =	simm.s32 @p2 $0x1082  }
0x22: {  	[simem:s7], [sflag:s8] =	dma.local @!p0 [hbm:s6], $0xF7A  }
0x23: {  	s9 =	sor.u32 $0xD0000000, s2;
	s6 =	simm.s32 $0x108;
	_ =	swait.ge @!p0 [sflag:s8], $0x0  }
0x24: {  	s3 =	sadd.s32 $0x88, s3;
	s6 =	simm.s32 @!p1 $0x1082;
	[sflag:s4] =	ssyncset.s32 $0xFFFFF086  }
0x25: {  	[simem:s6], [sflag:s4] =	dma.local [hbm:s3], $0xF7A  }
0x26: {  	[smem:$0x3F89] =	sst s1;
	(tag) =	ssettag s2;
	_ =	strace s9  }
0x27: {  	s1 =	sld [smem:$0x3F99]  }
0x28: {  	s2 =	sld [smem:$0x3F9A]  }
0x29: {  	s4 =	sld [smem:$0x3F9C]  }
0x2a: {  	p0 =	seq.s32 s5, $0x0;
	s5 =	sld [smem:$0x3F9D]  }
0x2b: {  	s6 =	sld [smem:$0x3F9E]  }
0x2c: {  	s7 =	sld [smem:$0x3F9F]  }
0x2d: {  	s3 =	simm.s32 $0x108;
	s8 =	sld [smem:$0x3FA0]  }
0x2e: {  	s3 =	simm.s32 @!p0 $0x1082;
	s9 =	sld [smem:$0x3FA1]  }
0x2f: {  	lr =	sadd.s32 s0, s3;
	s0 =	sld [smem:$0x3F98]  }
0x30: {  	s3 =	sld [smem:$0x3F9B]  }
0x31: {  	[smem:$0x3FA4] =	sst s10  }
0x32: {  	s10 =	sld [smem:$0x3FA2];
	_ =	sdelay $0x3  }
0x33: {  	p0 =	seq.s32 s10, $0x1;
	s10 =	sld [smem:$0x3FA4];
	_ =	sdelay $0x3  }
0x34: {  	[smem:$0x3FA4] =	sst s10  }
0x35: {  	s10 =	sld [smem:$0x3FA3];
	_ =	sdelay $0x3  }
0x36: {  	p1 =	seq.s32 s10, $0x1;
	s10 =	sld [smem:$0x3FA4];
	_ =	sdelay $0x3  }
0x37: {  	[smem:$0x3FA4] =	sst s10  }
0x38: {  	s10 =	sld [smem:$0x3FA5]  }
0x39: {  	_ = 	snop;
	(pc) =	sbr.ind lr, $3  }
0x3a: {  	_ = 	snop  }
0x3b: {  	_ = 	snop  }
0x3c: {  	p2 =	seq.s32 s10, $0x1;
	s10 =	sld [smem:$0x3FA4]  }
0x3d: {  	_ =	shalt  }
0x3e: {  	_ =	shalt  }
0x3f: {  	_ =	shalt  }
0x40: {  	_ =	shalt  }
0x41: {  	_ =	shalt  }
0x42: {  	_ =	shalt  }
0x43: {  	_ =	shalt  }
0x44: {  	_ =	shalt  }
0x45: {  	_ =	shalt  }
0x46: {  	_ =	shalt  }
0x47: {  	_ =	shalt  }
0x48: {  	_ =	shalt  }
0x49: {  	_ =	shalt  }
0x4a: {  	_ =	shalt  }
0x4b: {  	_ =	shalt  }
0x4c: {  	_ =	shalt  }
0x4d: {  	_ =	shalt  }
0x4e: {  	_ =	shalt  }
0x4f: {  	_ =	shalt  }
0x50: {  	_ =	shalt  }
0x51: {  	_ =	shalt  }
0x52: {  	_ =	shalt  }
0x53: {  	_ =	shalt  }
0x54: {  	_ =	shalt  }
0x55: {  	_ =	shalt  }
0x56: {  	_ =	shalt  }
0x57: {  	_ =	shalt  }
0x58: {  	_ =	shalt  }
0x59: {  	_ =	shalt  }
0x5a: {  	_ =	shalt  }
0x5b: {  	_ =	shalt  }
0x5c: {  	_ =	shalt  }
0x5d: {  	_ =	shalt  }
0x5e: {  	_ =	shalt  }
0x5f: {  	_ =	shalt  }
0x60: {  	_ =	shalt  }
0x61: {  	_ =	shalt  }
0x62: {  	_ =	shalt  }
0x63: {  	_ =	shalt  }
0x64: {  	_ =	shalt  }
0x65: {  	_ =	shalt  }
0x66: {  	_ =	shalt  }
0x67: {  	_ =	shalt  }
0x68: {  	_ =	shalt  }
0x69: {  	_ =	shalt  }
0x6a: {  	_ =	shalt  }
0x6b: {  	_ =	shalt  }
0x6c: {  	_ =	shalt  }
0x6d: {  	_ =	shalt  }
0x6e: {  	_ =	shalt  }
0x6f: {  	_ =	shalt  }
0x70: {  	_ =	shalt  }
0x71: {  	_ =	shalt  }
0x72: {  	_ =	shalt  }
0x73: {  	_ =	shalt  }
0x74: {  	_ =	shalt  }
0x75: {  	_ =	shalt  }
0x76: {  	_ =	shalt  }
0x77: {  	_ =	shalt  }
0x78: {  	_ =	shalt  }
0x79: {  	_ =	shalt  }
0x7a: {  	_ =	shalt  }
0x7b: {  	_ =	shalt  }
0x7c: {  	_ =	shalt  }
0x7d: {  	_ =	shalt  }
0x7e: {  	_ =	shalt  }
0x7f: {  	_ =	shalt  }
0x80: {  	_ =	shalt  }
0x81: {  	_ =	shalt  }
0x82: {  	_ =	shalt  }
0x83: {  	_ =	shalt  }
0x84: {  	_ =	shalt  }
0x85: {  	_ =	shalt  }
0x86: {  	_ =	shalt  }
0x87: {  	_ =	shalt  }
.Lfunc_end0:
.L_simem_size_0:
called_computation_lowered:
.L_overlay_start_0:
0x88: {  	s2 =	sld [smem:$0x3FD9]  }
0x89: {  	s3 =	sld [smem:$0x3FFE];
	_ =	sdelay $0x1  }
0x8a: {  	s1 =	srdreg.scid  }
0x8b: {  	s0 =	sand.u32 $0x1, s1  }
0x8c: {  	s17 =	sshll.u32 s0, $0xA;
	s2 =	sadd.s32 s3, s2  }
0x8d: {  	s2 =	sadd.s32 s2, s17  }
0x8e: {  	[smem:$0x3FB0] =	sst s2  }
0x8f: {  	_ = 	snop  }
0x90: {  	s2 =	sld [smem:$0x3FD0];
	(tm) =	ssettm $0x1  }
0x91: {  	s18 =	sld [smem:$0x3FFB];
	_ =	sdelay $0x3  }
0x92: {  	_ =	strace s18  }
0x93: {  	s3 =	sld [smem:$0x3FFC];
	_ =	sdelay $0x3  }
0x94: {  	_ =	strace s3  }
0x95: {  	s3 =	sld [smem:$0x3FFD];
	_ =	sdelay $0x3  }
0x96: {  	_ =	strace s3  }
0x97: {  	_ =	strace $0x8FFFFFFF  }
0x98: {  	s19 =	sld [smem:$0x3FDB];
	_ =	sdelay $0x1  }
0x99: {  	s4 =	simm.s32 $_scs_section_size  }
0x9a: {  	s5 =	simm.s32 $_size__tile_overlayer_lowered;
	s6 =	simm.s32 $_tile_overlayer_lowered  }
0x9b: {  	s22 =	simm.s32 $0x1BFF;
	s21 =	sshll.u32 s6, $0x1;
	s3 =	sadd.s32 s4, s19  }
0x9c: {  	s7 =	simm.s32 $0x0;
	s20 =	sshll.u32 s5, $0x1;
	s5 =	sadd.s32 s21, s3  }
0x9d: {  	[timem:s7], [sflag:s22] =	dma.local [hbm:s5], s20  }
0x9e: {  	_ =	swait.ge [sflag:s22], s20  }
0x9f: {  	s4 =	ssub.s32 $0x0, s20;
	[sflag:s22] =	ssyncset.done $0x0  }
0xa0: {  	[sflag:s22] =	ssyncadd.s32 s4;
	_ =	sdelay $0x1  }
0xa1: {  	s23 =	simm.s32 $0x1B8B  }
0xa2: {  	_ =	swait.ge [sflag:s23], $0x1  }
0xa3: {  	[sflag:s23] =	ssyncset.done $0x0  }
0xa4: {  	s25 =	simm.s32 $0x1B8E;
	s24 =	sld [smem:$0x3FFE];
	[sflag:s23] =	ssyncadd.s32 $0xFFFFFFFF  }
0xa5: {  	s26 =	simm.s32 $execute0_lowered;
	[smem:$0x3FD2] =	sst s25  }
0xa6: {  	s5 =	sshll.u32 s26, $0x1;
	_ =	strace $0x80000046;
	[dreg:$0x1] =	wrdreg $0xFFFFFFFF  }
0xa7: {  	s28 =	simm.s32 $_size_execute0_lowered;
	s3 =	sadd.s32 s3, s5;
	[dreg:$0x0] =	wrdreg $0x0  }
0xa8: {  	s5 =	sshll.u32 s28, $0x1;
	[dreg:$0x2] =	wrdreg s3  }
0xa9: {  	[dreg:$0x3] =	wrdreg s5  }
0xaa: {  	[dreg:$0x4] =	wrdreg $0xC0  }
0xab: {  	_ =	task [dreg:s7], $0x5FFFF  }
0xac: {  	[dreg:$0x1] =	wrdreg $0xFFFFFFFF  }
0xad: {  	[dreg:$0x0] =	wrdreg $0x60  }
0xae: {  	[dreg:$0x2] =	wrdreg s24  }
0xaf: {  	[dreg:$0x3] =	wrdreg s2  }
0xb0: {  	[dreg:$0x4] =	wrdreg $0x8800  }
0xb1: {  	[dreg:$0x5] =	wrdreg $0x9  }
0xb2: {  	_ =	task.clear_ibuf [dreg:s7], $0x6FFFF;
	_ =	strace $0x90000046  }
0xb3: {  	s29 =	simm.s32 $0x9;
	_ =	strace $0x80000048  }
0xb4: {  	_ =	swait.ge [sflag:s29], $0x1  }
0xb5: {  	[sflag:s29] =	ssyncadd.s32 $0xFFFFFFFF  }
0xb6: {  	_ =	strace $0x90000048  }
0xb7: {  	_ =	sfence  }
0xb8: {  	s30 =	sld [smem:$0x0];
	_ =	sdelay $0x2  }
0xb9: {  	s31 =	sshll.u32 s1, $0xD;
	s1 =	sshrl.u32 s1, $0x2  }
0xba: {  	s3 =	sand.u32 $0x4000, s31;
	s1 =	sadd.s32 s1, s30  }
0xbb: {  	s0 =	sor.u32 s3, s0;
	s1 =	sshll.u32 s1, $0x11  }
0xbc: {  	s0 =	sor.u32 s1, s0  }
0xbd: {  	s0 =	sadd.s32 $0x8F2B, s0  }
0xbe: {  	[sflag:s0] =	ssyncadd.remote.s32 $0x1  }
0xbf: {  	_ =	sfence.sel $0xFFFF  }
0xc0: {  	[dreg:$0x0] =	wrdreg $0xFFFFFFFF;
	(pc) =	sbr.abs _section_cstart, $3  }
0xc1: {  	[dreg:$0x1] =	wrdreg $0xFFFFFFFF  }
0xc2: {  	_ =	task.clear_ibuf [dreg:s7], $0x2FFFF;
	_ =	strace $0x9FFFFFFF  }
0xc3: {  	(tm) =	ssettm $0x7FFFFFFF  }
tec
execute0_lowered:
.L_overlay_start_1:
0x0: {  	(tag) =	ssettag $0x1  }
0x1: {  	s5 =	rddreg [dreg:$0x0]  }
0x2: {  	s0 =	srdreg.scid;
	s2 =	rddreg [dreg:$0x1]  }
0x3: {  	s3 =	rddreg [dreg:$0x2];
	s6 =	sand.u32 $0x1, s0  }
0x4: {  	s0 =	stileid.u32;
	s7 =	smul.u32 $0x62000, s6  }
0x5: {  	s1 =	rddreg [dreg:$0x3];
	s8 =	smul.u32 $0x6200, s0  }
0x6: {  	s4 =	simm.s32 $0x0;
	s13 =	simm.s32 $0x0;
	s9 =	smul.u32 $0xC400, s0  }
0x7: {  	[smem:$0x7FF] =	sst s4;
	s26 =	smul.u32 $0xC4000, s6;
	s6 =	ssub.s32 $0x2, s6  }
0x8: {  	_ =	strace $0x80000047;
	s31 =	sshll.u32 s0, $0x6;
	s30 =	sshrl.u32 s6, $0x1  }
0x9: {  	s7 =	sadd.s32 s8, s7;
	s28 =	sadd.s32 s9, s26;
	s29 =	sshrl.u32 s9, $0x3  }
0xa: {  	s11 =	ssub.s32 s6, s30;
	s12 =	sadd.s32 s9, s3;
	s7 =	sshrl.u32 s7, $0x3  }
0xb: {  	s9 =	simm.s32 $0x80;
	s10 =	sadd.s32 s7, s5;
	s7 =	sshrl.u32 s28, $0x3  }
0xc: {  	s8 =	sadd.s32 s29, s5;
	s12 =	sshrl.u32 s12, $0x3;
	s7 =	sadd.s32 s7, s5  }
0xd: {  	s5 =	sadd.s32 $0x1F000, s8;
	s8 =	sadd.s32 $0x6800, s10;
	s10 =	simm.s32 $0x1  }
0xe: {  	s6 =	sadd.s32 $0x37800, s7;
	s7 =	smax.u32 s11, $0x1;
	s11 =	sor.u32 $0x1C01, s31  }
.LBB2_1:
0xf: {  	[tilespmem:s9], [sflag:$0x1] =	stream.linear.gather [hbm4b:s2+s4], $0x800, $0x38;
	[tilespmem:$0xCC80] =	vst v63  }
0x10: {  	_ =	swait.ge [sflag:s10], $0x800  }
0x11: {  	[sflag:s10] =	ssyncset.done $0x0  }
0x12: {  	[sflag:s10] =	ssyncadd.s32 $0xFFFFF800  }
0x13: {  	[spmem:s12], [sflag:s11] =	dma.local [hbm:s5], $0x1880  }
0x14: {  	_ =	swait.ge [sflag:s10], $0x1880  }
0x15: {  	[sflag:s10] =	ssyncset.done $0x0  }
0x16: {  	[sflag:s10] =	ssyncadd.s32 $0xFFFFE780  }
0x17: {  	s14 =	sadd.s32 $0x0, s8;
	[bflag:$0x0] =	sbarrier.arrive $0xFFFF  }
0x18: {  	[tilespmem:s4], [sflag:$0x1] =	stream.linear.gather [hbm4b:s14+s4], $0x80, $0x38;
	[tilespmem:$0xCC80] =	vst v63  }
0x19: {  	_ =	swait.ge [sflag:s10], $0x80  }
0x1a: {  	[sflag:s10] =	ssyncset.done $0x0  }
0x1b: {  	[sflag:s10] =	ssyncadd.s32 $0xFFFFFF80  }
0x1c: {  	[spmem:s3] =	stream.indirect.scatter.add.f32 [tilespmem:s9], [sflag:$0x1], $0x10, s4, s9, $0xb8;
	[tilespmem:$0xCC80] =	vst v63  }
0x1d: {  	_ =	swait.ge [sflag:s10], $0x800  }
0x1e: {  	s15 =	simm.s32 $0x20;
	s14 =	simm.s32 $0x10;
	[sflag:s10] =	ssyncset.done $0x0  }
.LBB2_2:
0x1f: {  	s16 =	sadd.s32 s14, s8  }
0x20: {  	[sflag:s10] =	ssyncadd.s32 $0xFFFFF800;
	s14 =	smov.u32 s15;
	s17 =	sadd.s32 $0x10, s15  }
0x21: {  	[tilespmem:s4], [sflag:$0x1] =	stream.linear.gather [hbm4b:s16+s4], $0x80, $0x38;
	[tilespmem:$0xCC80] =	vst v63  }
0x22: {  	p0 =	sne.s32 s15, $0xC30;
	_ =	swait.ge [sflag:s10], $0x80  }
.Ltmp0:
0x23: {  	[sflag:s10] =	ssyncset.done $0x0;
	(pc) =	sbr.rel @p0 .LBB2_2-.Ltmp0, $4  }
0x24: {  	[sflag:s10] =	ssyncadd.s32 $0xFFFFFF80  }
0x25: {  	[spmem:s3] =	stream.indirect.scatter.add.f32 [tilespmem:s9], [sflag:$0x1], $0x10, s4, s9, $0xb8;
	[tilespmem:$0xCC80] =	vst v63  }
0x26: {  	_ =	swait.ge [sflag:s10], $0x800  }
0x27: {  	s15 =	smov.u32 s17;
	[sflag:s10] =	ssyncset.done $0x0  }
0x28: {  	s14 =	sadd.s32 s14, s8;
	[sflag:s10] =	ssyncadd.s32 $0xFFFFF800  }
0x29: {  	[tilespmem:s4], [sflag:$0x1] =	stream.linear.gather [hbm4b:s14+s4], $0x80, $0x38;
	[tilespmem:$0xCC80] =	vst v63  }
0x2a: {  	_ =	swait.ge [sflag:s10], $0x80  }
0x2b: {  	[sflag:s10] =	ssyncset.done $0x0  }
0x2c: {  	[sflag:s10] =	ssyncadd.s32 $0xFFFFFF80  }
0x2d: {  	[spmem:s3] =	stream.indirect.scatter.add.f32 [tilespmem:s9], [sflag:$0x1], $0x10, s4, s9, $0xb8;
	[tilespmem:$0xCC80] =	vst v63  }
0x2e: {  	_ =	swait.ge [sflag:s10], $0x800  }
0x2f: {  	s13 =	sadd.s32 $0x1, s13;
	[sflag:s10] =	ssyncset.done $0x0  }
0x30: {  	p0 =	sne.s32 s13, s7;
	[sflag:s10] =	ssyncadd.s32 $0xFFFFF800  }
.Ltmp1:
0x31: {  	[bflag:$0x0] =	sbarrier.arrive $0xFFFF;
	(pc) =	sbr.rel @p0 .LBB2_1-.Ltmp1, $4  }
0x32: {  	[hbm:s6], [sflag:s11] =	dma.local [spmem:s12], $0x1880  }
0x33: {  	_ =	swait.ge [sflag:s10], $0x1880  }
0x34: {  	[sflag:s10] =	ssyncset.done $0x0  }
0x35: {  	[sflag:s10] =	ssyncadd.s32 $0xFFFFE780  }
0x36: {  	_ =	sfence.sel $0x180000  }
0x37: {  	[bflag:$0x0] =	sbarrier.arrive $0xFFFF  }
0x38: {  	p0 =	sne.s32 s0, $0x0;
	_ =	strace $0x90000047  }
0x39: {  	s0 =	sadd.s32 @!p0 $0x100000, s1;
	[bflag:$0x2] =	sbarrier.arrive $0xFFFF  }
0x3a: {  	[sflag:s0] =	ssyncadd.tile.s32 @!p0 $0x1;
	_ =	shalt  }
.Lfunc_end2:
_tile_overlayer_lowered:
.L_overlay_start_2:
0x3b: {  	(tag) =	ssettag $0x2  }
0x3c: {  	s0 =	rddreg [dreg:$0x0];
	s2 =	stileid.u32  }
0x3d: {  	s1 =	rddreg [dreg:$0x1];
	p0 =	sne.s32 s2, $0x0  }
0x3e: {  	s3 =	rddreg [dreg:$0x2];
	[bflag:$0x3] =	sbarrier.arrive $0xFFFF;
	s2 =	simm.s32 @!p0 $0x1C01  }
0x3f: {  	[timem:s3], [sflag:s2] =	dma.local @!p0 [hbm:s0], s1  }
0x40: {  	s0 =	simm.s32 @!p0 $0x1  }
0x41: {  	_ =	swait.ge @!p0 [sflag:s0], s1  }
0x42: {  	s1 =	ssub.s32 @!p0 $0x0, s1;
	[sflag:s0] =	ssyncset.done @!p0 $0x0  }
0x43: {  	[sflag:s0] =	ssyncadd.s32 @!p0 s1  }
0x44: {  	[bflag:$0x3] =	sbarrier.arrive $0xFFFF  }
0x45: {  	_ =	shalt  }

// kernel: kernel.13.cloned.1.call-start
scs
__scs_entry_jumppad:
0x0: {  	(pc) =	sbr.rel $0x88, $3  }
0x1: {  	(tag) =	ssettag $0x0;
	lr =	simm.s32 $0x1  }
0x2: {  	[smem:$0x3F89] =	sst lr;
	_ =	strace $0xD0000000  }
0x3: {  	_ = 	snop  }
0x4: {  	_ = 	snop  }
0x5: {  	_ = 	snop  }
0x6: {  	_ = 	snop  }
0x7: {  	_ = 	snop  }
__scs_overlays_trampoline_lowered:
0x8: {  	[smem:$0x3F98] =	sst s0  }
0x9: {  	[smem:$0x3F99] =	sst s1  }
0xa: {  	[smem:$0x3F9A] =	sst s2  }
0xb: {  	[smem:$0x3F9B] =	sst s3  }
0xc: {  	[smem:$0x3F9C] =	sst s4  }
0xd: {  	[smem:$0x3F9D] =	sst s5  }
0xe: {  	[smem:$0x3F9E] =	sst s6  }
0xf: {  	[smem:$0x3F9F] =	sst s7  }
0x10: {  	[smem:$0x3FA0] =	sst s8  }
0x11: {  	[smem:$0x3FA1] =	sst s9;
	s0 =	simm.s32 @!p0 $0x0  }
0x12: {  	s1 =	sld [smem:$0x3F87];
	s0 =	simm.s32 @p0 $0x1  }
0x13: {  	[smem:$0x3FA2] =	sst s0;
	s0 =	simm.s32 @!p1 $0x0  }
0x14: {  	s2 =	sld [smem:$0x3F86];
	s0 =	simm.s32 @p1 $0x1  }
0x15: {  	[smem:$0x3FA3] =	sst s0;
	s0 =	simm.s32 @!p2 $0x0  }
0x16: {  	s3 =	sld [smem:$0x3FDB];
	s0 =	simm.s32 @p2 $0x1  }
0x17: {  	s4 =	simm.s32 $0x1BF5;
	[smem:$0x3FA5] =	sst s0  }
0x18: {  	s0 =	sld [smem:$0x3F88];
	_ =	swait.ge [sflag:s4], $0x0  }
0x19: {  	s7 =	sld [smem:$0x3F89]  }
0x1a: {  	s8 =	sadd.s32 $0xFFFFE003, lr  }
0x1b: {  	s9 =	sadd.s32 $0xFFFFFEF7, lr;
	s5 =	simm.s32 $0xFFFFFFFF;
	p2 =	slt.u32 s8, $0xFFFFF086  }
0x1c: {  	p1 =	slt.u32 s9, $0xF7A;
	s5 =	simm.s32 @!p2 $0x0  }
0x1d: {  	s5 =	simm.s32 @p1 $0x1;
	p0 =	seq.s32 s7, s2  }
0x1e: {  	s7 =	smul.u32 @!p0 $0xF7A, s2;
	p2 =	seq.s32 @!p0 s5, $0x0  }
0x1f: {  	s9 =	smul.u32 $0xF7A, s1;
	s8 =	simm.s32 @!p0 $0x1BF5;
	p2 =	por !p2, p0  }
0x20: {  	[sflag:s8] =	ssyncset.s32 @!p0 $0xFFFFF086;
	s6 =	sadd.s32 @!p0 s3, s7;
	s7 =	simm.s32 @!p0 $0x108  }
0x21: {  	s3 =	sadd.s32 s3, s9;
	s6 =	sadd.s32 @!p0 $0x88, s6;
	s7 =	simm.s32 @p2 $0x1082  }
0x22: {  	[simem:s7], [sflag:s8] =	dma.local @!p0 [hbm:s6], $0xF7A  }
0x23: {  	s9 =	sor.u32 $0xD0000000, s2;
	s6 =	simm.s32 $0x108;
	_ =	swait.ge @!p0 [sflag:s8], $0x0  }
0x24: {  	s3 =	sadd.s32 $0x88, s3;
	s6 =	simm.s32 @!p1 $0x1082;
	[sflag:s4] =	ssyncset.s32 $0xFFFFF086  }
0x25: {  	[simem:s6], [sflag:s4] =	dma.local [hbm:s3], $0xF7A  }
0x26: {  	[smem:$0x3F89] =	sst s1;
	(tag) =	ssettag s2;
	_ =	strace s9  }
0x27: {  	s1 =	sld [smem:$0x3F99]  }
0x28: {  	s2 =	sld [smem:$0x3F9A]  }
0x29: {  	s4 =	sld [smem:$0x3F9C]  }
0x2a: {  	p0 =	seq.s32 s5, $0x0;
	s5 =	sld [smem:$0x3F9D]  }
0x2b: {  	s6 =	sld [smem:$0x3F9E]  }
0x2c: {  	s7 =	sld [smem:$0x3F9F]  }
0x2d: {  	s3 =	simm.s32 $0x108;
	s8 =	sld [smem:$0x3FA0]  }
0x2e: {  	s3 =	simm.s32 @!p0 $0x1082;
	s9 =	sld [smem:$0x3FA1]  }
0x2f: {  	lr =	sadd.s32 s0, s3;
	s0 =	sld [smem:$0x3F98]  }
0x30: {  	s3 =	sld [smem:$0x3F9B]  }
0x31: {  	[smem:$0x3FA4] =	sst s10  }
0x32: {  	s10 =	sld [smem:$0x3FA2];
	_ =	sdelay $0x3  }
0x33: {  	p0 =	seq.s32 s10, $0x1;
	s10 =	sld [smem:$0x3FA4];
	_ =	sdelay $0x3  }
0x34: {  	[smem:$0x3FA4] =	sst s10  }
0x35: {  	s10 =	sld [smem:$0x3FA3];
	_ =	sdelay $0x3  }
0x36: {  	p1 =	seq.s32 s10, $0x1;
	s10 =	sld [smem:$0x3FA4];
	_ =	sdelay $0x3  }
0x37: {  	[smem:$0x3FA4] =	sst s10  }
0x38: {  	s10 =	sld [smem:$0x3FA5]  }
0x39: {  	_ = 	snop;
	(pc) =	sbr.ind lr, $3  }
0x3a: {  	_ = 	snop  }
0x3b: {  	_ = 	snop  }
0x3c: {  	p2 =	seq.s32 s10, $0x1;
	s10 =	sld [smem:$0x3FA4]  }
0x3d: {  	_ =	shalt  }
0x3e: {  	_ =	shalt  }
0x3f: {  	_ =	shalt  }
0x40: {  	_ =	shalt  }
0x41: {  	_ =	shalt  }
0x42: {  	_ =	shalt  }
0x43: {  	_ =	shalt  }
0x44: {  	_ =	shalt  }
0x45: {  	_ =	shalt  }
0x46: {  	_ =	shalt  }
0x47: {  	_ =	shalt  }
0x48: {  	_ =	shalt  }
0x49: {  	_ =	shalt  }
0x4a: {  	_ =	shalt  }
0x4b: {  	_ =	shalt  }
0x4c: {  	_ =	shalt  }
0x4d: {  	_ =	shalt  }
0x4e: {  	_ =	shalt  }
0x4f: {  	_ =	shalt  }
0x50: {  	_ =	shalt  }
0x51: {  	_ =	shalt  }
0x52: {  	_ =	shalt  }
0x53: {  	_ =	shalt  }
0x54: {  	_ =	shalt  }
0x55: {  	_ =	shalt  }
0x56: {  	_ =	shalt  }
0x57: {  	_ =	shalt  }
0x58: {  	_ =	shalt  }
0x59: {  	_ =	shalt  }
0x5a: {  	_ =	shalt  }
0x5b: {  	_ =	shalt  }
0x5c: {  	_ =	shalt  }
0x5d: {  	_ =	shalt  }
0x5e: {  	_ =	shalt  }
0x5f: {  	_ =	shalt  }
0x60: {  	_ =	shalt  }
0x61: {  	_ =	shalt  }
0x62: {  	_ =	shalt  }
0x63: {  	_ =	shalt  }
0x64: {  	_ =	shalt  }
0x65: {  	_ =	shalt  }
0x66: {  	_ =	shalt  }
0x67: {  	_ =	shalt  }
0x68: {  	_ =	shalt  }
0x69: {  	_ =	shalt  }
0x6a: {  	_ =	shalt  }
0x6b: {  	_ =	shalt  }
0x6c: {  	_ =	shalt  }
0x6d: {  	_ =	shalt  }
0x6e: {  	_ =	shalt  }
0x6f: {  	_ =	shalt  }
0x70: {  	_ =	shalt  }
0x71: {  	_ =	shalt  }
0x72: {  	_ =	shalt  }
0x73: {  	_ =	shalt  }
0x74: {  	_ =	shalt  }
0x75: {  	_ =	shalt  }
0x76: {  	_ =	shalt  }
0x77: {  	_ =	shalt  }
0x78: {  	_ =	shalt  }
0x79: {  	_ =	shalt  }
0x7a: {  	_ =	shalt  }
0x7b: {  	_ =	shalt  }
0x7c: {  	_ =	shalt  }
0x7d: {  	_ =	shalt  }
0x7e: {  	_ =	shalt  }
0x7f: {  	_ =	shalt  }
0x80: {  	_ =	shalt  }
0x81: {  	_ =	shalt  }
0x82: {  	_ =	shalt  }
0x83: {  	_ =	shalt  }
0x84: {  	_ =	shalt  }
0x85: {  	_ =	shalt  }
0x86: {  	_ =	shalt  }
0x87: {  	_ =	shalt  }
.Lfunc_end0:
.L_simem_size_0:
called_computation.1_lowered:
.L_overlay_start_0:
0x88: {  	s2 =	sld [smem:$0x3FD9]  }
0x89: {  	s3 =	sld [smem:$0x3FFE];
	_ =	sdelay $0x1  }
0x8a: {  	s1 =	srdreg.scid  }
0x8b: {  	s0 =	sand.u32 $0x1, s1  }
0x8c: {  	s16 =	sshll.u32 s0, $0xA;
	s2 =	sadd.s32 s3, s2  }
0x8d: {  	s2 =	sadd.s32 s2, s16  }
0x8e: {  	[smem:$0x3FB0] =	sst s2  }
0x8f: {  	_ = 	snop  }
0x90: {  	(tm) =	ssettm $0x1  }
0x91: {  	s17 =	sld [smem:$0x3FFB];
	_ =	sdelay $0x3  }
0x92: {  	_ =	strace s17  }
0x93: {  	s2 =	sld [smem:$0x3FFC];
	_ =	sdelay $0x3  }
0x94: {  	_ =	strace s2  }
0x95: {  	s2 =	sld [smem:$0x3FFD];
	_ =	sdelay $0x3  }
0x96: {  	_ =	strace s2  }
0x97: {  	_ =	strace $0x8FFFFFFF  }
0x98: {  	s18 =	sld [smem:$0x3FDB];
	_ =	sdelay $0x1  }
0x99: {  	s19 =	simm.s32 $_scs_section_size  }
0x9a: {  	s4 =	simm.s32 $_size__tile_overlayer_lowered;
	s5 =	simm.s32 $_tile_overlayer_lowered  }
0x9b: {  	s22 =	simm.s32 $0x1BFF;
	s21 =	sshll.u32 s5, $0x1;
	s2 =	sadd.s32 s19, s18  }
0x9c: {  	s6 =	simm.s32 $0x0;
	s20 =	sshll.u32 s4, $0x1;
	s4 =	sadd.s32 s21, s2  }
0x9d: {  	[timem:s6], [sflag:s22] =	dma.local [hbm:s4], s20  }
0x9e: {  	_ =	swait.ge [sflag:s22], s20  }
0x9f: {  	s3 =	ssub.s32 $0x0, s20;
	[sflag:s22] =	ssyncset.done $0x0  }
0xa0: {  	[sflag:s22] =	ssyncadd.s32 s3;
	_ =	sdelay $0x1  }
0xa1: {  	s23 =	simm.s32 $0x1B8B  }
0xa2: {  	_ =	swait.ge [sflag:s23], $0x1  }
0xa3: {  	[sflag:s23] =	ssyncset.done $0x0  }
0xa4: {  	s25 =	simm.s32 $0x1B8E;
	s24 =	sld [smem:$0x3FFE];
	[sflag:s23] =	ssyncadd.s32 $0xFFFFFFFF  }
0xa5: {  	s26 =	simm.s32 $execute0_lowered;
	[smem:$0x3FD2] =	sst s25  }
0xa6: {  	s4 =	sshll.u32 s26, $0x1;
	_ =	strace $0x80000049;
	[dreg:$0x1] =	wrdreg $0xFFFFFFFF  }
0xa7: {  	s28 =	simm.s32 $_size_execute0_lowered;
	s2 =	sadd.s32 s2, s4;
	[dreg:$0x0] =	wrdreg $0x0  }
0xa8: {  	s4 =	sshll.u32 s28, $0x1;
	[dreg:$0x2] =	wrdreg s2  }
0xa9: {  	[dreg:$0x3] =	wrdreg s4  }
0xaa: {  	[dreg:$0x4] =	wrdreg $0xC0  }
0xab: {  	_ =	task [dreg:s6], $0x5FFFF  }
0xac: {  	[dreg:$0x1] =	wrdreg $0xFFFFFFFF  }
0xad: {  	[dreg:$0x0] =	wrdreg $0x60  }
0xae: {  	[dreg:$0x2] =	wrdreg s24  }
0xaf: {  	[dreg:$0x3] =	wrdreg $0x12000  }
0xb0: {  	[dreg:$0x4] =	wrdreg $0x9  }
0xb1: {  	_ =	task.clear_ibuf [dreg:s6], $0x5FFFF;
	_ =	strace $0x90000049  }
0xb2: {  	s29 =	simm.s32 $0x9;
	_ =	strace $0x8000004B  }
0xb3: {  	_ =	swait.ge [sflag:s29], $0x1  }
0xb4: {  	[sflag:s29] =	ssyncadd.s32 $0xFFFFFFFF  }
0xb5: {  	_ =	strace $0x9000004B  }
0xb6: {  	_ =	sfence  }
0xb7: {  	s30 =	sld [smem:$0x0];
	_ =	sdelay $0x2  }
0xb8: {  	s31 =	sshll.u32 s1, $0xD;
	s1 =	sshrl.u32 s1, $0x2  }
0xb9: {  	s3 =	sand.u32 $0x4000, s31;
	s1 =	sadd.s32 s1, s30  }
0xba: {  	s0 =	sor.u32 s3, s0;
	s1 =	sshll.u32 s1, $0x11  }
0xbb: {  	s0 =	sor.u32 s1, s0  }
0xbc: {  	s0 =	sadd.s32 $0x8F2B, s0  }
0xbd: {  	[sflag:s0] =	ssyncadd.remote.s32 $0x1  }
0xbe: {  	_ =	sfence.sel $0xFFFF  }
0xbf: {  	[dreg:$0x0] =	wrdreg $0xFFFFFFFF;
	(pc) =	sbr.abs _section_cstart, $3  }
0xc0: {  	[dreg:$0x1] =	wrdreg $0xFFFFFFFF  }
0xc1: {  	_ =	task.clear_ibuf [dreg:s6], $0x2FFFF;
	_ =	strace $0x9FFFFFFF  }
0xc2: {  	(tm) =	ssettm $0x7FFFFFFF  }
0xc3: {  	_ =	shalt  }
tec
execute0_lowered:
.L_overlay_start_1:
0x0: {  	(tag) =	ssettag $0x1  }
0x1: {  	s5 =	rddreg [dreg:$0x0]  }
0x2: {  	s2 =	rddreg [dreg:$0x1];
	s3 =	simm.s32 $0x0  }
0x3: {  	s1 =	stileid.u32;
	s4 =	srdreg.scid;
	s20 =	simm.s32 $0x200  }
0x4: {  	s21 =	simm.s32 $0x100;
	s22 =	simm.s32 $0x180;
	s23 =	simm.s32 $0xA00  }
0x5: {  	s24 =	simm.s32 $0x1;
	s25 =	simm.s32 $0x2;
	s26 =	simm.s32 $0x0  }
0x6: {  	[smem:$0x7FF] =	sst s3;
	s6 =	smul.u32 $0xC400, s1;
	s7 =	sand.u32 $0x1, s4  }
0x7: {  	s16 =	sadd.s32 $0x12BE00, s5;
	s15 =	sadd.s32 $0x6800, s5;
	s11 =	smul.u32 $0x6200, s1  }
0x8: {  	s4 =	sadd.s32 $0x37800, s5;
	s29 =	sshll.u32 s1, $0x6;
	s8 =	smul.u32 $0xC4000, s7  }
0x9: {  	_ =	strace $0x8000004A;
	s10 =	smul.u32 $0x62000, s7;
	s7 =	ssub.s32 $0x2, s7  }
0xa: {  	s9 =	sshrl.u32 s6, $0x3;
	s12 =	sshrl.u32 s7, $0x1;
	s17 =	sadd.s32 s6, s2  }
0xb: {  	s8 =	sadd.s32 s6, s8;
	s9 =	sadd.s32 s9, s5;
	s12 =	ssub.s32 s7, s12  }
0xc: {  	s14 =	sadd.s32 s11, s10;
	s6 =	sor.u32 $0x1C03, s29;
	s17 =	sshrl.u32 s17, $0x3  }
0xd: {  	s8 =	sshrl.u32 s8, $0x3;
	s10 =	sshrl.u32 s14, $0x3;
	s18 =	sor.u32 $0x100, s14  }
0xe: {  	s19 =	sor.u32 $0x80, s14;
	s13 =	sadd.s32 s8, s5;
	s5 =	sadd.s32 $0x1F000, s9  }
0xf: {  	s7 =	sadd.s32 s16, s10;
	s8 =	sadd.s32 s15, s10;
	s30 =	sadd.s32 $0xC30, s10  }
0x10: {  	s10 =	smax.u32 s12, $0x1;
	s18 =	sshrl.u32 s18, $0x3;
	s31 =	sshrl.u32 s19, $0x3  }
0x11: {  	s19 =	simm.s32 $0x80;
	s9 =	sadd.s32 $0x50000, s13;
	s11 =	sadd.s32 s16, s30  }
0x12: {  	s12 =	sadd.s32 s15, s30;
	s13 =	sadd.s32 s18, s15;
	s14 =	sadd.s32 s18, s16  }
0x13: {  	s15 =	sadd.s32 s31, s15;
	s16 =	sadd.s32 s31, s16;
	s18 =	simm.s32 $0x3  }
.LBB2_1:
0x14: {  	[spmem:s17], [sflag:s6] =	dma.local [hbm:s5], $0x1880  }
0x15: {  	_ =	swait.ge [sflag:s18], $0x1880  }
0x16: {  	[sflag:s18] =	ssyncset.done $0x0  }
0x17: {  	[sflag:s18] =	ssyncadd.s32 $0xFFFFE780  }
0x18: {  	[bflag:$0x0] =	sbarrier.arrive $0xFFFF  }
0x19: {  	[tilespmem:s3], [sflag:$0x3] =	stream.linear.gather [hbm4b:s7+s3], $0x80, $0x38;
	[tilespmem:$0xD600] =	vst v63  }
0x1a: {  	_ =	swait.ge [sflag:s18], $0x80  }
0x1b: {  	[sflag:s18] =	ssyncset.done $0x0  }
0x1c: {  	[sflag:s18] =	ssyncadd.s32 $0xFFFFFF80  }
0x1d: {  	[tilespmem:s19], [sflag:$0x3] =	stream.linear.gather [hbm4b:s8+s3], $0x80, $0x38;
	[tilespmem:$0xD600] =	vst v63  }
0x1e: {  	_ =	swait.ge [sflag:s18], $0x80  }
0x1f: {  	[sflag:s18] =	ssyncset.done $0x0  }
0x20: {  	[sflag:s18] =	ssyncadd.s32 $0xFFFFFF80  }
0x21: {  	[tilespmem:s20], [sflag:$0x1] =	stream.indirect.gather [hbm4b:s4+s19], $0x10, s3, s19, $0xb8;
	[tilespmem:$0xD600] =	vst v63  }
0x22: {  	s28 =	sadd.s32 $0x0, s16  }
0x23: {  	[tilespmem:s21], [sflag:$0x3] =	stream.linear.gather [hbm4b:s28+s3], $0x80, $0x38;
	[tilespmem:$0xD600] =	vst v63  }
0x24: {  	_ =	swait.ge [sflag:s18], $0x80  }
0x25: {  	[sflag:s18] =	ssyncset.done $0x0  }
0x26: {  	s28 =	sadd.s32 $0x0, s15;
	[sflag:s18] =	ssyncadd.s32 $0xFFFFFF80  }
0x27: {  	[tilespmem:s22], [sflag:$0x3] =	stream.linear.gather [hbm4b:s28+s3], $0x80, $0x38;
	[tilespmem:$0xD600] =	vst v63  }
0x28: {  	_ =	swait.ge [sflag:s18], $0x80  }
0x29: {  	[sflag:s18] =	ssyncset.done $0x0  }
0x2a: {  	[sflag:s18] =	ssyncadd.s32 $0xFFFFFF80  }
0x2b: {  	[tilespmem:s23], [sflag:$0x2] =	stream.indirect.gather [hbm4b:s4+s19], $0x10, s21, s19, $0xb8;
	[tilespmem:$0xD600] =	vst v63  }
0x2c: {  	_ =	swait.ge [sflag:s24], $0x800  }
0x2d: {  	[sflag:s24] =	ssyncset.done $0x0  }
0x2e: {  	[sflag:s24] =	ssyncadd.s32 $0xFFFFF800  }
0x2f: {  	[spmem:s2] =	stream.indirect.scatter.add.f32 [tilespmem:s20], [sflag:$0x3], $0x10, s19, s19, $0xb8;
	[tilespmem:$0xD600] =	vst v63  }
0x30: {  	_ =	swait.ge [sflag:s18], $0x800  }
0x31: {  	[sflag:s18] =	ssyncset.done $0x0  }
0x32: {  	s28 =	sadd.s32 $0x0, s14;
	[sflag:s18] =	ssyncadd.s32 $0xFFFFF800  }
0x33: {  	[tilespmem:s3], [sflag:$0x3] =	stream.linear.gather [hbm4b:s28+s3], $0x80, $0x38;
	[tilespmem:$0xD600] =	vst v63  }
0x34: {  	_ =	swait.ge [sflag:s18], $0x80  }
0x35: {  	[sflag:s18] =	ssyncset.done $0x0  }
0x36: {  	s28 =	sadd.s32 $0x0, s13;
	[sflag:s18] =	ssyncadd.s32 $0xFFFFFF80  }
0x37: {  	[tilespmem:s19], [sflag:$0x3] =	stream.linear.gather [hbm4b:s28+s3], $0x80, $0x38;
	[tilespmem:$0xD600] =	vst v63  }
0x38: {  	_ =	swait.ge [sflag:s18], $0x80  }
0x39: {  	[sflag:s18] =	ssyncset.done $0x0  }
0x3a: {  	[sflag:s18] =	ssyncadd.s32 $0xFFFFFF80  }
0x3b: {  	[tilespmem:s20], [sflag:$0x1] =	stream.indirect.gather [hbm4b:s4+s19], $0x10, s3, s19, $0xb8;
	[tilespmem:$0xD600] =	vst v63  }
0x3c: {  	_ =	swait.ge [sflag:s25], $0x800  }
0x3d: {  	[sflag:s25] =	ssyncset.done $0x0  }
0x3e: {  	[sflag:s25] =	ssyncadd.s32 $0xFFFFF800  }
0x3f: {  	[spmem:s2] =	stream.indirect.scatter.add.f32 [tilespmem:s23], [sflag:$0x3], $0x10, s22, s19, $0xb8;
	[tilespmem:$0xD600] =	vst v63  }
0x40: {  	_ =	swait.ge [sflag:s18], $0x800  }
0x41: {  	s30 =	simm.s32 $0x40;
	s28 =	simm.s32 $0x20;
	[sflag:s18] =	ssyncset.done $0x0  }
.LBB2_2:
0x42: {  	s31 =	sadd.s32 s28, s16  }
0x43: {  	[sflag:s18] =	ssyncadd.s32 $0xFFFFF800;
	s0 =	smov.u32 s30;
	s29 =	sadd.s32 $0x20, s30  }
0x44: {  	[tilespmem:s21], [sflag:$0x3] =	stream.linear.gather [hbm4b:s31+s3], $0x80, $0x38;
	[tilespmem:$0xD600] =	vst v63  }
0x45: {  	p0 =	sne.s32 s30, $0xC00;
	_ =	swait.ge [sflag:s18], $0x80  }
0x46: {  	[sflag:s18] =	ssyncset.done $0x0  }
0x47: {  	s30 =	sadd.s32 s28, s15;
	[sflag:s18] =	ssyncadd.s32 $0xFFFFFF80  }
0x48: {  	[tilespmem:s22], [sflag:$0x3] =	stream.linear.gather [hbm4b:s30+s3], $0x80, $0x38;
	[tilespmem:$0xD600] =	vst v63  }
0x49: {  	_ =	swait.ge [sflag:s18], $0x80  }
0x4a: {  	[sflag:s18] =	ssyncset.done $0x0  }
0x4b: {  	[sflag:s18] =	ssyncadd.s32 $0xFFFFFF80  }
0x4c: {  	[tilespmem:s23], [sflag:$0x2] =	stream.indirect.gather [hbm4b:s4+s19], $0x10, s21, s19, $0xb8;
	[tilespmem:$0xD600] =	vst v63  }
0x4d: {  	_ =	swait.ge [sflag:s24], $0x800  }
0x4e: {  	[sflag:s24] =	ssyncset.done $0x0  }
0x4f: {  	[sflag:s24] =	ssyncadd.s32 $0xFFFFF800  }
0x50: {  	[spmem:s2] =	stream.indirect.scatter.add.f32 [tilespmem:s20], [sflag:$0x3], $0x10, s19, s19, $0xb8;
	[tilespmem:$0xD600] =	vst v63  }
0x51: {  	_ =	swait.ge [sflag:s18], $0x800  }
0x52: {  	[sflag:s18] =	ssyncset.done $0x0  }
0x53: {  	s30 =	sadd.s32 s28, s14;
	[sflag:s18] =	ssyncadd.s32 $0xFFFFF800  }
0x54: {  	[tilespmem:s3], [sflag:$0x3] =	stream.linear.gather [hbm4b:s30+s3], $0x80, $0x38;
	[tilespmem:$0xD600] =	vst v63  }
0x55: {  	_ =	swait.ge [sflag:s18], $0x80  }
0x56: {  	[sflag:s18] =	ssyncset.done $0x0  }
0x57: {  	s30 =	sadd.s32 s28, s13;
	s28 =	smov.u32 s0;
	[sflag:s18] =	ssyncadd.s32 $0xFFFFFF80  }
0x58: {  	[tilespmem:s19], [sflag:$0x3] =	stream.linear.gather [hbm4b:s30+s3], $0x80, $0x38;
	[tilespmem:$0xD600] =	vst v63  }
0x59: {  	_ =	swait.ge [sflag:s18], $0x80  }
0x5a: {  	[sflag:s18] =	ssyncset.done $0x0  }
0x5b: {  	[sflag:s18] =	ssyncadd.s32 $0xFFFFFF80  }
0x5c: {  	[tilespmem:s20], [sflag:$0x1] =	stream.indirect.gather [hbm4b:s4+s19], $0x10, s3, s19, $0xb8;
	[tilespmem:$0xD600] =	vst v63  }
0x5d: {  	_ =	swait.ge [sflag:s25], $0x800  }
.Ltmp0:
0x5e: {  	[sflag:s25] =	ssyncset.done $0x0;
	(pc) =	sbr.rel @p0 .LBB2_2-.Ltmp0, $4  }
0x5f: {  	[sflag:s25] =	ssyncadd.s32 $0xFFFFF800  }
0x60: {  	[spmem:s2] =	stream.indirect.scatter.add.f32 [tilespmem:s23], [sflag:$0x3], $0x10, s22, s19, $0xb8;
	[tilespmem:$0xD600] =	vst v63  }
0x61: {  	_ =	swait.ge [sflag:s18], $0x800  }
0x62: {  	s30 =	smov.u32 s29;
	[sflag:s18] =	ssyncset.done $0x0  }
0x63: {  	s0 =	sadd.s32 s28, s16;
	[sflag:s18] =	ssyncadd.s32 $0xFFFFF800  }
0x64: {  	[tilespmem:s21], [sflag:$0x3] =	stream.linear.gather [hbm4b:s0+s3], $0x80, $0x38;
	[tilespmem:$0xD600] =	vst v63  }
0x65: {  	_ =	swait.ge [sflag:s18], $0x80  }
0x66: {  	[sflag:s18] =	ssyncset.done $0x0  }
0x67: {  	s29 =	sadd.s32 s28, s15;
	[sflag:s18] =	ssyncadd.s32 $0xFFFFFF80  }
0x68: {  	[tilespmem:s22], [sflag:$0x3] =	stream.linear.gather [hbm4b:s29+s3], $0x80, $0x38;
	[tilespmem:$0xD600] =	vst v63  }
0x69: {  	_ =	swait.ge [sflag:s18], $0x80  }
0x6a: {  	[sflag:s18] =	ssyncset.done $0x0  }
0x6b: {  	[sflag:s18] =	ssyncadd.s32 $0xFFFFFF80  }
0x6c: {  	[tilespmem:s23], [sflag:$0x2] =	stream.indirect.gather [hbm4b:s4+s19], $0x10, s21, s19, $0xb8;
	[tilespmem:$0xD600] =	vst v63  }
0x6d: {  	_ =	swait.ge [sflag:s24], $0x800  }
0x6e: {  	[sflag:s24] =	ssyncset.done $0x0  }
0x6f: {  	[sflag:s24] =	ssyncadd.s32 $0xFFFFF800  }
0x70: {  	[spmem:s2] =	stream.indirect.scatter.add.f32 [tilespmem:s20], [sflag:$0x3], $0x10, s19, s19, $0xb8;
	[tilespmem:$0xD600] =	vst v63  }
0x71: {  	_ =	swait.ge [sflag:s18], $0x800  }
0x72: {  	[sflag:s18] =	ssyncset.done $0x0  }
0x73: {  	s30 =	sadd.s32 s28, s14;
	[sflag:s18] =	ssyncadd.s32 $0xFFFFF800  }
0x74: {  	[tilespmem:s3], [sflag:$0x3] =	stream.linear.gather [hbm4b:s30+s3], $0x80, $0x38;
	[tilespmem:$0xD600] =	vst v63  }
0x75: {  	_ =	swait.ge [sflag:s18], $0x80  }
0x76: {  	[sflag:s18] =	ssyncset.done $0x0  }
0x77: {  	s31 =	sadd.s32 s28, s13;
	[sflag:s18] =	ssyncadd.s32 $0xFFFFFF80  }
0x78: {  	[tilespmem:s19], [sflag:$0x3] =	stream.linear.gather [hbm4b:s31+s3], $0x80, $0x38;
	[tilespmem:$0xD600] =	vst v63  }
0x79: {  	_ =	swait.ge [sflag:s18], $0x80  }
0x7a: {  	[sflag:s18] =	ssyncset.done $0x0  }
0x7b: {  	[sflag:s18] =	ssyncadd.s32 $0xFFFFFF80  }
0x7c: {  	[tilespmem:s20], [sflag:$0x1] =	stream.indirect.gather [hbm4b:s4+s19], $0x10, s3, s19, $0xb8;
	[tilespmem:$0xD600] =	vst v63  }
0x7d: {  	_ =	swait.ge [sflag:s25], $0x800  }
0x7e: {  	[sflag:s25] =	ssyncset.done $0x0  }
0x7f: {  	[sflag:s25] =	ssyncadd.s32 $0xFFFFF800  }
0x80: {  	[spmem:s2] =	stream.indirect.scatter.add.f32 [tilespmem:s23], [sflag:$0x3], $0x10, s22, s19, $0xb8;
	[tilespmem:$0xD600] =	vst v63  }
0x81: {  	_ =	swait.ge [sflag:s18], $0x800  }
0x82: {  	[sflag:s18] =	ssyncset.done $0x0  }
0x83: {  	[sflag:s18] =	ssyncadd.s32 $0xFFFFF800  }
0x84: {  	[tilespmem:s21], [sflag:$0x3] =	stream.linear.gather [hbm4b:s11+s3], $0x80, $0x38;
	[tilespmem:$0xD600] =	vst v63  }
0x85: {  	_ =	swait.ge [sflag:s18], $0x80  }
0x86: {  	[sflag:s18] =	ssyncset.done $0x0  }
0x87: {  	[sflag:s18] =	ssyncadd.s32 $0xFFFFFF80  }
0x88: {  	[tilespmem:s22], [sflag:$0x3] =	stream.linear.gather [hbm4b:s12+s3], $0x80, $0x38;
	[tilespmem:$0xD600] =	vst v63  }
0x89: {  	_ =	swait.ge [sflag:s18], $0x80  }
0x8a: {  	[sflag:s18] =	ssyncset.done $0x0  }
0x8b: {  	[sflag:s18] =	ssyncadd.s32 $0xFFFFFF80  }
0x8c: {  	[tilespmem:s23], [sflag:$0x2] =	stream.indirect.gather [hbm4b:s4+s19], $0x10, s21, s19, $0xb8;
	[tilespmem:$0xD600] =	vst v63  }
0x8d: {  	_ =	swait.ge [sflag:s24], $0x800  }
0x8e: {  	[sflag:s24] =	ssyncset.done $0x0  }
0x8f: {  	[sflag:s24] =	ssyncadd.s32 $0xFFFFF800  }
0x90: {  	[spmem:s2] =	stream.indirect.scatter.add.f32 [tilespmem:s20], [sflag:$0x3], $0x10, s19, s19, $0xb8;
	[tilespmem:$0xD600] =	vst v63  }
0x91: {  	_ =	swait.ge [sflag:s18], $0x800  }
0x92: {  	[sflag:s18] =	ssyncset.done $0x0  }
0x93: {  	[sflag:s18] =	ssyncadd.s32 $0xFFFFF800  }
0x94: {  	_ =	swait.ge [sflag:s25], $0x800  }
0x95: {  	[sflag:s25] =	ssyncset.done $0x0  }
0x96: {  	[sflag:s25] =	ssyncadd.s32 $0xFFFFF800  }
0x97: {  	[spmem:s2] =	stream.indirect.scatter.add.f32 [tilespmem:s23], [sflag:$0x3], $0x10, s22, s19, $0xb8;
	[tilespmem:$0xD600] =	vst v63  }
0x98: {  	_ =	swait.ge [sflag:s18], $0x800  }
0x99: {  	s26 =	sadd.s32 $0x1, s26;
	[sflag:s18] =	ssyncset.done $0x0  }
0x9a: {  	p0 =	sne.s32 s26, s10;
	[sflag:s18] =	ssyncadd.s32 $0xFFFFF800  }
.Ltmp1:
0x9b: {  	[bflag:$0x0] =	sbarrier.arrive $0xFFFF;
	(pc) =	sbr.rel @p0 .LBB2_1-.Ltmp1, $4  }
0x9c: {  	[hbm:s9], [sflag:s6] =	dma.local [spmem:s17], $0x1880  }
0x9d: {  	_ =	swait.ge [sflag:s18], $0x1880  }
0x9e: {  	[sflag:s18] =	ssyncset.done $0x0  }
0x9f: {  	[sflag:s18] =	ssyncadd.s32 $0xFFFFE780  }
0xa0: {  	_ =	sfence.sel $0x180000  }
0xa1: {  	[bflag:$0x0] =	sbarrier.arrive $0xFFFF  }
0xa2: {  	_ =	strace $0x9000004A  }
0xa3: {  	[bflag:$0x2] =	sbarrier.arrive $0xFFFF  }
0xa4: {  	p0 =	sne.s32 s1, $0x0;
	s0 =	rddreg [dreg:$0x2]  }
0xa5: {  	s0 =	sadd.s32 @!p0 $0x100000, s0  }
0xa6: {  	[sflag:s0] =	ssyncadd.tile.s32 @!p0 $0x1;
	_ =	shalt  }
.Lfunc_end2:
_tile_overlayer_lowered:
.L_overlay_start_2:
0xa7: {  	(tag) =	ssettag $0x2  }
0xa8: {  	s0 =	rddreg [dreg:$0x0];
	s2 =	stileid.u32  }
0xa9: {  	s1 =	rddreg [dreg:$0x1];
	p0 =	sne.s32 s2, $0x0  }
0xaa: {  	s3 =	rddreg [dreg:$0x2];
	[bflag:$0x3] =	sbarrier.arrive $0xFFFF;
	s2 =	simm.s32 @!p0 $0x1C03  }
0xab: {  	[timem:s3], [sflag:s2] =	dma.local @!p0 [hbm:s0], s1  }
0xac: {  	s0 =	simm.s32 @!p0 $0x3  }
0xad: {  	_ =	swait.ge @!p0 [sflag:s0], s1  }
0xae: {  	s1 =	ssub.s32 @!p0 $0x0, s1;
	[sflag:s0] =	ssyncset.done @!p0 $0x0  }
0xaf: {  	[sflag:s0] =	ssyncadd.s32 @!p0 s1  }
0xb0: {  	[bflag:$0x3] =	sbarrier.arrive $0xFFFF  }
0xb1: {  	_ =	shalt  }

// kernel: kernel.16.cloned.1.call-start
scs
__scs_entry_jumppad:
0x0: {  	(pc) =	sbr.rel $0x88, $3  }
0x1: {  	(tag) =	ssettag $0x0;
	lr =	simm.s32 $0x1  }
0x2: {  	[smem:$0x3F89] =	sst lr;
	_ =	strace $0xD0000000  }
0x3: {  	_ = 	snop  }
0x4: {  	_ = 	snop  }
0x5: {  	_ = 	snop  }
0x6: {  	_ = 	snop  }
0x7: {  	_ = 	snop  }
__scs_overlays_trampoline_lowered:
0x8: {  	[smem:$0x3F98] =	sst s0  }
0x9: {  	[smem:$0x3F99] =	sst s1  }
0xa: {  	[smem:$0x3F9A] =	sst s2  }
0xb: {  	[smem:$0x3F9B] =	sst s3  }
0xc: {  	[smem:$0x3F9C] =	sst s4  }
0xd: {  	[smem:$0x3F9D] =	sst s5  }
0xe: {  	[smem:$0x3F9E] =	sst s6  }
0xf: {  	[smem:$0x3F9F] =	sst s7  }
0x10: {  	[smem:$0x3FA0] =	sst s8  }
0x11: {  	[smem:$0x3FA1] =	sst s9;
	s0 =	simm.s32 @!p0 $0x0  }
0x12: {  	s1 =	sld [smem:$0x3F87];
	s0 =	simm.s32 @p0 $0x1  }
0x13: {  	[smem:$0x3FA2] =	sst s0;
	s0 =	simm.s32 @!p1 $0x0  }
0x14: {  	s2 =	sld [smem:$0x3F86];
	s0 =	simm.s32 @p1 $0x1  }
0x15: {  	[smem:$0x3FA3] =	sst s0;
	s0 =	simm.s32 @!p2 $0x0  }
0x16: {  	s3 =	sld [smem:$0x3FDB];
	s0 =	simm.s32 @p2 $0x1  }
0x17: {  	s4 =	simm.s32 $0x1BF5;
	[smem:$0x3FA5] =	sst s0  }
0x18: {  	s0 =	sld [smem:$0x3F88];
	_ =	swait.ge [sflag:s4], $0x0  }
0x19: {  	s7 =	sld [smem:$0x3F89]  }
0x1a: {  	s8 =	sadd.s32 $0xFFFFE003, lr  }
0x1b: {  	s9 =	sadd.s32 $0xFFFFFEF7, lr;
	s5 =	simm.s32 $0xFFFFFFFF;
	p2 =	slt.u32 s8, $0xFFFFF086  }
0x1c: {  	p1 =	slt.u32 s9, $0xF7A;
	s5 =	simm.s32 @!p2 $0x0  }
0x1d: {  	s5 =	simm.s32 @p1 $0x1;
	p0 =	seq.s32 s7, s2  }
0x1e: {  	s7 =	smul.u32 @!p0 $0xF7A, s2;
	p2 =	seq.s32 @!p0 s5, $0x0  }
0x1f: {  	s9 =	smul.u32 $0xF7A, s1;
	s8 =	simm.s32 @!p0 $0x1BF5;
	p2 =	por !p2, p0  }
0x20: {  	[sflag:s8] =	ssyncset.s32 @!p0 $0xFFFFF086;
	s6 =	sadd.s32 @!p0 s3, s7;
	s7 =	simm.s32 @!p0 $0x108  }
0x21: {  	s3 =	sadd.s32 s3, s9;
	s6 =	sadd.s32 @!p0 $0x88, s6;
	s7 =	simm.s32 @p2 $0x1082  }
0x22: {  	[simem:s7], [sflag:s8] =	dma.local @!p0 [hbm:s6], $0xF7A  }
0x23: {  	s9 =	sor.u32 $0xD0000000, s2;
	s6 =	simm.s32 $0x108;
	_ =	swait.ge @!p0 [sflag:s8], $0x0  }
0x24: {  	s3 =	sadd.s32 $0x88, s3;
	s6 =	simm.s32 @!p1 $0x1082;
	[sflag:s4] =	ssyncset.s32 $0xFFFFF086  }
0x25: {  	[simem:s6], [sflag:s4] =	dma.local [hbm:s3], $0xF7A  }
0x26: {  	[smem:$0x3F89] =	sst s1;
	(tag) =	ssettag s2;
	_ =	strace s9  }
0x27: {  	s1 =	sld [smem:$0x3F99]  }
0x28: {  	s2 =	sld [smem:$0x3F9A]  }
0x29: {  	s4 =	sld [smem:$0x3F9C]  }
0x2a: {  	p0 =	seq.s32 s5, $0x0;
	s5 =	sld [smem:$0x3F9D]  }
0x2b: {  	s6 =	sld [smem:$0x3F9E]  }
0x2c: {  	s7 =	sld [smem:$0x3F9F]  }
0x2d: {  	s3 =	simm.s32 $0x108;
	s8 =	sld [smem:$0x3FA0]  }
0x2e: {  	s3 =	simm.s32 @!p0 $0x1082;
	s9 =	sld [smem:$0x3FA1]  }
0x2f: {  	lr =	sadd.s32 s0, s3;
	s0 =	sld [smem:$0x3F98]  }
0x30: {  	s3 =	sld [smem:$0x3F9B]  }
0x31: {  	[smem:$0x3FA4] =	sst s10  }
0x32: {  	s10 =	sld [smem:$0x3FA2];
	_ =	sdelay $0x3  }
0x33: {  	p0 =	seq.s32 s10, $0x1;
	s10 =	sld [smem:$0x3FA4];
	_ =	sdelay $0x3  }
0x34: {  	[smem:$0x3FA4] =	sst s10  }
0x35: {  	s10 =	sld [smem:$0x3FA3];
	_ =	sdelay $0x3  }
0x36: {  	p1 =	seq.s32 s10, $0x1;
	s10 =	sld [smem:$0x3FA4];
	_ =	sdelay $0x3  }
0x37: {  	[smem:$0x3FA4] =	sst s10  }
0x38: {  	s10 =	sld [smem:$0x3FA5]  }
0x39: {  	_ = 	snop;
	(pc) =	sbr.ind lr, $3  }
0x3a: {  	_ = 	snop  }
0x3b: {  	_ = 	snop  }
0x3c: {  	p2 =	seq.s32 s10, $0x1;
	s10 =	sld [smem:$0x3FA4]  }
0x3d: {  	_ =	shalt  }
0x3e: {  	_ =	shalt  }
0x3f: {  	_ =	shalt  }
0x40: {  	_ =	shalt  }
0x41: {  	_ =	shalt  }
0x42: {  	_ =	shalt  }
0x43: {  	_ =	shalt  }
0x44: {  	_ =	shalt  }
0x45: {  	_ =	shalt  }
0x46: {  	_ =	shalt  }
0x47: {  	_ =	shalt  }
0x48: {  	_ =	shalt  }
0x49: {  	_ =	shalt  }
0x4a: {  	_ =	shalt  }
0x4b: {  	_ =	shalt  }
0x4c: {  	_ =	shalt  }
0x4d: {  	_ =	shalt  }
0x4e: {  	_ =	shalt  }
0x4f: {  	_ =	shalt  }
0x50: {  	_ =	shalt  }
0x51: {  	_ =	shalt  }
0x52: {  	_ =	shalt  }
0x53: {  	_ =	shalt  }
0x54: {  	_ =	shalt  }
0x55: {  	_ =	shalt  }
0x56: {  	_ =	shalt  }
0x57: {  	_ =	shalt  }
0x58: {  	_ =	shalt  }
0x59: {  	_ =	shalt  }
0x5a: {  	_ =	shalt  }
0x5b: {  	_ =	shalt  }
0x5c: {  	_ =	shalt  }
0x5d: {  	_ =	shalt  }
0x5e: {  	_ =	shalt  }
0x5f: {  	_ =	shalt  }
0x60: {  	_ =	shalt  }
0x61: {  	_ =	shalt  }
0x62: {  	_ =	shalt  }
0x63: {  	_ =	shalt  }
0x64: {  	_ =	shalt  }
0x65: {  	_ =	shalt  }
0x66: {  	_ =	shalt  }
0x67: {  	_ =	shalt  }
0x68: {  	_ =	shalt  }
0x69: {  	_ =	shalt  }
0x6a: {  	_ =	shalt  }
0x6b: {  	_ =	shalt  }
0x6c: {  	_ =	shalt  }
0x6d: {  	_ =	shalt  }
0x6e: {  	_ =	shalt  }
0x6f: {  	_ =	shalt  }
0x70: {  	_ =	shalt  }
0x71: {  	_ =	shalt  }
0x72: {  	_ =	shalt  }
0x73: {  	_ =	shalt  }
0x74: {  	_ =	shalt  }
0x75: {  	_ =	shalt  }
0x76: {  	_ =	shalt  }
0x77: {  	_ =	shalt  }
0x78: {  	_ =	shalt  }
0x79: {  	_ =	shalt  }
0x7a: {  	_ =	shalt  }
0x7b: {  	_ =	shalt  }
0x7c: {  	_ =	shalt  }
0x7d: {  	_ =	shalt  }
0x7e: {  	_ =	shalt  }
0x7f: {  	_ =	shalt  }
0x80: {  	_ =	shalt  }
0x81: {  	_ =	shalt  }
0x82: {  	_ =	shalt  }
0x83: {  	_ =	shalt  }
0x84: {  	_ =	shalt  }
0x85: {  	_ =	shalt  }
0x86: {  	_ =	shalt  }
0x87: {  	_ =	shalt  }
.Lfunc_end0:
.L_simem_size_0:
called_computation.2_lowered:
.L_overlay_start_0:
0x88: {  	s2 =	sld [smem:$0x3FD9]  }
0x89: {  	s3 =	sld [smem:$0x3FFE];
	_ =	sdelay $0x1  }
0x8a: {  	s1 =	srdreg.scid  }
0x8b: {  	s0 =	sand.u32 $0x1, s1  }
0x8c: {  	s16 =	sshll.u32 s0, $0xA;
	s2 =	sadd.s32 s3, s2  }
0x8d: {  	s2 =	sadd.s32 s2, s16  }
0x8e: {  	[smem:$0x3FB0] =	sst s2  }
0x8f: {  	_ = 	snop  }
0x90: {  	(tm) =	ssettm $0x1  }
0x91: {  	s17 =	sld [smem:$0x3FFB];
	_ =	sdelay $0x3  }
0x92: {  	_ =	strace s17  }
0x93: {  	s2 =	sld [smem:$0x3FFC];
	_ =	sdelay $0x3  }
0x94: {  	_ =	strace s2  }
0x95: {  	s2 =	sld [smem:$0x3FFD];
	_ =	sdelay $0x3  }
0x96: {  	_ =	strace s2  }
0x97: {  	_ =	strace $0x8FFFFFFF  }
0x98: {  	s18 =	sld [smem:$0x3FDB];
	_ =	sdelay $0x1  }
0x99: {  	s19 =	simm.s32 $_scs_section_size  }
0x9a: {  	s4 =	simm.s32 $_size__tile_overlayer_lowered;
	s5 =	simm.s32 $_tile_overlayer_lowered  }
0x9b: {  	s22 =	simm.s32 $0x1BFF;
	s21 =	sshll.u32 s5, $0x1;
	s2 =	sadd.s32 s19, s18  }
0x9c: {  	s6 =	simm.s32 $0x0;
	s20 =	sshll.u32 s4, $0x1;
	s4 =	sadd.s32 s21, s2  }
0x9d: {  	[timem:s6], [sflag:s22] =	dma.local [hbm:s4], s20  }
0x9e: {  	_ =	swait.ge [sflag:s22], s20  }
0x9f: {  	s3 =	ssub.s32 $0x0, s20;
	[sflag:s22] =	ssyncset.done $0x0  }
0xa0: {  	[sflag:s22] =	ssyncadd.s32 s3;
	_ =	sdelay $0x1  }
0xa1: {  	s23 =	simm.s32 $0x1B8B  }
0xa2: {  	_ =	swait.ge [sflag:s23], $0x1  }
0xa3: {  	[sflag:s23] =	ssyncset.done $0x0  }
0xa4: {  	s25 =	simm.s32 $0x1B8E;
	s24 =	sld [smem:$0x3FFE];
	[sflag:s23] =	ssyncadd.s32 $0xFFFFFFFF  }
0xa5: {  	s26 =	simm.s32 $execute0_lowered;
	[smem:$0x3FD2] =	sst s25  }
0xa6: {  	s4 =	sshll.u32 s26, $0x1;
	_ =	strace $0x8000004C;
	[dreg:$0x1] =	wrdreg $0xFFFFFFFF  }
0xa7: {  	s28 =	simm.s32 $_size_execute0_lowered;
	s2 =	sadd.s32 s2, s4;
	[dreg:$0x0] =	wrdreg $0x0  }
0xa8: {  	s4 =	sshll.u32 s28, $0x1;
	[dreg:$0x2] =	wrdreg s2  }
0xa9: {  	[dreg:$0x3] =	wrdreg s4  }
0xaa: {  	[dreg:$0x4] =	wrdreg $0xC0  }
0xab: {  	_ =	task [dreg:s6], $0x5FFFF  }
0xac: {  	[dreg:$0x1] =	wrdreg $0xFFFFFFFF  }
0xad: {  	[dreg:$0x0] =	wrdreg $0x60  }
0xae: {  	[dreg:$0x2] =	wrdreg s24  }
0xaf: {  	[dreg:$0x3] =	wrdreg $0x22000  }
0xb0: {  	[dreg:$0x4] =	wrdreg $0x9  }
0xb1: {  	_ =	task.clear_ibuf [dreg:s6], $0x5FFFF;
	_ =	strace $0x9000004C  }
0xb2: {  	s29 =	simm.s32 $0x9;
	_ =	strace $0x8000004E  }
0xb3: {  	_ =	swait.ge [sflag:s29], $0x1  }
0xb4: {  	[sflag:s29] =	ssyncadd.s32 $0xFFFFFFFF  }
0xb5: {  	_ =	strace $0x9000004E  }
0xb6: {  	_ =	sfence  }
0xb7: {  	s30 =	sld [smem:$0x0];
	_ =	sdelay $0x2  }
0xb8: {  	s31 =	sshll.u32 s1, $0xD;
	s1 =	sshrl.u32 s1, $0x2  }
0xb9: {  	s3 =	sand.u32 $0x4000, s31;
	s1 =	sadd.s32 s1, s30  }
0xba: {  	s0 =	sor.u32 s3, s0;
	s1 =	sshll.u32 s1, $0x11  }
0xbb: {  	s0 =	sor.u32 s1, s0  }
0xbc: {  	s0 =	sadd.s32 $0x8F2B, s0  }
0xbd: {  	[sflag:s0] =	ssyncadd.remote.s32 $0x1  }
0xbe: {  	_ =	sfence.sel $0xFFFF  }
0xbf: {  	[dreg:$0x0] =	wrdreg $0xFFFFFFFF;
	(pc) =	sbr.abs _section_cstart, $3  }
0xc0: {  	[dreg:$0x1] =	wrdreg $0xFFFFFFFF  }
0xc1: {  	_ =	task.clear_ibuf [dreg:s6], $0x2FFFF;
	_ =	strace $0x9FFFFFFF  }
0xc2: {  	(tm) =	ssettm $0x7FFFFFFF  }
0xc3: {  	_ =	shalt  }
tec
execute0_lowered:
.L_overlay_start_1:
0x0: {  	(tag) =	ssettag $0x1  }
0x1: {  	s12 =	rddreg [dreg:$0x0]  }
0x2: {  	s2 =	rddreg [dreg:$0x1]  }
0x3: {  	s0 =	rddreg [dreg:$0x2]  }
0x4: {  	s1 =	stileid.u32;
	s4 =	srdreg.scid;
	s3 =	simm.s32 $0x0  }
0x5: {  	s16 =	simm.s32 $0x144600;
	s18 =	simm.s32 $0x200;
	s19 =	simm.s32 $0x100  }
0x6: {  	s20 =	simm.s32 $0x180;
	s21 =	simm.s32 $0x1200;
	s22 =	simm.s32 $0x1  }
0x7: {  	s23 =	simm.s32 $0x2;
	s24 =	simm.s32 $0x0;
	s5 =	smul.u32 $0x18800, s1  }
0x8: {  	s8 =	sand.u32 $0x1, s4;
	[smem:$0x7FF] =	sst s3;
	s10 =	smul.u32 $0xC400, s1  }
0x9: {  	s14 =	sadd.s32 $0x12BE00, s12;
	s13 =	sadd.s32 $0x6800, s12;
	s17 =	smul.u32 $0x1880, s1  }
0xa: {  	s30 =	sshll.u32 s1, $0x6;
	s4 =	smul.u32 $0x188000, s8;
	_ =	strace $0x8000004D  }
0xb: {  	s7 =	ssub.s32 $0x2, s8;
	p0 =	seq.s32 s8, $0x0;
	s6 =	sshrl.u32 s5, $0x3  }
0xc: {  	s29 =	sshrl.u32 s7, $0x1;
	s15 =	sadd.s32 s5, s2;
	s10 =	sshrl.u32 s10, $0x3  }
0xd: {  	s16 =	simm.s32 @!p0 $0xFAE00;
	s4 =	sadd.s32 s5, s4;
	s6 =	sadd.s32 s6, s12  }
0xe: {  	s11 =	ssub.s32 s7, s29;
	s5 =	sor.u32 $0x1C03, s30;
	s7 =	sadd.s32 s13, s10  }
0xf: {  	s31 =	sadd.s32 $0x1870, s10;
	s15 =	sshrl.u32 s15, $0x3;
	s4 =	sshrl.u32 s4, $0x3  }
0x10: {  	s9 =	sadd.s32 s4, s12;
	s4 =	sadd.s32 $0x175400, s6;
	s6 =	sadd.s32 s14, s10  }
0x11: {  	s10 =	sadd.s32 s14, s31;
	s12 =	sadd.s32 s16, s12;
	s14 =	sadd.s32 s17, s14  }
0x12: {  	s16 =	simm.s32 $0x3;
	s8 =	sadd.s32 $0x38E800, s9;
	s9 =	smax.u32 s11, $0x1  }
0x13: {  	s11 =	sadd.s32 s13, s31;
	s13 =	sadd.s32 s17, s13;
	s17 =	simm.s32 $0x80  }
.LBB2_1:
0x14: {  	[spmem:s15], [sflag:s5] =	dma.local [hbm:s4], $0x3100  }
0x15: {  	_ =	swait.ge [sflag:s16], $0x3100  }
0x16: {  	[sflag:s16] =	ssyncset.done $0x0  }
0x17: {  	[sflag:s16] =	ssyncadd.s32 $0xFFFFCF00  }
0x18: {  	[bflag:$0x0] =	sbarrier.arrive $0xFFFF  }
0x19: {  	[tilespmem:s3], [sflag:$0x3] =	stream.linear.gather [hbm4b:s6+s3], $0x80, $0x38;
	[tilespmem:$0x1AA00] =	vst v63  }
0x1a: {  	_ =	swait.ge [sflag:s16], $0x80  }
0x1b: {  	[sflag:s16] =	ssyncset.done $0x0  }
0x1c: {  	[sflag:s16] =	ssyncadd.s32 $0xFFFFFF80  }
0x1d: {  	[tilespmem:s17], [sflag:$0x3] =	stream.linear.gather [hbm4b:s7+s3], $0x80, $0x38;
	[tilespmem:$0x1AA00] =	vst v63  }
0x1e: {  	_ =	swait.ge [sflag:s16], $0x80  }
0x1f: {  	[sflag:s16] =	ssyncset.done $0x0  }
0x20: {  	s25 =	sadd.s32 $0xFFFFE7A0, s14;
	[sflag:s16] =	ssyncadd.s32 $0xFFFFFF80  }
0x21: {  	[tilespmem:s18], [sflag:$0x1] =	stream.indirect.gather [hbm4b:s12+s17], $0x20, s3, s17, $0xb8;
	[tilespmem:$0x1AA00] =	vst v63  }
0x22: {  	s26 =	sadd.s32 $0x1870, s25  }
0x23: {  	[tilespmem:s19], [sflag:$0x3] =	stream.linear.gather [hbm4b:s26+s3], $0x80, $0x38;
	[tilespmem:$0x1AA00] =	vst v63  }
0x24: {  	_ =	swait.ge [sflag:s16], $0x80  }
0x25: {  	s30 =	sadd.s32 $0xFFFFE7A0, s13;
	[sflag:s16] =	ssyncset.done $0x0  }
0x26: {  	s28 =	sadd.s32 $0x1870, s30;
	[sflag:s16] =	ssyncadd.s32 $0xFFFFFF80  }
0x27: {  	[tilespmem:s20], [sflag:$0x3] =	stream.linear.gather [hbm4b:s28+s3], $0x80, $0x38;
	[tilespmem:$0x1AA00] =	vst v63  }
0x28: {  	_ =	swait.ge [sflag:s16], $0x80  }
0x29: {  	[sflag:s16] =	ssyncset.done $0x0  }
0x2a: {  	[sflag:s16] =	ssyncadd.s32 $0xFFFFFF80  }
0x2b: {  	[tilespmem:s21], [sflag:$0x2] =	stream.indirect.gather [hbm4b:s12+s17], $0x20, s19, s17, $0xb8;
	[tilespmem:$0x1AA00] =	vst v63  }
0x2c: {  	_ =	swait.ge [sflag:s22], $0x1000  }
0x2d: {  	[sflag:s22] =	ssyncset.done $0x0  }
0x2e: {  	[sflag:s22] =	ssyncadd.s32 $0xFFFFF000  }
0x2f: {  	[spmem:s2] =	stream.indirect.scatter.add.f32 [tilespmem:s18], [sflag:$0x3], $0x20, s17, s17, $0xb8;
	[tilespmem:$0x1AA00] =	vst v63  }
0x30: {  	_ =	swait.ge [sflag:s16], $0x1000  }
0x31: {  	[sflag:s16] =	ssyncset.done $0x0  }
0x32: {  	s25 =	sadd.s32 $0x1880, s25;
	[sflag:s16] =	ssyncadd.s32 $0xFFFFF000  }
0x33: {  	[tilespmem:s3], [sflag:$0x3] =	stream.linear.gather [hbm4b:s25+s3], $0x80, $0x38;
	[tilespmem:$0x1AA00] =	vst v63  }
0x34: {  	_ =	swait.ge [sflag:s16], $0x80  }
0x35: {  	[sflag:s16] =	ssyncset.done $0x0  }
0x36: {  	s31 =	sadd.s32 $0x1880, s30;
	[sflag:s16] =	ssyncadd.s32 $0xFFFFFF80  }
0x37: {  	[tilespmem:s17], [sflag:$0x3] =	stream.linear.gather [hbm4b:s31+s3], $0x80, $0x38;
	[tilespmem:$0x1AA00] =	vst v63  }
0x38: {  	_ =	swait.ge [sflag:s16], $0x80  }
0x39: {  	[sflag:s16] =	ssyncset.done $0x0  }
0x3a: {  	[sflag:s16] =	ssyncadd.s32 $0xFFFFFF80  }
0x3b: {  	[tilespmem:s18], [sflag:$0x1] =	stream.indirect.gather [hbm4b:s12+s17], $0x20, s3, s17, $0xb8;
	[tilespmem:$0x1AA00] =	vst v63  }
0x3c: {  	_ =	swait.ge [sflag:s23], $0x1000  }
0x3d: {  	[sflag:s23] =	ssyncset.done $0x0  }
0x3e: {  	[sflag:s23] =	ssyncadd.s32 $0xFFFFF000  }
0x3f: {  	[spmem:s2] =	stream.indirect.scatter.add.f32 [tilespmem:s21], [sflag:$0x3], $0x20, s20, s17, $0xb8;
	[tilespmem:$0x1AA00] =	vst v63  }
0x40: {  	s29 =	simm.s32 $0xFFFFE7E0;
	_ =	swait.ge [sflag:s16], $0x1000  }
0x41: {  	s28 =	sadd.s32 $0xFFFFE7C0, s14;
	s25 =	simm.s32 $0xFFFFE7C0;
	[sflag:s16] =	ssyncset.done $0x0  }
.LBB2_2:
0x42: {  	s30 =	sadd.s32 $0x1870, s28  }
0x43: {  	[sflag:s16] =	ssyncadd.s32 $0xFFFFF000;
	s31 =	smov.u32 s29;
	s26 =	sadd.s32 $0x20, s29  }
0x44: {  	[tilespmem:s19], [sflag:$0x3] =	stream.linear.gather [hbm4b:s30+s3], $0x80, $0x38;
	[tilespmem:$0x1AA00] =	vst v63  }
0x45: {  	p0 =	sne.s32 s29, $0xFFFFFFE0;
	_ =	swait.ge [sflag:s16], $0x80  }
0x46: {  	s29 =	sadd.s32 s25, s13;
	s25 =	smov.u32 s31;
	[sflag:s16] =	ssyncset.done $0x0  }
0x47: {  	s30 =	sadd.s32 $0x1870, s29;
	[sflag:s16] =	ssyncadd.s32 $0xFFFFFF80  }
0x48: {  	[tilespmem:s20], [sflag:$0x3] =	stream.linear.gather [hbm4b:s30+s3], $0x80, $0x38;
	[tilespmem:$0x1AA00] =	vst v63  }
0x49: {  	_ =	swait.ge [sflag:s16], $0x80  }
0x4a: {  	[sflag:s16] =	ssyncset.done $0x0  }
0x4b: {  	[sflag:s16] =	ssyncadd.s32 $0xFFFFFF80  }
0x4c: {  	[tilespmem:s21], [sflag:$0x2] =	stream.indirect.gather [hbm4b:s12+s17], $0x20, s19, s17, $0xb8;
	[tilespmem:$0x1AA00] =	vst v63  }
0x4d: {  	_ =	swait.ge [sflag:s22], $0x1000  }
0x4e: {  	[sflag:s22] =	ssyncset.done $0x0  }
0x4f: {  	[sflag:s22] =	ssyncadd.s32 $0xFFFFF000  }
0x50: {  	[spmem:s2] =	stream.indirect.scatter.add.f32 [tilespmem:s18], [sflag:$0x3], $0x20, s17, s17, $0xb8;
	[tilespmem:$0x1AA00] =	vst v63  }
0x51: {  	_ =	swait.ge [sflag:s16], $0x1000  }
0x52: {  	[sflag:s16] =	ssyncset.done $0x0  }
0x53: {  	s28 =	sadd.s32 $0x1880, s28;
	[sflag:s16] =	ssyncadd.s32 $0xFFFFF000  }
0x54: {  	[tilespmem:s3], [sflag:$0x3] =	stream.linear.gather [hbm4b:s28+s3], $0x80, $0x38;
	[tilespmem:$0x1AA00] =	vst v63  }
0x55: {  	_ =	swait.ge [sflag:s16], $0x80  }
0x56: {  	[sflag:s16] =	ssyncset.done $0x0  }
0x57: {  	s28 =	sadd.s32 $0x1880, s29;
	[sflag:s16] =	ssyncadd.s32 $0xFFFFFF80  }
0x58: {  	[tilespmem:s17], [sflag:$0x3] =	stream.linear.gather [hbm4b:s28+s3], $0x80, $0x38;
	[tilespmem:$0x1AA00] =	vst v63  }
0x59: {  	_ =	swait.ge [sflag:s16], $0x80  }
0x5a: {  	[sflag:s16] =	ssyncset.done $0x0  }
0x5b: {  	[sflag:s16] =	ssyncadd.s32 $0xFFFFFF80  }
0x5c: {  	[tilespmem:s18], [sflag:$0x1] =	stream.indirect.gather [hbm4b:s12+s17], $0x20, s3, s17, $0xb8;
	[tilespmem:$0x1AA00] =	vst v63  }
0x5d: {  	_ =	swait.ge [sflag:s23], $0x1000  }
.Ltmp0:
0x5e: {  	[sflag:s23] =	ssyncset.done $0x0;
	(pc) =	sbr.rel @p0 .LBB2_2-.Ltmp0, $4  }
0x5f: {  	[sflag:s23] =	ssyncadd.s32 $0xFFFFF000  }
0x60: {  	[spmem:s2] =	stream.indirect.scatter.add.f32 [tilespmem:s21], [sflag:$0x3], $0x20, s20, s17, $0xb8;
	[tilespmem:$0x1AA00] =	vst v63  }
0x61: {  	_ =	swait.ge [sflag:s16], $0x1000  }
0x62: {  	s29 =	smov.u32 s26;
	s28 =	sadd.s32 s25, s14;
	[sflag:s16] =	ssyncset.done $0x0  }
0x63: {  	s26 =	sadd.s32 $0x1870, s28;
	[sflag:s16] =	ssyncadd.s32 $0xFFFFF000  }
0x64: {  	[tilespmem:s19], [sflag:$0x3] =	stream.linear.gather [hbm4b:s26+s3], $0x80, $0x38;
	[tilespmem:$0x1AA00] =	vst v63  }
0x65: {  	_ =	swait.ge [sflag:s16], $0x80  }
0x66: {  	s25 =	sadd.s32 s25, s13;
	[sflag:s16] =	ssyncset.done $0x0  }
0x67: {  	s30 =	sadd.s32 $0x1870, s25;
	[sflag:s16] =	ssyncadd.s32 $0xFFFFFF80  }
0x68: {  	[tilespmem:s20], [sflag:$0x3] =	stream.linear.gather [hbm4b:s30+s3], $0x80, $0x38;
	[tilespmem:$0x1AA00] =	vst v63  }
0x69: {  	_ =	swait.ge [sflag:s16], $0x80  }
0x6a: {  	[sflag:s16] =	ssyncset.done $0x0  }
0x6b: {  	[sflag:s16] =	ssyncadd.s32 $0xFFFFFF80  }
0x6c: {  	[tilespmem:s21], [sflag:$0x2] =	stream.indirect.gather [hbm4b:s12+s17], $0x20, s19, s17, $0xb8;
	[tilespmem:$0x1AA00] =	vst v63  }
0x6d: {  	_ =	swait.ge [sflag:s22], $0x1000  }
0x6e: {  	[sflag:s22] =	ssyncset.done $0x0  }
0x6f: {  	[sflag:s22] =	ssyncadd.s32 $0xFFFFF000  }
0x70: {  	[spmem:s2] =	stream.indirect.scatter.add.f32 [tilespmem:s18], [sflag:$0x3], $0x20, s17, s17, $0xb8;
	[tilespmem:$0x1AA00] =	vst v63  }
0x71: {  	_ =	swait.ge [sflag:s16], $0x1000  }
0x72: {  	[sflag:s16] =	ssyncset.done $0x0  }
0x73: {  	s31 =	sadd.s32 $0x1880, s28;
	[sflag:s16] =	ssyncadd.s32 $0xFFFFF000  }
0x74: {  	[tilespmem:s3], [sflag:$0x3] =	stream.linear.gather [hbm4b:s31+s3], $0x80, $0x38;
	[tilespmem:$0x1AA00] =	vst v63  }
0x75: {  	_ =	swait.ge [sflag:s16], $0x80  }
0x76: {  	[sflag:s16] =	ssyncset.done $0x0  }
0x77: {  	s25 =	sadd.s32 $0x1880, s25;
	[sflag:s16] =	ssyncadd.s32 $0xFFFFFF80  }
0x78: {  	[tilespmem:s17], [sflag:$0x3] =	stream.linear.gather [hbm4b:s25+s3], $0x80, $0x38;
	[tilespmem:$0x1AA00] =	vst v63  }
0x79: {  	_ =	swait.ge [sflag:s16], $0x80  }
0x7a: {  	[sflag:s16] =	ssyncset.done $0x0  }
0x7b: {  	[sflag:s16] =	ssyncadd.s32 $0xFFFFFF80  }
0x7c: {  	[tilespmem:s18], [sflag:$0x1] =	stream.indirect.gather [hbm4b:s12+s17], $0x20, s3, s17, $0xb8;
	[tilespmem:$0x1AA00] =	vst v63  }
0x7d: {  	_ =	swait.ge [sflag:s23], $0x1000  }
0x7e: {  	[sflag:s23] =	ssyncset.done $0x0  }
0x7f: {  	[sflag:s23] =	ssyncadd.s32 $0xFFFFF000  }
0x80: {  	[spmem:s2] =	stream.indirect.scatter.add.f32 [tilespmem:s21], [sflag:$0x3], $0x20, s20, s17, $0xb8;
	[tilespmem:$0x1AA00] =	vst v63  }
0x81: {  	_ =	swait.ge [sflag:s16], $0x1000  }
0x82: {  	[sflag:s16] =	ssyncset.done $0x0  }
0x83: {  	[sflag:s16] =	ssyncadd.s32 $0xFFFFF000  }
0x84: {  	[tilespmem:s19], [sflag:$0x3] =	stream.linear.gather [hbm4b:s10+s3], $0x80, $0x38;
	[tilespmem:$0x1AA00] =	vst v63  }
0x85: {  	_ =	swait.ge [sflag:s16], $0x80  }
0x86: {  	[sflag:s16] =	ssyncset.done $0x0  }
0x87: {  	[sflag:s16] =	ssyncadd.s32 $0xFFFFFF80  }
0x88: {  	[tilespmem:s20], [sflag:$0x3] =	stream.linear.gather [hbm4b:s11+s3], $0x80, $0x38;
	[tilespmem:$0x1AA00] =	vst v63  }
0x89: {  	_ =	swait.ge [sflag:s16], $0x80  }
0x8a: {  	[sflag:s16] =	ssyncset.done $0x0  }
0x8b: {  	[sflag:s16] =	ssyncadd.s32 $0xFFFFFF80  }
0x8c: {  	[tilespmem:s21], [sflag:$0x2] =	stream.indirect.gather [hbm4b:s12+s17], $0x20, s19, s17, $0xb8;
	[tilespmem:$0x1AA00] =	vst v63  }
0x8d: {  	_ =	swait.ge [sflag:s22], $0x1000  }
0x8e: {  	[sflag:s22] =	ssyncset.done $0x0  }
0x8f: {  	[sflag:s22] =	ssyncadd.s32 $0xFFFFF000  }
0x90: {  	[spmem:s2] =	stream.indirect.scatter.add.f32 [tilespmem:s18], [sflag:$0x3], $0x20, s17, s17, $0xb8;
	[tilespmem:$0x1AA00] =	vst v63  }
0x91: {  	_ =	swait.ge [sflag:s16], $0x1000  }
0x92: {  	[sflag:s16] =	ssyncset.done $0x0  }
0x93: {  	[sflag:s16] =	ssyncadd.s32 $0xFFFFF000  }
0x94: {  	_ =	swait.ge [sflag:s23], $0x1000  }
0x95: {  	[sflag:s23] =	ssyncset.done $0x0  }
0x96: {  	[sflag:s23] =	ssyncadd.s32 $0xFFFFF000  }
0x97: {  	[spmem:s2] =	stream.indirect.scatter.add.f32 [tilespmem:s21], [sflag:$0x3], $0x20, s20, s17, $0xb8;
	[tilespmem:$0x1AA00] =	vst v63  }
0x98: {  	_ =	swait.ge [sflag:s16], $0x1000  }
0x99: {  	s24 =	sadd.s32 $0x1, s24;
	[sflag:s16] =	ssyncset.done $0x0  }
0x9a: {  	p0 =	sne.s32 s24, s9;
	[sflag:s16] =	ssyncadd.s32 $0xFFFFF000  }
.Ltmp1:
0x9b: {  	[bflag:$0x0] =	sbarrier.arrive $0xFFFF;
	(pc) =	sbr.rel @p0 .LBB2_1-.Ltmp1, $4  }
0x9c: {  	[hbm:s8], [sflag:s5] =	dma.local [spmem:s15], $0x3100  }
0x9d: {  	_ =	swait.ge [sflag:s16], $0x3100  }
0x9e: {  	[sflag:s16] =	ssyncset.done $0x0  }
0x9f: {  	[sflag:s16] =	ssyncadd.s32 $0xFFFFCF00  }
0xa0: {  	_ =	sfence.sel $0x180000  }
0xa1: {  	[bflag:$0x0] =	sbarrier.arrive $0xFFFF  }
0xa2: {  	p0 =	sne.s32 s1, $0x0;
	_ =	strace $0x9000004D  }
0xa3: {  	s0 =	sadd.s32 @!p0 $0x100000, s0;
	[bflag:$0x2] =	sbarrier.arrive $0xFFFF  }
0xa4: {  	[sflag:s0] =	ssyncadd.tile.s32 @!p0 $0x1;
	_ =	shalt  }
.Lfunc_end2:
_tile_overlayer_lowered:
.L_overlay_start_2:
0xa5: {  	(tag) =	ssettag $0x2  }
0xa6: {  	s0 =	rddreg [dreg:$0x0];
	s2 =	stileid.u32  }
0xa7: {  	s1 =	rddreg [dreg:$0x1];
	p0 =	sne.s32 s2, $0x0  }
0xa8: {  	s3 =	rddreg [dreg:$0x2];
	[bflag:$0x3] =	sbarrier.arrive $0xFFFF;
	s2 =	simm.s32 @!p0 $0x1C03  }
0xa9: {  	[timem:s3], [sflag:s2] =	dma.local @!p0 [hbm:s0], s1  }
0xaa: {  	s0 =	simm.s32 @!p0 $0x3  }
0xab: {  	_ =	swait.ge @!p0 [sflag:s0], s1  }
0xac: {  	s1 =	ssub.s32 @!p0 $0x0, s1;
	[sflag:s0] =	ssyncset.done @!p0 $0x0  }
0xad: {  	[sflag:s0] =	ssyncadd.s32 @!p0 s1  }
0xae: {  	[bflag:$0x3] =	sbarrier.arrive $0xFFFF  }
0xaf: {  	_ =	shalt  }

// kernel: kernel.19.cloned.1.call-start
scs
__scs_entry_jumppad:
0x0: {  	(pc) =	sbr.rel $0x88, $3  }
0x1: {  	(tag) =	ssettag $0x0;
	lr =	simm.s32 $0x1  }
0x2: {  	[smem:$0x3F89] =	sst lr;
	_ =	strace $0xD0000000  }
0x3: {  	_ = 	snop  }
0x4: {  	_ = 	snop  }
0x5: {  	_ = 	snop  }
0x6: {  	_ = 	snop  }
0x7: {  	_ = 	snop  }
__scs_overlays_trampoline_lowered:
0x8: {  	[smem:$0x3F98] =	sst s0  }
0x9: {  	[smem:$0x3F99] =	sst s1  }
0xa: {  	[smem:$0x3F9A] =	sst s2  }
0xb: {  	[smem:$0x3F9B] =	sst s3  }
0xc: {  	[smem:$0x3F9C] =	sst s4  }
0xd: {  	[smem:$0x3F9D] =	sst s5  }
0xe: {  	[smem:$0x3F9E] =	sst s6  }
0xf: {  	[smem:$0x3F9F] =	sst s7  }
0x10: {  	[smem:$0x3FA0] =	sst s8  }
0x11: {  	[smem:$0x3FA1] =	sst s9;
	s0 =	simm.s32 @!p0 $0x0  }
0x12: {  	s1 =	sld [smem:$0x3F87];
	s0 =	simm.s32 @p0 $0x1  }
0x13: {  	[smem:$0x3FA2] =	sst s0;
	s0 =	simm.s32 @!p1 $0x0  }
0x14: {  	s2 =	sld [smem:$0x3F86];
	s0 =	simm.s32 @p1 $0x1  }
0x15: {  	[smem:$0x3FA3] =	sst s0;
	s0 =	simm.s32 @!p2 $0x0  }
0x16: {  	s3 =	sld [smem:$0x3FDB];
	s0 =	simm.s32 @p2 $0x1  }
0x17: {  	s4 =	simm.s32 $0x1BF5;
	[smem:$0x3FA5] =	sst s0  }
0x18: {  	s0 =	sld [smem:$0x3F88];
	_ =	swait.ge [sflag:s4], $0x0  }
0x19: {  	s7 =	sld [smem:$0x3F89]  }
0x1a: {  	s8 =	sadd.s32 $0xFFFFE003, lr  }
0x1b: {  	s9 =	sadd.s32 $0xFFFFFEF7, lr;
	s5 =	simm.s32 $0xFFFFFFFF;
	p2 =	slt.u32 s8, $0xFFFFF086  }
0x1c: {  	p1 =	slt.u32 s9, $0xF7A;
	s5 =	simm.s32 @!p2 $0x0  }
0x1d: {  	s5 =	simm.s32 @p1 $0x1;
	p0 =	seq.s32 s7, s2  }
0x1e: {  	s7 =	smul.u32 @!p0 $0xF7A, s2;
	p2 =	seq.s32 @!p0 s5, $0x0  }
0x1f: {  	s9 =	smul.u32 $0xF7A, s1;
	s8 =	simm.s32 @!p0 $0x1BF5;
	p2 =	por !p2, p0  }
0x20: {  	[sflag:s8] =	ssyncset.s32 @!p0 $0xFFFFF086;
	s6 =	sadd.s32 @!p0 s3, s7;
	s7 =	simm.s32 @!p0 $0x108  }
0x21: {  	s3 =	sadd.s32 s3, s9;
	s6 =	sadd.s32 @!p0 $0x88, s6;
	s7 =	simm.s32 @p2 $0x1082  }
0x22: {  	[simem:s7], [sflag:s8] =	dma.local @!p0 [hbm:s6], $0xF7A  }
0x23: {  	s9 =	sor.u32 $0xD0000000, s2;
	s6 =	simm.s32 $0x108;
	_ =	swait.ge @!p0 [sflag:s8], $0x0  }
0x24: {  	s3 =	sadd.s32 $0x88, s3;
	s6 =	simm.s32 @!p1 $0x1082;
	[sflag:s4] =	ssyncset.s32 $0xFFFFF086  }
0x25: {  	[simem:s6], [sflag:s4] =	dma.local [hbm:s3], $0xF7A  }
0x26: {  	[smem:$0x3F89] =	sst s1;
	(tag) =	ssettag s2;
	_ =	strace s9  }
0x27: {  	s1 =	sld [smem:$0x3F99]  }
0x28: {  	s2 =	sld [smem:$0x3F9A]  }
0x29: {  	s4 =	sld [smem:$0x3F9C]  }
0x2a: {  	p0 =	seq.s32 s5, $0x0;
	s5 =	sld [smem:$0x3F9D]  }
0x2b: {  	s6 =	sld [smem:$0x3F9E]  }
0x2c: {  	s7 =	sld [smem:$0x3F9F]  }
0x2d: {  	s3 =	simm.s32 $0x108;
	s8 =	sld [smem:$0x3FA0]  }
0x2e: {  	s3 =	simm.s32 @!p0 $0x1082;
	s9 =	sld [smem:$0x3FA1]  }
0x2f: {  	lr =	sadd.s32 s0, s3;
	s0 =	sld [smem:$0x3F98]  }
0x30: {  	s3 =	sld [smem:$0x3F9B]  }
0x31: {  	[smem:$0x3FA4] =	sst s10  }
0x32: {  	s10 =	sld [smem:$0x3FA2];
	_ =	sdelay $0x3  }
0x33: {  	p0 =	seq.s32 s10, $0x1;
	s10 =	sld [smem:$0x3FA4];
	_ =	sdelay $0x3  }
0x34: {  	[smem:$0x3FA4] =	sst s10  }
0x35: {  	s10 =	sld [smem:$0x3FA3];
	_ =	sdelay $0x3  }
0x36: {  	p1 =	seq.s32 s10, $0x1;
	s10 =	sld [smem:$0x3FA4];
	_ =	sdelay $0x3  }
0x37: {  	[smem:$0x3FA4] =	sst s10  }
0x38: {  	s10 =	sld [smem:$0x3FA5]  }
0x39: {  	_ = 	snop;
	(pc) =	sbr.ind lr, $3  }
0x3a: {  	_ = 	snop  }
0x3b: {  	_ = 	snop  }
0x3c: {  	p2 =	seq.s32 s10, $0x1;
	s10 =	sld [smem:$0x3FA4]  }
0x3d: {  	_ =	shalt  }
0x3e: {  	_ =	shalt  }
0x3f: {  	_ =	shalt  }
0x40: {  	_ =	shalt  }
0x41: {  	_ =	shalt  }
0x42: {  	_ =	shalt  }
0x43: {  	_ =	shalt  }
0x44: {  	_ =	shalt  }
0x45: {  	_ =	shalt  }
0x46: {  	_ =	shalt  }
0x47: {  	_ =	shalt  }
0x48: {  	_ =	shalt  }
0x49: {  	_ =	shalt  }
0x4a: {  	_ =	shalt  }
0x4b: {  	_ =	shalt  }
0x4c: {  	_ =	shalt  }
0x4d: {  	_ =	shalt  }
0x4e: {  	_ =	shalt  }
0x4f: {  	_ =	shalt  }
0x50: {  	_ =	shalt  }
0x51: {  	_ =	shalt  }
0x52: {  	_ =	shalt  }
0x53: {  	_ =	shalt  }
0x54: {  	_ =	shalt  }
0x55: {  	_ =	shalt  }
0x56: {  	_ =	shalt  }
0x57: {  	_ =	shalt  }
0x58: {  	_ =	shalt  }
0x59: {  	_ =	shalt  }
0x5a: {  	_ =	shalt  }
0x5b: {  	_ =	shalt  }
0x5c: {  	_ =	shalt  }
0x5d: {  	_ =	shalt  }
0x5e: {  	_ =	shalt  }
0x5f: {  	_ =	shalt  }
0x60: {  	_ =	shalt  }
0x61: {  	_ =	shalt  }
0x62: {  	_ =	shalt  }
0x63: {  	_ =	shalt  }
0x64: {  	_ =	shalt  }
0x65: {  	_ =	shalt  }
0x66: {  	_ =	shalt  }
0x67: {  	_ =	shalt  }
0x68: {  	_ =	shalt  }
0x69: {  	_ =	shalt  }
0x6a: {  	_ =	shalt  }
0x6b: {  	_ =	shalt  }
0x6c: {  	_ =	shalt  }
0x6d: {  	_ =	shalt  }
0x6e: {  	_ =	shalt  }
0x6f: {  	_ =	shalt  }
0x70: {  	_ =	shalt  }
0x71: {  	_ =	shalt  }
0x72: {  	_ =	shalt  }
0x73: {  	_ =	shalt  }
0x74: {  	_ =	shalt  }
0x75: {  	_ =	shalt  }
0x76: {  	_ =	shalt  }
0x77: {  	_ =	shalt  }
0x78: {  	_ =	shalt  }
0x79: {  	_ =	shalt  }
0x7a: {  	_ =	shalt  }
0x7b: {  	_ =	shalt  }
0x7c: {  	_ =	shalt  }
0x7d: {  	_ =	shalt  }
0x7e: {  	_ =	shalt  }
0x7f: {  	_ =	shalt  }
0x80: {  	_ =	shalt  }
0x81: {  	_ =	shalt  }
0x82: {  	_ =	shalt  }
0x83: {  	_ =	shalt  }
0x84: {  	_ =	shalt  }
0x85: {  	_ =	shalt  }
0x86: {  	_ =	shalt  }
0x87: {  	_ =	shalt  }
.Lfunc_end0:
.L_simem_size_0:
called_computation.3_lowered:
.L_overlay_start_0:
0x88: {  	s2 =	sld [smem:$0x3FD9]  }
0x89: {  	s3 =	sld [smem:$0x3FFE];
	_ =	sdelay $0x1  }
0x8a: {  	s1 =	srdreg.scid  }
0x8b: {  	s0 =	sand.u32 $0x1, s1  }
0x8c: {  	s17 =	sshll.u32 s0, $0xA;
	s2 =	sadd.s32 s3, s2  }
0x8d: {  	s2 =	sadd.s32 s2, s17  }
0x8e: {  	[smem:$0x3FB0] =	sst s2  }
0x8f: {  	_ = 	snop  }
0x90: {  	s2 =	sld [smem:$0x3FD0];
	(tm) =	ssettm $0x1  }
0x91: {  	s18 =	sld [smem:$0x3FFB];
	_ =	sdelay $0x3  }
0x92: {  	_ =	strace s18  }
0x93: {  	s3 =	sld [smem:$0x3FFC];
	_ =	sdelay $0x3  }
0x94: {  	_ =	strace s3  }
0x95: {  	s3 =	sld [smem:$0x3FFD];
	_ =	sdelay $0x3  }
0x96: {  	_ =	strace s3  }
0x97: {  	_ =	strace $0x8FFFFFFF  }
0x98: {  	s19 =	sld [smem:$0x3FDB];
	_ =	sdelay $0x1  }
0x99: {  	s4 =	simm.s32 $_scs_section_size  }
0x9a: {  	s5 =	simm.s32 $_size__tile_overlayer_lowered;
	s6 =	simm.s32 $_tile_overlayer_lowered  }
0x9b: {  	s22 =	simm.s32 $0x1BFF;
	s21 =	sshll.u32 s6, $0x1;
	s3 =	sadd.s32 s4, s19  }
0x9c: {  	s7 =	simm.s32 $0x0;
	s20 =	sshll.u32 s5, $0x1;
	s5 =	sadd.s32 s21, s3  }
0x9d: {  	[timem:s7], [sflag:s22] =	dma.local [hbm:s5], s20  }
0x9e: {  	_ =	swait.ge [sflag:s22], s20  }
0x9f: {  	s4 =	ssub.s32 $0x0, s20;
	[sflag:s22] =	ssyncset.done $0x0  }
0xa0: {  	[sflag:s22] =	ssyncadd.s32 s4;
	_ =	sdelay $0x1  }
0xa1: {  	s23 =	simm.s32 $0x1B8B  }
0xa2: {  	_ =	swait.ge [sflag:s23], $0x1  }
0xa3: {  	[sflag:s23] =	ssyncset.done $0x0  }
0xa4: {  	s25 =	simm.s32 $0x1B8E;
	s24 =	sld [smem:$0x3FFE];
	[sflag:s23] =	ssyncadd.s32 $0xFFFFFFFF  }
0xa5: {  	s26 =	simm.s32 $execute0_lowered;
	[smem:$0x3FD2] =	sst s25  }
0xa6: {  	s5 =	sshll.u32 s26, $0x1;
	_ =	strace $0x8000004F;
	[dreg:$0x1] =	wrdreg $0xFFFFFFFF  }
0xa7: {  	s28 =	simm.s32 $_size_execute0_lowered;
	s3 =	sadd.s32 s3, s5;
	[dreg:$0x0] =	wrdreg $0x0  }
0xa8: {  	s5 =	sshll.u32 s28, $0x1;
	[dreg:$0x2] =	wrdreg s3  }
0xa9: {  	[dreg:$0x3] =	wrdreg s5  }
0xaa: {  	[dreg:$0x4] =	wrdreg $0xC0  }
0xab: {  	_ =	task [dreg:s7], $0x5FFFF  }
0xac: {  	[dreg:$0x1] =	wrdreg $0xFFFFFFFF  }
0xad: {  	[dreg:$0x0] =	wrdreg $0x60  }
0xae: {  	[dreg:$0x2] =	wrdreg s24  }
0xaf: {  	[dreg:$0x3] =	wrdreg s2  }
0xb0: {  	[dreg:$0x4] =	wrdreg $0x42200  }
0xb1: {  	[dreg:$0x5] =	wrdreg $0x106200  }
0xb2: {  	[dreg:$0x6] =	wrdreg $0x9  }
0xb3: {  	_ =	task.clear_ibuf [dreg:s7], $0x7FFFF;
	_ =	strace $0x9000004F  }
0xb4: {  	s29 =	simm.s32 $0x9;
	_ =	strace $0x80000051  }
0xb5: {  	_ =	swait.ge [sflag:s29], $0x1  }
0xb6: {  	[sflag:s29] =	ssyncadd.s32 $0xFFFFFFFF  }
0xb7: {  	_ =	strace $0x90000051  }
0xb8: {  	_ =	sfence  }
0xb9: {  	s30 =	sld [smem:$0x0];
	_ =	sdelay $0x2  }
0xba: {  	s31 =	sshll.u32 s1, $0xD;
	s1 =	sshrl.u32 s1, $0x2  }
0xbb: {  	s3 =	sand.u32 $0x4000, s31;
	s1 =	sadd.s32 s1, s30  }
0xbc: {  	s0 =	sor.u32 s3, s0;
	s1 =	sshll.u32 s1, $0x11  }
0xbd: {  	s0 =	sor.u32 s1, s0  }
0xbe: {  	s0 =	sadd.s32 $0x8F2B, s0  }
0xbf: {  	[sflag:s0] =	ssyncadd.remote.s32 $0x1  }
0xc0: {  	_ =	sfence.sel $0xFFFF  }
0xc1: {  	[dreg:$0x0] =	wrdreg $0xFFFFFFFF;
	(pc) =	sbr.abs _section_cstart, $3  }
0xc2: {  	[dreg:$0x1] =	wrdreg $0xFFFFFFFF  }
0xc3: {  	_ =	task.clear_ibuf [dreg:s7], $0x2FFFF;
	_ =	strace $0x9FFFFFFF  }
0xc4: {  	(tm) =	ssettm $0x7FFFFFFF  }
0xc5: {  	_ =	shalt  }
tec
execute0_lowered:
.L_overlay_start_1:
0x0: {  	(tag) =	ssettag $0x1  }
0x1: {  	s0 =	rddreg [dreg:$0x0]  }
0x2: {  	s2 =	rddreg [dreg:$0x2]  }
0x3: {  	s3 =	rddreg [dreg:$0x3]  }
0x4: {  	s5 =	simm.s32 $0x0;
	s14 =	stileid.u32;
	s1 =	srdreg.scid  }
0x5: {  	s30 =	simm.s32 $0x100;
	s31 =	simm.s32 $0x180;
	s28 =	simm.s32 $0x3A00  }
0x6: {  	s29 =	simm.s32 $0x2;
	[smem:$0x7FF] =	sst s5;
	s6 =	sadd.s32 $0x12BE00, s0  }
0x7: {  	s4 =	smul.u32 $0xC400, s14;
	s1 =	sand.u32 $0x1, s1;
	s7 =	sadd.s32 $0x6800, s0  }
0x8: {  	s8 =	sadd.s32 $0x68A00, s0;
	s9 =	sadd.s32 $0x50200, s0;
	s14 =	smul.u32 $0x6200, s14  }
0x9: {  	s10 =	sadd.s32 $0x37A00, s0;
	s12 =	sadd.s32 $0x37800, s0;
	s11 =	smul.u32 $0xC4000, s1  }
0xa: {  	_ =	strace $0x80000050;
	s13 =	smul.u32 $0x62000, s1;
	s1 =	ssub.s32 $0x2, s1  }
0xb: {  	[dreg:$0x5] =	wrdreg s12;
	s19 =	sshrl.u32 s4, $0x3;
	s20 =	sshrl.u32 s1, $0x1  }
0xc: {  	s21 =	sadd.s32 s4, s2;
	s11 =	sadd.s32 s4, s11;
	s12 =	sadd.s32 s19, s0  }
0xd: {  	s1 =	ssub.s32 s1, s20;
	[dreg:$0x6] =	wrdreg s21;
	s22 =	sadd.s32 s14, s13  }
0xe: {  	s4 =	sadd.s32 s4, s3;
	s11 =	sshrl.u32 s11, $0x3;
	s12 =	sadd.s32 $0x1F000, s12  }
0xf: {  	[dreg:$0x8] =	wrdreg s4;
	s23 =	sshrl.u32 s22, $0x3;
	s17 =	sor.u32 $0x80, s22  }
0x10: {  	s18 =	sor.u32 $0x100, s22;
	s26 =	smax.u32 s1, $0x1;
	s1 =	simm.s32 $0x2200  }
0x11: {  	s22 =	simm.s32 $0x2A00;
	s0 =	sadd.s32 s11, s0;
	[dreg:$0x7] =	wrdreg s12  }
0x12: {  	s24 =	sadd.s32 s6, s23;
	s4 =	sadd.s32 s7, s23;
	[dreg:$0xd] =	wrdreg s26  }
0x13: {  	s23 =	simm.s32 $0x3;
	s26 =	simm.s32 $0x3200;
	[dreg:$0x9] =	wrdreg s24  }
0x14: {  	[dreg:$0xa] =	wrdreg s4;
	s25 =	sadd.s32 $0x81200, s0;
	s0 =	sadd.s32 $0xB2200, s0  }
0x15: {  	s24 =	simm.s32 $0x1;
	s4 =	simm.s32 $0x0;
	[dreg:$0xb] =	wrdreg s25  }
0x16: {  	[dreg:$0xc] =	wrdreg s0;
	s25 =	simm.s32 $0x80;
	s0 =	simm.s32 $0x1A00  }
.LBB2_1:
0x17: {  	s11 =	rddreg [dreg:$0x1];
	s12 =	simm.s32 $0x4200  }
0x18: {  	[tilespmem:s12], [sflag:$0x3] =	stream.linear.gather [hbm4b:s11+s5], $0x10, $0x38;
	[tilespmem:$0x1CA20] =	vst v63  }
0x19: {  	_ =	swait.ge [sflag:s23], $0x10  }
0x1a: {  	s21 =	simm.s32 $0x4210;
	[sflag:s23] =	ssyncset.done $0x0  }
0x1b: {  	s13 =	stileid.u32;
	s20 =	rddreg [dreg:$0x5];
	[sflag:s23] =	ssyncadd.s32 $0xFFFFFFF0  }
0x1c: {  	[tilespmem:s21], [sflag:$0x3] =	stream.linear.gather [hbm4b:s20+s5], $0x10, $0x38;
	[tilespmem:$0x1CA20] =	vst v63  }
0x1d: {  	s11 =	sshll.u32 s13, $0x6;
	_ =	swait.ge [sflag:s23], $0x10  }
0x1e: {  	s11 =	sor.u32 $0x1C03, s11;
	[sflag:s23] =	ssyncset.done $0x0;
	s14 =	rddreg [dreg:$0x6]  }
0x1f: {  	s13 =	rddreg [dreg:$0x7];
	[sflag:s23] =	ssyncadd.s32 $0xFFFFFFF0;
	s12 =	sshrl.u32 s14, $0x3  }
0x20: {  	[spmem:s12], [sflag:s11] =	dma.local [hbm:s13], $0x1880  }
0x21: {  	_ =	swait.ge [sflag:s23], $0x1880  }
0x22: {  	[sflag:s23] =	ssyncset.done $0x0;
	s14 =	rddreg [dreg:$0x8]  }
0x23: {  	[sflag:s23] =	ssyncadd.s32 $0xFFFFE780;
	s14 =	sshrl.u32 s14, $0x3  }
0x24: {  	[spmem:s14], [sflag:s11] =	dma.local [hbm:s13], $0x1880  }
0x25: {  	_ =	swait.ge [sflag:s23], $0x1880  }
0x26: {  	[sflag:s23] =	ssyncset.done $0x0  }
0x27: {  	[sflag:s23] =	ssyncadd.s32 $0xFFFFE780  }
0x28: {  	[bflag:$0x0] =	sbarrier.arrive $0xFFFF  }
0x29: {  	v0 =	vld [tilespmem:$0x4200];
	s15 =	rddreg [dreg:$0x9]  }
0x2a: {  	v1 =	vld [tilespmem:$0x4210];
	[tilespmem:s5], [sflag:$0x3] =	stream.linear.gather [hbm4b:s15+s5], $0x80, $0x38  }
0x2b: {  	_ =	swait.ge [sflag:s23], $0x80  }
0x2c: {  	[sflag:s23] =	ssyncset.done $0x0  }
0x2d: {  	s16 =	rddreg [dreg:$0xa];
	[sflag:s23] =	ssyncadd.s32 $0xFFFFFF80  }
0x2e: {  	[tilespmem:s25], [sflag:$0x3] =	stream.linear.gather [hbm4b:s16+s5], $0x80, $0x38;
	[tilespmem:$0x1CA20] =	vst v63  }
0x2f: {  	_ =	swait.ge [sflag:s23], $0x80  }
0x30: {  	[sflag:s23] =	ssyncset.done $0x0  }
0x31: {  	s19 =	simm.s32 $0x200;
	[sflag:s23] =	ssyncadd.s32 $0xFFFFFF80  }
0x32: {  	[tilespmem:s19], [sflag:$0x1] =	stream.indirect.gather [hbm4b:s8+s25], $0x10, s25, s25, $0xb8;
	[tilespmem:$0x1CA20] =	vst v63  }
0x33: {  	s20 =	simm.s32 $0xA00  }
0x34: {  	[tilespmem:s20], [sflag:$0x1] =	stream.indirect.gather [hbm4b:s9+s25], $0x10, s5, s25, $0xb8;
	[tilespmem:$0x1CA20] =	vst v63  }
0x35: {  	s21 =	simm.s32 $0x1200;
	s15 =	simm.s32 $0x0;
	v0 =	vmul.f32 v1, v0  }
0x36: {  	[tilespmem:s21], [sflag:$0x1] =	stream.indirect.gather [hbm4b:s10+s25], $0x10, s5, s25, $0xb8;
	[tilespmem:$0x1CA20] =	vst v63  }
.LBB2_2:
0x37: {  	s16 =	sshll.u32 s15, $0x8  }
0x38: {  	s13 =	sadd.s32 s16, s17  }
0x39: {  	s13 =	sshrl.u32 s13, $0x3  }
0x3a: {  	s20 =	simm.s32 $0x0;
	s19 =	sadd.s32 s6, s13  }
0x3b: {  	[tilespmem:s30], [sflag:$0x3] =	stream.linear.gather [hbm4b:s19+s20], $0x80, $0x38;
	[tilespmem:$0x1CA20] =	vst v63  }
0x3c: {  	_ =	swait.ge [sflag:s23], $0x80  }
0x3d: {  	[sflag:s23] =	ssyncset.done $0x0  }
0x3e: {  	s13 =	sadd.s32 s7, s13;
	[sflag:s23] =	ssyncadd.s32 $0xFFFFFF80  }
0x3f: {  	[tilespmem:s31], [sflag:$0x3] =	stream.linear.gather [hbm4b:s13+s20], $0x80, $0x38;
	[tilespmem:$0x1CA20] =	vst v63  }
0x40: {  	_ =	swait.ge [sflag:s23], $0x80  }
0x41: {  	[sflag:s23] =	ssyncset.done $0x0  }
0x42: {  	[sflag:s23] =	ssyncadd.s32 $0xFFFFFF80  }
0x43: {  	[tilespmem:s0], [sflag:$0x2] =	stream.indirect.gather [hbm4b:s8+s25], $0x10, s31, s25, $0xb8;
	[tilespmem:$0x1CA20] =	vst v63  }
0x44: {  	_ = 	snop  }
0x45: {  	[tilespmem:s1], [sflag:$0x2] =	stream.indirect.gather [hbm4b:s9+s25], $0x10, s30, s25, $0xb8;
	[tilespmem:$0x1CA20] =	vst v63  }
0x46: {  	_ = 	snop  }
0x47: {  	[tilespmem:s22], [sflag:$0x2] =	stream.indirect.gather [hbm4b:s10+s25], $0x10, s30, s25, $0xb8;
	[tilespmem:$0x1CA20] =	vst v63  }
0x48: {  	_ =	swait.ge [sflag:s24], $0x800  }
0x49: {  	[sflag:s24] =	ssyncset.done $0x0  }
0x4a: {  	[sflag:s24] =	ssyncadd.s32 $0xFFFFF800  }
0x4b: {  	_ =	swait.ge [sflag:s24], $0x800  }
0x4c: {  	[sflag:s24] =	ssyncset.done $0x0  }
0x4d: {  	[sflag:s24] =	ssyncadd.s32 $0xFFFFF800  }
0x4e: {  	_ =	swait.ge [sflag:s24], $0x800  }
0x4f: {  	[sflag:s24] =	ssyncset.done $0x0  }
0x50: {  	s20 =	simm.s32 $0x0;
	[sflag:s24] =	ssyncadd.s32 $0xFFFFF800  }
0x51: {  	v1 =	vld [tilespmem:s20+$0x230]  }
0x52: {  	v2 =	vld [tilespmem:s20+$0xA30];
	_ =	sdelay $0x2  }
0x53: {  	v3 =	vld [tilespmem:s20+$0x200]  }
0x54: {  	v5 =	vld [tilespmem:s20+$0xA00]  }
0x55: {  	v1 =	vmul.f32 v2, v1  }
0x56: {  	v6 =	vld [tilespmem:s20+$0x210]  }
0x57: {  	v7 =	vld [tilespmem:s20+$0xA10];
	v1 =	vsub.f32 v1, v0  }
0x58: {  	v8 =	vld [tilespmem:s20+$0x220]  }
0x59: {  	s19 =	simm.s32 $0x40;
	v9 =	vld [tilespmem:s20+$0xA20];
	v3 =	vmul.f32 v5, v3;
	v5 =	vmul.f32 $1.442695020e+00, v1  }
0x5a: {  	v10 =	vld [tilespmem:s19+$0x230]  }
0x5b: {  	v3 =	vsub.f32 v3, v0;
	(erf) = vpow2.f32 v5;
	v5 =	vld [tilespmem:s19+$0xA30]  }
0x5c: {  	v4 =	vld [tilespmem:s20+$0x1200];
	v6 =	vmul.f32 v7, v6  }
0x5d: {  	v11 =	vld [tilespmem:s19+$0x200];
	v3 =	vmul.f32 $1.442695020e+00, v3  }
0x5e: {  	v12 =	vld [tilespmem:s19+$0xA00];
	v9 =	vmul.f32 v9, v8;
	v6 =	vsub.f32 v6, v0  }
0x5f: {  	v13 =	vld [tilespmem:s19+$0x210];
	(erf) = vpow2.f32 v3  }
0x60: {  	v14 =	vld [tilespmem:s19+$0xA10];
	v9 =	vsub.f32 v9, v0;
	v5 =	vmul.f32 v5, v10;
	v10 =	vmul.f32 $1.442695020e+00, v6  }
0x61: {  	v2 =	vld [tilespmem:s20+$0x1210]  }
0x62: {  	v9 =	vmul.f32 $1.442695020e+00, v9;
	v3 =	vld [tilespmem:s20+$0x1230];
	(erf) = vpow2.f32 v10  }
0x63: {  	v7 =	vld [tilespmem:s19+$0x220]  }
0x64: {  	v8 =	vld [tilespmem:s19+$0xA20];
	(erf) = vpow2.f32 v9  }
0x65: {  	v11 =	vmul.f32 v12, v11;
	v1 =	vld [tilespmem:s20+$0x1220];
	v12 =	vsub.f32 v5, v0  }
0x66: {  	v6 =	vld [tilespmem:s19+$0x1200];
	v15 =	vpop (erf)  }
0x67: {  	v5 =	vld [tilespmem:s19+$0x1210];
	v10 =	vsub.f32 v11, v0;
	v16 =	vmul.f32 $1.442695020e+00, v12;
	[tilespmem:s20+$0x3230] =	vst v15;
	v15 =	vmul.f32 v15, v3  }
0x68: {  	s21 =	simm.s32 $0x80;
	v11 =	vmul.f32 v14, v13;
	v3 =	vld [tilespmem:s19+$0x1220]  }
0x69: {  	s13 =	simm.s32 $0x300;
	v10 =	vmul.f32 $1.442695020e+00, v10;
	v9 =	vld [tilespmem:s21+$0x230];
	v12 =	vpop (erf);
	(erf) = vpow2.f32 v16;
	[tilespmem:s20+$0x3A30] =	vst v15  }
.LBB2_3:
0x6a: {  	p0 =	sne.s32 s13, $0x1F00;
	v13 =	vld [tilespmem:s21+$0xA30];
	v11 =	vsub.f32 v11, v0;
	v7 =	vmul.f32 v8, v7;
	[tilespmem:s20+$0x3200] =	vst v12;
	v8 =	vmul.f32 v12, v4  }
0x6b: {  	v12 =	vld [tilespmem:s21+$0x200];
	(erf) = vpow2.f32 v10;
	v10 =	vpop (erf);
	v4 =	vmov v6  }
0x6c: {  	v6 =	vld [tilespmem:s21+$0xA00];
	v11 =	vmul.f32 $1.442695020e+00, v11;
	v7 =	vsub.f32 v7, v0;
	[tilespmem:s20+$0x3A00] =	vst v8;
	v8 =	vmul.f32 v10, v2;
	v2 =	vmovc v5  }
0x6d: {  	v14 =	vld [tilespmem:s21+$0x210];
	[tilespmem:s20+$0x3210] =	vst v10;
	v5 =	vpop (erf)  }
0x6e: {  	v10 =	vmul.f32 $1.442695020e+00, v7;
	v15 =	vld [tilespmem:s19+$0x1230];
	(erf) = vpow2.f32 v11;
	[tilespmem:s20+$0x3A10] =	vst v8  }
0x6f: {  	v11 =	vld [tilespmem:s21+$0xA10];
	v9 =	vmul.f32 v13, v9;
	[tilespmem:s20+$0x3220] =	vst v5;
	v5 =	vmul.f32 v5, v1;
	v1 =	vmov v3  }
0x70: {  	v7 =	vld [tilespmem:s21+$0x220];
	(erf) = vpow2.f32 v10  }
.Ltmp0:
0x71: {  	v3 =	vmul.f32 v6, v12;
	v8 =	vld [tilespmem:s21+$0xA20];
	v9 =	vsub.f32 v9, v0;
	[tilespmem:s20+$0x3A20] =	vst v5;
	s20 =	smov.u32 s19;
	s19 =	smov.u32 s21;
	(pc) =	sbr.rel @p0 .LBB2_3-.Ltmp0, $4  }
0x72: {  	v6 =	vld [tilespmem:s19+$0x1200];
	v10 =	vpop (erf)  }
0x73: {  	v13 =	vsub.f32 v3, v0;
	v5 =	vld [tilespmem:s19+$0x1210];
	v16 =	vmul.f32 $1.442695020e+00, v9;
	[tilespmem:s20+$0x3230] =	vst v10;
	v15 =	vmul.f32 v10, v15  }
0x74: {  	s21 =	sshra.s32 s13, $0x2;
	v11 =	vmul.f32 v11, v14;
	v3 =	vld [tilespmem:s19+$0x1220];
	v12 =	vpop (erf)  }
0x75: {  	s13 =	sadd.s32 $0x100, s13;
	v9 =	vld [tilespmem:s21+$0x230];
	v10 =	vmul.f32 $1.442695020e+00, v13;
	(erf) = vpow2.f32 v16;
	[tilespmem:s20+$0x3A30] =	vst v15  }
0x76: {  	v4 =	vmul.f32 v12, v4;
	_ =	sdelay $0x1  }
0x77: {  	v13 =	vld [tilespmem:s21+$0xA30];
	[tilespmem:s20+$0x3200] =	vst v12  }
0x78: {  	v12 =	vld [tilespmem:s21+$0x200]  }
0x79: {  	v14 =	vld [tilespmem:s21+$0xA00];
	[tilespmem:s20+$0x3A00] =	vst v4;
	v4 =	vpop (erf)  }
0x7a: {  	v2 =	vmul.f32 v4, v2;
	_ =	sdelay $0x1  }
0x7b: {  	v11 =	vsub.f32 v11, v0  }
0x7c: {  	v15 =	vld [tilespmem:s21+$0x210];
	(erf) = vpow2.f32 v10;
	[tilespmem:s20+$0x3210] =	vst v4  }
0x7d: {  	v4 =	vmul.f32 v8, v7;
	v8 =	vmul.f32 $1.442695020e+00, v11;
	v7 =	vld [tilespmem:s19+$0x1230];
	[tilespmem:s20+$0x3A10] =	vst v2;
	v2 =	vpop (erf)  }
0x7e: {  	v10 =	vld [tilespmem:s21+$0xA10];
	[tilespmem:s20+$0x3220] =	vst v2  }
0x7f: {  	v4 =	vsub.f32 v4, v0;
	(erf) = vpow2.f32 v8;
	v1 =	vmul.f32 v2, v1;
	v2 =	vld [tilespmem:s21+$0x220]  }
0x80: {  	v8 =	vmul.f32 v13, v9;
	v9 =	vmul.f32 v14, v12;
	v11 =	vld [tilespmem:s21+$0xA20]  }
0x81: {  	v4 =	vmul.f32 $1.442695020e+00, v4  }
0x82: {  	v8 =	vsub.f32 v8, v0  }
0x83: {  	(erf) = vpow2.f32 v4  }
0x84: {  	v4 =	vsub.f32 v9, v0;
	v9 =	vpop (erf);
	v8 =	vmul.f32 $1.442695020e+00, v8;
	[tilespmem:s20+$0x3A20] =	vst v1;
	v10 =	vmul.f32 v10, v15  }
0x85: {  	v7 =	vmul.f32 v9, v7;
	v1 =	vld [tilespmem:s21+$0x1200];
	v2 =	vmul.f32 v11, v2  }
0x86: {  	v12 =	vld [tilespmem:s21+$0x1210];
	[tilespmem:s19+$0x3230] =	vst v9;
	v4 =	vmul.f32 $1.442695020e+00, v4;
	v13 =	vpop (erf);
	(erf) = vpow2.f32 v8;
	v8 =	vsub.f32 v10, v0  }
0x87: {  	v9 =	vld [tilespmem:s21+$0x1220];
	[tilespmem:s19+$0x3A30] =	vst v7;
	v6 =	vmul.f32 v13, v6;
	v2 =	vsub.f32 v2, v0  }
0x88: {  	[tilespmem:s19+$0x3200] =	vst v13;
	(erf) = vpow2.f32 v4;
	v4 =	vmul.f32 $1.442695020e+00, v8  }
0x89: {  	v7 =	vpop (erf);
	[tilespmem:s19+$0x3A00] =	vst v6;
	v2 =	vmul.f32 $1.442695020e+00, v2  }
0x8a: {  	[tilespmem:s19+$0x3210] =	vst v7;
	(erf) = vpow2.f32 v4  }
0x8b: {  	v4 =	vld [tilespmem:s21+$0x1230]  }
0x8c: {  	v5 =	vmul.f32 v7, v5;
	(erf) = vpow2.f32 v2  }
0x8d: {  	v2 =	vpop (erf)  }
0x8e: {  	[tilespmem:s19+$0x3A10] =	vst v5;
	v3 =	vmul.f32 v2, v3  }
0x8f: {  	[tilespmem:s19+$0x3220] =	vst v2;
	v2 =	vpop (erf)  }
0x90: {  	[tilespmem:s19+$0x3A20] =	vst v3;
	v3 =	vmul.f32 v2, v4  }
0x91: {  	[tilespmem:s21+$0x3230] =	vst v2;
	v2 =	vpop (erf)  }
0x92: {  	[tilespmem:s21+$0x3A30] =	vst v3;
	v1 =	vmul.f32 v2, v1  }
0x93: {  	[tilespmem:s21+$0x3200] =	vst v2;
	v2 =	vpop (erf)  }
0x94: {  	[tilespmem:s21+$0x3A00] =	vst v1;
	v1 =	vmul.f32 v2, v12  }
0x95: {  	[tilespmem:s21+$0x3210] =	vst v2;
	v2 =	vpop (erf)  }
0x96: {  	[tilespmem:s21+$0x3A10] =	vst v1;
	v1 =	vmul.f32 v2, v9  }
0x97: {  	[tilespmem:s21+$0x3220] =	vst v2  }
0x98: {  	[tilespmem:s21+$0x3A20] =	vst v1  }
0x99: {  	[spmem:s2] =	stream.indirect.scatter.add.f32 [tilespmem:s26], [sflag:$0x3], $0x10, s25, s25, $0xb8;
	[tilespmem:$0x1CA20] =	vst v63  }
0x9a: {  	_ =	swait.ge [sflag:s23], $0x800  }
0x9b: {  	[sflag:s23] =	ssyncset.done $0x0  }
0x9c: {  	p0 =	seq.s32 s15, $0x61;
	[sflag:s23] =	ssyncadd.s32 $0xFFFFF800  }
0x9d: {  	[spmem:s3] =	stream.indirect.scatter.add.f32 [tilespmem:s28], [sflag:$0x3], $0x10, s25, s25, $0xb8;
	[tilespmem:$0x1CA20] =	vst v63  }
0x9e: {  	s13 =	sadd.s32 @!p0 s16, s18;
	_ =	swait.ge [sflag:s23], $0x800  }
0x9f: {  	s13 =	sshrl.u32 @!p0 s13, $0x3;
	[sflag:s23] =	ssyncset.done $0x0  }
0xa0: {  	s16 =	sadd.s32 @!p0 s6, s13;
	s19 =	simm.s32 @!p0 $0x0;
	[sflag:s23] =	ssyncadd.s32 $0xFFFFF800  }
0xa1: {  	[tilespmem:s19], [sflag:$0x3] =	stream.linear.gather @!p0 [hbm4b:s16+s19], $0x80, $0x38;
	[tilespmem:$0x1CA20] =	vst v63  }
0xa2: {  	s16 =	simm.s32 @!p0 $0x3  }
0xa3: {  	_ =	swait.ge @!p0 [sflag:s16], $0x80  }
0xa4: {  	[sflag:s16] =	ssyncset.done @!p0 $0x0  }
0xa5: {  	s13 =	sadd.s32 @!p0 s7, s13;
	s20 =	simm.s32 @!p0 $0x80;
	[sflag:s16] =	ssyncadd.s32 @!p0 $0xFFFFFF80  }
0xa6: {  	[tilespmem:s20], [sflag:$0x3] =	stream.linear.gather @!p0 [hbm4b:s13+s19], $0x80, $0x38;
	[tilespmem:$0x1CA20] =	vst v63  }
0xa7: {  	_ =	swait.ge @!p0 [sflag:s16], $0x80  }
0xa8: {  	[sflag:s16] =	ssyncset.done @!p0 $0x0  }
0xa9: {  	s13 =	simm.s32 @!p0 $0x200;
	[sflag:s16] =	ssyncadd.s32 @!p0 $0xFFFFFF80  }
0xaa: {  	[tilespmem:s13], [sflag:$0x1] =	stream.indirect.gather @!p0 [hbm4b:s8+s20], $0x10, s20, s20, $0xb8;
	[tilespmem:$0x1CA20] =	vst v63  }
0xab: {  	s13 =	simm.s32 @!p0 $0xA00  }
0xac: {  	[tilespmem:s13], [sflag:$0x1] =	stream.indirect.gather @!p0 [hbm4b:s9+s20], $0x10, s19, s20, $0xb8;
	[tilespmem:$0x1CA20] =	vst v63  }
0xad: {  	s13 =	simm.s32 @!p0 $0x1200  }
0xae: {  	[tilespmem:s13], [sflag:$0x1] =	stream.indirect.gather @!p0 [hbm4b:s10+s20], $0x10, s19, s20, $0xb8;
	[tilespmem:$0x1CA20] =	vst v63  }
0xaf: {  	_ =	swait.ge [sflag:s29], $0x800  }
0xb0: {  	[sflag:s29] =	ssyncset.done $0x0  }
0xb1: {  	[sflag:s29] =	ssyncadd.s32 $0xFFFFF800  }
0xb2: {  	_ =	swait.ge [sflag:s29], $0x800  }
0xb3: {  	[sflag:s29] =	ssyncset.done $0x0  }
0xb4: {  	[sflag:s29] =	ssyncadd.s32 $0xFFFFF800  }
0xb5: {  	_ =	swait.ge [sflag:s29], $0x800  }
0xb6: {  	[sflag:s29] =	ssyncset.done $0x0  }
0xb7: {  	s19 =	simm.s32 $0x0;
	[sflag:s29] =	ssyncadd.s32 $0xFFFFF800  }
0xb8: {  	v1 =	vld [tilespmem:s19+$0x1A30]  }
0xb9: {  	v2 =	vld [tilespmem:s19+$0x2230];
	_ =	sdelay $0x2  }
0xba: {  	v3 =	vld [tilespmem:s19+$0x1A00]  }
0xbb: {  	v5 =	vld [tilespmem:s19+$0x2200]  }
0xbc: {  	v1 =	vmul.f32 v2, v1;
	_ =	sdelay $0x1  }
0xbd: {  	v1 =	vsub.f32 v1, v0  }
0xbe: {  	v6 =	vld [tilespmem:s19+$0x1A10]  }
0xbf: {  	v7 =	vld [tilespmem:s19+$0x2210];
	v3 =	vmul.f32 v5, v3;
	v5 =	vmul.f32 $1.442695020e+00, v1  }
0xc0: {  	v8 =	vld [tilespmem:s19+$0x1A20]  }
0xc1: {  	s16 =	simm.s32 $0x40;
	v9 =	vld [tilespmem:s19+$0x2220];
	(erf) = vpow2.f32 v5  }
0xc2: {  	v10 =	vld [tilespmem:s16+$0x1A30]  }
0xc3: {  	v3 =	vsub.f32 v3, v0;
	v5 =	vld [tilespmem:s16+$0x2230]  }
0xc4: {  	v4 =	vld [tilespmem:s19+$0x2A00];
	v6 =	vmul.f32 v7, v6  }
0xc5: {  	v11 =	vld [tilespmem:s16+$0x1A00];
	v3 =	vmul.f32 $1.442695020e+00, v3  }
0xc6: {  	v12 =	vld [tilespmem:s16+$0x2200];
	v9 =	vmul.f32 v9, v8;
	v6 =	vsub.f32 v6, v0  }
0xc7: {  	v13 =	vld [tilespmem:s16+$0x1A10];
	(erf) = vpow2.f32 v3  }
0xc8: {  	v14 =	vld [tilespmem:s16+$0x2210];
	v9 =	vsub.f32 v9, v0;
	v5 =	vmul.f32 v5, v10;
	v10 =	vmul.f32 $1.442695020e+00, v6  }
0xc9: {  	v2 =	vld [tilespmem:s19+$0x2A10]  }
0xca: {  	v9 =	vmul.f32 $1.442695020e+00, v9;
	v3 =	vld [tilespmem:s19+$0x2A30];
	v15 =	vpop (erf);
	(erf) = vpow2.f32 v10  }
0xcb: {  	v7 =	vld [tilespmem:s16+$0x1A20]  }
0xcc: {  	v8 =	vld [tilespmem:s16+$0x2220];
	(erf) = vpow2.f32 v9  }
0xcd: {  	v11 =	vmul.f32 v12, v11;
	v1 =	vld [tilespmem:s19+$0x2A20];
	v12 =	vsub.f32 v5, v0  }
0xce: {  	v6 =	vld [tilespmem:s16+$0x2A00]  }
0xcf: {  	v11 =	vsub.f32 v11, v0;
	v5 =	vld [tilespmem:s16+$0x2A10];
	v16 =	vmul.f32 $1.442695020e+00, v12;
	[tilespmem:s19+$0x3230] =	vst v15;
	v15 =	vmul.f32 v15, v3  }
0xd0: {  	s20 =	simm.s32 $0x80;
	v10 =	vmul.f32 v14, v13;
	v3 =	vld [tilespmem:s16+$0x2A20]  }
0xd1: {  	s13 =	simm.s32 $0x300;
	v11 =	vmul.f32 $1.442695020e+00, v11;
	v9 =	vld [tilespmem:s20+$0x1A30];
	v12 =	vpop (erf);
	(erf) = vpow2.f32 v16;
	[tilespmem:s19+$0x3A30] =	vst v15  }
.LBB2_5:
0xd2: {  	p0 =	sne.s32 s13, $0x1F00;
	v13 =	vld [tilespmem:s20+$0x2230];
	v10 =	vsub.f32 v10, v0;
	v7 =	vmul.f32 v8, v7;
	[tilespmem:s19+$0x3200] =	vst v12;
	v8 =	vmul.f32 v12, v4  }
0xd3: {  	v12 =	vld [tilespmem:s20+$0x1A00];
	(erf) = vpow2.f32 v11;
	v11 =	vpop (erf);
	v4 =	vmov v6  }
0xd4: {  	v6 =	vld [tilespmem:s20+$0x2200];
	v10 =	vmul.f32 $1.442695020e+00, v10;
	v7 =	vsub.f32 v7, v0;
	[tilespmem:s19+$0x3A00] =	vst v8;
	v8 =	vmul.f32 v11, v2;
	v2 =	vmovc v5  }
0xd5: {  	v14 =	vld [tilespmem:s20+$0x1A10];
	[tilespmem:s19+$0x3210] =	vst v11;
	v5 =	vpop (erf)  }
0xd6: {  	v11 =	vmul.f32 $1.442695020e+00, v7;
	v15 =	vld [tilespmem:s16+$0x2A30];
	(erf) = vpow2.f32 v10;
	[tilespmem:s19+$0x3A10] =	vst v8  }
0xd7: {  	v10 =	vld [tilespmem:s20+$0x2210];
	v9 =	vmul.f32 v13, v9;
	[tilespmem:s19+$0x3220] =	vst v5;
	v5 =	vmul.f32 v5, v1;
	v1 =	vmov v3  }
0xd8: {  	v7 =	vld [tilespmem:s20+$0x1A20];
	(erf) = vpow2.f32 v11  }
.Ltmp1:
0xd9: {  	v3 =	vmul.f32 v6, v12;
	v8 =	vld [tilespmem:s20+$0x2220];
	v9 =	vsub.f32 v9, v0;
	[tilespmem:s19+$0x3A20] =	vst v5;
	s19 =	smov.u32 s16;
	s16 =	smov.u32 s20;
	(pc) =	sbr.rel @p0 .LBB2_5-.Ltmp1, $4  }
0xda: {  	v6 =	vld [tilespmem:s16+$0x2A00];
	v11 =	vpop (erf)  }
0xdb: {  	v13 =	vsub.f32 v3, v0;
	v5 =	vld [tilespmem:s16+$0x2A10];
	v16 =	vmul.f32 $1.442695020e+00, v9;
	[tilespmem:s19+$0x3230] =	vst v11;
	v15 =	vmul.f32 v11, v15  }
0xdc: {  	s20 =	sshra.s32 s13, $0x2;
	v10 =	vmul.f32 v10, v14;
	v3 =	vld [tilespmem:s16+$0x2A20];
	v12 =	vpop (erf)  }
0xdd: {  	s13 =	sadd.s32 $0x100, s13;
	v9 =	vld [tilespmem:s20+$0x1A30];
	v11 =	vmul.f32 $1.442695020e+00, v13;
	(erf) = vpow2.f32 v16;
	[tilespmem:s19+$0x3A30] =	vst v15  }
0xde: {  	_ = 	snop  }
0xdf: {  	v49 =	vpop (erf)  }
0xe0: {  	v13 =	vld [tilespmem:s20+$0x2230];
	[tilespmem:s19+$0x3200] =	vst v12;
	v4 =	vmul.f32 v12, v4;
	v2 =	vmul.f32 v49, v2  }
0xe1: {  	v48 =	vld [tilespmem:s20+$0x1A00]  }
0xe2: {  	v14 =	vld [tilespmem:s20+$0x2200];
	[tilespmem:s19+$0x3A00] =	vst v4  }
0xe3: {  	v50 =	vsub.f32 v10, v0;
	v15 =	vld [tilespmem:s20+$0x1A10];
	[tilespmem:s19+$0x3210] =	vst v49  }
0xe4: {  	v7 =	vmul.f32 v8, v7;
	(erf) = vpow2.f32 v11;
	v51 =	vld [tilespmem:s16+$0x2A30];
	[tilespmem:s19+$0x3A10] =	vst v2;
	v2 =	vpop (erf)  }
0xe5: {  	v4 =	vmul.f32 $1.442695020e+00, v50;
	v52 =	vld [tilespmem:s20+$0x2210];
	[tilespmem:s19+$0x3220] =	vst v2  }
0xe6: {  	v7 =	vsub.f32 v7, v0;
	v1 =	vmul.f32 v2, v1;
	v2 =	vld [tilespmem:s20+$0x1A20]  }
0xe7: {  	(erf) = vpow2.f32 v4;
	v53 =	vmul.f32 v13, v9;
	v55 =	vld [tilespmem:s20+$0x2220]  }
0xe8: {  	v7 =	vmul.f32 $1.442695020e+00, v7  }
0xe9: {  	v54 =	vmul.f32 v14, v48;
	v4 =	vsub.f32 v53, v0  }
0xea: {  	(erf) = vpow2.f32 v7  }
0xeb: {  	v56 =	vsub.f32 v54, v0;
	v57 =	vpop (erf);
	[tilespmem:s19+$0x3A20] =	vst v1;
	v4 =	vmul.f32 $1.442695020e+00, v4;
	v10 =	vmul.f32 v52, v15  }
0xec: {  	v8 =	vmul.f32 v57, v51;
	v1 =	vld [tilespmem:s20+$0x2A00];
	v2 =	vmul.f32 v55, v2  }
0xed: {  	v58 =	vld [tilespmem:s20+$0x2A10];
	[tilespmem:s16+$0x3230] =	vst v57;
	v7 =	vmul.f32 $1.442695020e+00, v56;
	v60 =	vpop (erf);
	(erf) = vpow2.f32 v4;
	v61 =	vsub.f32 v10, v0  }
0xee: {  	v59 =	vld [tilespmem:s20+$0x2A20];
	[tilespmem:s16+$0x3A30] =	vst v8;
	v6 =	vmul.f32 v60, v6;
	v2 =	vsub.f32 v2, v0  }
0xef: {  	[tilespmem:s16+$0x3200] =	vst v60;
	(erf) = vpow2.f32 v7;
	v4 =	vmul.f32 $1.442695020e+00, v61  }
0xf0: {  	v62 =	vpop (erf);
	[tilespmem:s16+$0x3A00] =	vst v6;
	v2 =	vmul.f32 $1.442695020e+00, v2  }
0xf1: {  	[tilespmem:s16+$0x3210] =	vst v62;
	(erf) = vpow2.f32 v4  }
0xf2: {  	v63 =	vld [tilespmem:s20+$0x2A30]  }
0xf3: {  	v5 =	vmul.f32 v62, v5;
	(erf) = vpow2.f32 v2  }
0xf4: {  	v2 =	vpop (erf)  }
0xf5: {  	[tilespmem:s16+$0x3A10] =	vst v5;
	v3 =	vmul.f32 v2, v3  }
0xf6: {  	[tilespmem:s16+$0x3220] =	vst v2;
	v2 =	vpop (erf)  }
0xf7: {  	[tilespmem:s16+$0x3A20] =	vst v3;
	v3 =	vmul.f32 v2, v63  }
0xf8: {  	[tilespmem:s20+$0x3230] =	vst v2;
	v2 =	vpop (erf)  }
0xf9: {  	[tilespmem:s20+$0x3A30] =	vst v3;
	v1 =	vmul.f32 v2, v1  }
0xfa: {  	[tilespmem:s20+$0x3200] =	vst v2;
	v2 =	vpop (erf)  }
0xfb: {  	[tilespmem:s20+$0x3A00] =	vst v1;
	v1 =	vmul.f32 v2, v58  }
0xfc: {  	[tilespmem:s20+$0x3210] =	vst v2;
	v2 =	vpop (erf)  }
0xfd: {  	[tilespmem:s20+$0x3A10] =	vst v1;
	v1 =	vmul.f32 v2, v59  }
0xfe: {  	[tilespmem:s20+$0x3220] =	vst v2  }
0xff: {  	[tilespmem:s20+$0x3A20] =	vst v1  }
0x100: {  	[spmem:s2] =	stream.indirect.scatter.add.f32 [tilespmem:s26], [sflag:$0x3], $0x10, s31, s25, $0xb8;
	[tilespmem:$0x1CA20] =	vst v63  }
0x101: {  	s15 =	sadd.s32 $0x1, s15;
	_ =	swait.ge [sflag:s23], $0x800  }
0x102: {  	p0 =	sne.s32 s15, $0x62;
	[sflag:s23] =	ssyncset.done $0x0  }
.Ltmp2:
0x103: {  	[sflag:s23] =	ssyncadd.s32 $0xFFFFF800;
	(pc) =	sbr.rel @p0 .LBB2_2-.Ltmp2, $4  }
0x104: {  	[spmem:s3] =	stream.indirect.scatter.add.f32 [tilespmem:s28], [sflag:$0x3], $0x10, s31, s25, $0xb8;
	[tilespmem:$0x1CA20] =	vst v63  }
0x105: {  	_ =	swait.ge [sflag:s23], $0x800  }
0x106: {  	[sflag:s23] =	ssyncset.done $0x0  }
0x107: {  	[sflag:s23] =	ssyncadd.s32 $0xFFFFF800  }
0x108: {  	[bflag:$0x0] =	sbarrier.arrive $0xFFFF  }
0x109: {  	s13 =	rddreg [dreg:$0xb]  }
0x10a: {  	[hbm:s13], [sflag:s11] =	dma.local [spmem:s12], $0x1880  }
0x10b: {  	_ =	swait.ge [sflag:s23], $0x1880  }
0x10c: {  	[sflag:s23] =	ssyncset.done $0x0  }
0x10d: {  	s20 =	rddreg [dreg:$0xc];
	[sflag:s23] =	ssyncadd.s32 $0xFFFFE780  }
0x10e: {  	[hbm:s20], [sflag:s11] =	dma.local [spmem:s14], $0x1880  }
0x10f: {  	_ =	swait.ge [sflag:s23], $0x1880  }
0x110: {  	s4 =	sadd.s32 $0x1, s4;
	s21 =	rddreg [dreg:$0xd]  }
0x111: {  	p0 =	sne.s32 s4, s21  }
.Ltmp3:
0x112: {  	_ = 	snop;
	(pc) =	sbr.rel @p0 .LBB2_1-.Ltmp3, $3  }
0x113: {  	_ =	sdelay $0x1  }
0x114: {  	[sflag:s23] =	ssyncset.done $0x0  }
0x115: {  	[sflag:s23] =	ssyncadd.s32 $0xFFFFE780  }
0x116: {  	_ =	sfence.sel $0x180000  }
0x117: {  	[bflag:$0x0] =	sbarrier.arrive $0xFFFF  }
0x118: {  	_ =	strace $0x90000050  }
0x119: {  	s0 =	stileid.u32;
	[bflag:$0x2] =	sbarrier.arrive $0xFFFF  }
0x11a: {  	p0 =	sne.s32 s0, $0x0;
	s0 =	rddreg [dreg:$0x4]  }
0x11b: {  	s0 =	sadd.s32 @!p0 $0x100000, s0  }
0x11c: {  	[sflag:s0] =	ssyncadd.tile.s32 @!p0 $0x1;
	_ =	shalt  }
.Lfunc_end2:
_tile_overlayer_lowered:
.L_overlay_start_2:
0x11d: {  	(tag) =	ssettag $0x2  }
0x11e: {  	s0 =	rddreg [dreg:$0x0];
	s2 =	stileid.u32  }
0x11f: {  	s1 =	rddreg [dreg:$0x1];
	p0 =	sne.s32 s2, $0x0  }
0x120: {  	s3 =	rddreg [dreg:$0x2];
	[bflag:$0x3] =	sbarrier.arrive $0xFFFF;
	s2 =	simm.s32 @!p0 $0x1C03  }
0x121: {  	[timem:s3], [sflag:s2] =	dma.local @!p0 [hbm:s0], s1  }
0x122: {  	s0 =	simm.s32 @!p0 $0x3  }
0x123: {  	_ =	swait.ge @!p0 [sflag:s0], s1  }
0x124: {  	s1 =	ssub.s32 @!p0 $0x0, s1;
	[sflag:s0] =	ssyncset.done @!p0 $0x0  }
0x125: {  	[sflag:s0] =	ssyncadd.s32 @!p0 s1  }
0x126: {  	[bflag:$0x3] =	sbarrier.arrive $0xFFFF  }
0x127: {  	_ =	shalt  }

</sc_bundles>
